<compile_context>
chip_gen: v7x
topology: tpu7x:2x2x1
jax: 0.10.2.dev20260603
libtpu: 0.0.44.dev20260713+nightly
codegen_flags: <defaults>
</compile_context>

<pallas_src>
import jax
import jax.numpy as jnp
from jax import lax
from jax.experimental import pallas as pl
from jax.experimental.pallas import tpu as pltpu
from jax.experimental.pallas import tpu_sc as plsc

_E = 320000
_D = 128
_NC = 2
_NS = 16
_NW = _NC * _NS
_EPW = _E // _NW
_G = 80
_C = 160
_NCH = 62
_TAIL = _NCH * _C
_TP = 17
_V = 10000


def _tree_sum(vals):
    vals = list(vals)
    while len(vals) > 1:
        vals = [vals[i] + vals[i + 1] for i in range(0, len(vals) - 1, 2)] + (
            [vals[-1]] if len(vals) % 2 else [])
    return vals[0]


def _sc_body(z_hbm, row_hbm, col_hbm, out_hbm,
             z_sp, idx_r, idx_c, a0, b0, a1, b1, t, o,
             sem_a0, sem_b0, sem_a1, sem_b1):
    sid = lax.axis_index("s")
    wid = sid * _NC + lax.axis_index("c")
    base = wid * _EPW

    vpw = _V // _NS
    pltpu.sync_copy(z_hbm.at[pl.ds(sid * vpw, vpw)],
                    z_sp.at[pl.ds(sid * vpw, vpw)])
    pltpu.sync_copy(row_hbm.at[pl.ds(base, _EPW)], idx_r)
    pltpu.sync_copy(col_hbm.at[pl.ds(base, _EPW)], idx_c)
    plsc.subcore_barrier()

    lanes = lax.iota(jnp.int32, 16)
    tcols = [lanes * _TP + i for i in range(16)]

    def start(off, a, b, sa, sb, n=_C):
        for h in range(n // _G):
            sl = pl.ds(off + h * _G, _G)
            dl = pl.ds(h * _G, _G)
            pltpu.async_copy(z_sp.at[idx_r.at[sl]], a.at[dl], sa)
            pltpu.async_copy(z_sp.at[idx_c.at[sl]], b.at[dl], sb)

    def wait(a, b, sa, sb, n=_C):
        for h in range(n // _G):
            dl = pl.ds(h * _G, _G)
            pltpu.make_async_copy(z_sp.at[idx_r.at[pl.ds(0, _G)]],
                                  a.at[dl], sa).wait()
            pltpu.make_async_copy(z_sp.at[idx_c.at[pl.ds(0, _G)]],
                                  b.at[dl], sb).wait()

    hi_mask = jnp.full((16,), -65536, jnp.int32)

    def compute(off, a, b, n=_C):

        @plsc.parallel_loop(0, n, unroll=4)
        def edge(e):
            prods = []
            for k in range(_D // 32):
                p = plsc.bitcast(
                    a[e, 32 * k:32 * (k + 1)] * b[e, 32 * k:32 * (k + 1)],
                    jnp.int32)
                prods.append(
                    plsc.bitcast(lax.shift_left(p, 16), jnp.float32))
                prods.append(
                    plsc.bitcast(lax.bitwise_and(p, hi_mask), jnp.float32))
            t[pl.ds(_TP * e, 16)] = _tree_sum(prods)

        @plsc.parallel_loop(0, n // 16)
        def group(g):
            gbase = g * 16
            tb = g * (16 * _TP)
            cols = [plsc.load_gather(t, [tcols[i] + tb]) for i in range(16)]
            s = _tree_sum(cols)
            o[pl.ds(off + gbase, 16)] = 1.0 / (1.0 + jnp.exp(-s))

    start(0, a0, b0, sem_a0, sem_b0)

    def body2(tt, carry):
        c0 = tt * 2
        start((c0 + 1) * _C, a1, b1, sem_a1, sem_b1)
        wait(a0, b0, sem_a0, sem_b0)
        compute(c0 * _C, a0, b0)
        start((c0 + 2) * _C, a0, b0, sem_a0, sem_b0)
        wait(a1, b1, sem_a1, sem_b1)
        compute((c0 + 1) * _C, a1, b1)
        return carry

    lax.fori_loop(0, (_NCH - 2) // 2, body2, 0)
    start((_NCH - 1) * _C, a1, b1, sem_a1, sem_b1)
    wait(a0, b0, sem_a0, sem_b0)
    compute((_NCH - 2) * _C, a0, b0)
    start(_TAIL, a0, b0, sem_a0, sem_b0, n=_G)
    wait(a1, b1, sem_a1, sem_b1)
    compute((_NCH - 1) * _C, a1, b1)
    wait(a0, b0, sem_a0, sem_b0, n=_G)
    compute(_TAIL, a0, b0, n=_G)
    pltpu.sync_copy(o, out_hbm.at[pl.ds(base, _EPW)])


def kernel(z, edge_index):
    ei = edge_index.astype(jnp.int32)
    row = ei[0]
    col = ei[1]
    z = z.astype(jnp.bfloat16)
    mesh = plsc.VectorSubcoreMesh(core_axis_name="c", subcore_axis_name="s")
    f = pl.kernel(
        _sc_body,
        mesh=mesh,
        out_type=jax.ShapeDtypeStruct((_E,), jnp.float32),
        scratch_types=[
            pltpu.VMEM_SHARED((_V, _D), jnp.bfloat16),
            pltpu.VMEM((_EPW,), jnp.int32),
            pltpu.VMEM((_EPW,), jnp.int32),
            pltpu.VMEM((_C, _D), jnp.bfloat16),
            pltpu.VMEM((_C, _D), jnp.bfloat16),
            pltpu.VMEM((_C, _D), jnp.bfloat16),
            pltpu.VMEM((_C, _D), jnp.bfloat16),
            pltpu.VMEM((_C * _TP,), jnp.float32),
            pltpu.VMEM((_EPW,), jnp.float32),
            pltpu.SemaphoreType.DMA,
            pltpu.SemaphoreType.DMA,
            pltpu.SemaphoreType.DMA,
            pltpu.SemaphoreType.DMA,
        ],
        compiler_params=pltpu.CompilerParams(
            use_tc_tiling_on_sc=False, needs_layout_passes=False),
    )
    return f(z, row, col)

# --- scband reference (transcript-rebuilt; emitter-appended) ---
"""Pipeline reference for scband-inner-product-decoder-13262859010450 (READ-ONLY COPY).

The authoritative reference and input builder live on the scoring server;
editing this copy changes nothing except your own understanding.
"""

import jax, jax.numpy as jnp
import numpy as np


def setup_inputs(seed: int = 0) -> dict:
    key = jax.random.key(seed)
    k1, k2 = jax.random.split(key)
    z = jax.random.normal(k1, (10000, 128), dtype=jnp.float32)
    edge_index = jax.random.randint(k2, (2, 320000), 0, 10000, dtype=jnp.int64)
    return {"z": z, "edge_index": edge_index}


def reference(z, edge_index):
    row = edge_index[0]
    col = edge_index[1]
    inner_product = jnp.sum(jnp.take(z, row, axis=0) * jnp.take(z, col, axis=0), axis=1)
    return jax.nn.sigmoid(inner_product)

if __name__ == "__main__":
    import jax
    _d = setup_inputs()
    print(jax.jit(kernel)(*tuple(_d.values())))

</pallas_src>

<mosaic_0001>
#map = affine_map<(d0, d1) -> (0, 0)>
#map1 = affine_map<(d0, d1) -> (0)>
module attributes {stable_mosaic.version = 14 : i64} {
  func.func @_sc_body(%arg0: i32, %arg1: i32, %arg2: memref<10000x128xbf16, #tpu.memory_space<hbm>>, %arg3: memref<320000xi32, #tpu.memory_space<hbm>>, %arg4: memref<320000xi32, #tpu.memory_space<hbm>>, %arg5: memref<320000xf32, #tpu.memory_space<hbm>>, %arg6: memref<10000x128xbf16, #tpu.memory_space<vmem_shared>>, %arg7: memref<10000xi32, #tpu.memory_space<vmem>>, %arg8: memref<10000xi32, #tpu.memory_space<vmem>>, %arg9: memref<160x128xbf16, #tpu.memory_space<vmem>>, %arg10: memref<160x128xbf16, #tpu.memory_space<vmem>>, %arg11: memref<160x128xbf16, #tpu.memory_space<vmem>>, %arg12: memref<160x128xbf16, #tpu.memory_space<vmem>>, %arg13: memref<2720xf32, #tpu.memory_space<vmem>>, %arg14: memref<10000xf32, #tpu.memory_space<vmem>>, %arg15: memref<!tpu.dma_semaphore, #tpu.memory_space<semaphore_mem>>, %arg16: memref<!tpu.dma_semaphore, #tpu.memory_space<semaphore_mem>>, %arg17: memref<!tpu.dma_semaphore, #tpu.memory_space<semaphore_mem>>, %arg18: memref<!tpu.dma_semaphore, #tpu.memory_space<semaphore_mem>>) attributes {dimension_semantics = [#tpu.dimension_semantics<core_parallel>, #tpu.dimension_semantics<subcore_parallel>], iteration_bounds = array<i64: 2, 16>, scalar_prefetch = 0 : i64, scratch_operands = 13 : i64, tpu.core_type = #tpu.core_type<sc_vector_subcore>, window_params = [{transform_indices = #map}, {transform_indices = #map1}, {transform_indices = #map1}, {transform_indices = #map1}]} {
    %mul3A = arith.constant 2 : i32
    %mul3A_0 = arith.muli %arg1, %mul3A : i32
    %add3A = arith.addi %mul3A_0, %arg0 : i32
    %mul3A_1 = arith.constant 10000 : i32
    %mul3A_2 = arith.muli %add3A, %mul3A_1 : i32
    %mul3A_3 = arith.constant 625 : i32
    %mul3A_4 = arith.muli %arg1, %mul3A_3 : i32
    %mul3A_5 = arith.constant 625 : i32
    %mul3A_6 = arith.muli %arg1, %mul3A_5 : i32
    "tpu.region"() ({
      %run_scoped3A = tpu.sem_alloc : memref<!tpu.dma_semaphore, #tpu.memory_space<semaphore_mem>>
      %dma_start3A_284 = arith.constant 0 : i32
      %dma_start3A_285 = tpu.memref_slice %arg6[%mul3A_6, %dma_start3A_284] : memref<10000x128xbf16, #tpu.memory_space<vmem_shared>> -> memref<625x128xbf16, #tpu.memory_space<vmem_shared>>
      %dma_start3A_286 = arith.constant 0 : i32
      %dma_start3A_287 = tpu.memref_slice %arg2[%mul3A_4, %dma_start3A_286] : memref<10000x128xbf16, #tpu.memory_space<hbm>> -> memref<625x128xbf16, #tpu.memory_space<hbm>>
      tpu.enqueue_dma source(%dma_start3A_287 : memref<625x128xbf16, #tpu.memory_space<hbm>>) target(%dma_start3A_285 : memref<625x128xbf16, #tpu.memory_space<vmem_shared>>) target_semaphore(%run_scoped3A : memref<!tpu.dma_semaphore, #tpu.memory_space<semaphore_mem>>)
      %dma_wait3A_288 = arith.constant 0 : i32
      %dma_wait3A_289 = tpu.memref_slice %arg6[%mul3A_6, %dma_wait3A_288] : memref<10000x128xbf16, #tpu.memory_space<vmem_shared>> -> memref<625x128xbf16, #tpu.memory_space<vmem_shared>>
      %dma_wait3A_290 = arith.constant 0 : i32
      %dma_wait3A_291 = tpu.memref_slice %arg2[%mul3A_4, %dma_wait3A_290] : memref<10000x128xbf16, #tpu.memory_space<hbm>> -> memref<625x128xbf16, #tpu.memory_space<hbm>>
      tpu.wait_dma2 semaphore(%run_scoped3A : memref<!tpu.dma_semaphore, #tpu.memory_space<semaphore_mem>>) src(%dma_wait3A_291 : memref<625x128xbf16, #tpu.memory_space<hbm>>) dst(%dma_wait3A_289 : memref<625x128xbf16, #tpu.memory_space<vmem_shared>>)
      tpu.yield
    }) : () -> ()
    "tpu.region"() ({
      %run_scoped3A = tpu.sem_alloc : memref<!tpu.dma_semaphore, #tpu.memory_space<semaphore_mem>>
      %dma_start3A_284 = tpu.memref_slice %arg3[%mul3A_2] : memref<320000xi32, #tpu.memory_space<hbm>> -> memref<10000xi32, #tpu.memory_space<hbm>>
      %dma_start3A_285 = tpu.memref_slice %arg3[%mul3A_2] : memref<320000xi32, #tpu.memory_space<hbm>> -> memref<10000xi32, #tpu.memory_space<hbm>>
      tpu.enqueue_dma source(%dma_start3A_285 : memref<10000xi32, #tpu.memory_space<hbm>>) target(%arg7 : memref<10000xi32, #tpu.memory_space<vmem>>) target_semaphore(%run_scoped3A : memref<!tpu.dma_semaphore, #tpu.memory_space<semaphore_mem>>)
      %dma_wait3A_286 = tpu.memref_slice %arg3[%mul3A_2] : memref<320000xi32, #tpu.memory_space<hbm>> -> memref<10000xi32, #tpu.memory_space<hbm>>
      %dma_wait3A_287 = tpu.memref_slice %arg3[%mul3A_2] : memref<320000xi32, #tpu.memory_space<hbm>> -> memref<10000xi32, #tpu.memory_space<hbm>>
      tpu.wait_dma2 semaphore(%run_scoped3A : memref<!tpu.dma_semaphore, #tpu.memory_space<semaphore_mem>>) src(%dma_wait3A_287 : memref<10000xi32, #tpu.memory_space<hbm>>) dst(%arg7 : memref<10000xi32, #tpu.memory_space<vmem>>)
      tpu.yield
    }) : () -> ()
    "tpu.region"() ({
      %run_scoped3A = tpu.sem_alloc : memref<!tpu.dma_semaphore, #tpu.memory_space<semaphore_mem>>
      %dma_start3A_284 = tpu.memref_slice %arg4[%mul3A_2] : memref<320000xi32, #tpu.memory_space<hbm>> -> memref<10000xi32, #tpu.memory_space<hbm>>
      %dma_start3A_285 = tpu.memref_slice %arg4[%mul3A_2] : memref<320000xi32, #tpu.memory_space<hbm>> -> memref<10000xi32, #tpu.memory_space<hbm>>
      tpu.enqueue_dma source(%dma_start3A_285 : memref<10000xi32, #tpu.memory_space<hbm>>) target(%arg8 : memref<10000xi32, #tpu.memory_space<vmem>>) target_semaphore(%run_scoped3A : memref<!tpu.dma_semaphore, #tpu.memory_space<semaphore_mem>>)
      %dma_wait3A_286 = tpu.memref_slice %arg4[%mul3A_2] : memref<320000xi32, #tpu.memory_space<hbm>> -> memref<10000xi32, #tpu.memory_space<hbm>>
      %dma_wait3A_287 = tpu.memref_slice %arg4[%mul3A_2] : memref<320000xi32, #tpu.memory_space<hbm>> -> memref<10000xi32, #tpu.memory_space<hbm>>
      tpu.wait_dma2 semaphore(%run_scoped3A : memref<!tpu.dma_semaphore, #tpu.memory_space<semaphore_mem>>) src(%dma_wait3A_287 : memref<10000xi32, #tpu.memory_space<hbm>>) dst(%arg8 : memref<10000xi32, #tpu.memory_space<vmem>>)
      tpu.yield
    }) : () -> ()
    %barrier3A = arith.constant 0 : index
    tpu.barrier barrier_id(%barrier3A)
    %iota3A = tpu.iota {dimensions = array<i32: 0>} : vector<16xi32>
    %mul3A_7 = arith.constant 17 : i32
    %mul3A_8 = vector.broadcast %mul3A_7 : i32 to vector<16xi32>
    %mul3A_9 = arith.muli %iota3A, %mul3A_8 : vector<16xi32>
    %add3A_10 = arith.constant 0 : i32
    %add3A_11 = vector.broadcast %add3A_10 : i32 to vector<16xi32>
    %add3A_12 = arith.addi %mul3A_9, %add3A_11 : vector<16xi32>
    %mul3A_13 = arith.constant 17 : i32
    %mul3A_14 = vector.broadcast %mul3A_13 : i32 to vector<16xi32>
    %mul3A_15 = arith.muli %iota3A, %mul3A_14 : vector<16xi32>
    %add3A_16 = arith.constant 1 : i32
    %add3A_17 = vector.broadcast %add3A_16 : i32 to vector<16xi32>
    %add3A_18 = arith.addi %mul3A_15, %add3A_17 : vector<16xi32>
    %mul3A_19 = arith.constant 17 : i32
    %mul3A_20 = vector.broadcast %mul3A_19 : i32 to vector<16xi32>
    %mul3A_21 = arith.muli %iota3A, %mul3A_20 : vector<16xi32>
    %add3A_22 = arith.constant 2 : i32
    %add3A_23 = vector.broadcast %add3A_22 : i32 to vector<16xi32>
    %add3A_24 = arith.addi %mul3A_21, %add3A_23 : vector<16xi32>
    %mul3A_25 = arith.constant 17 : i32
    %mul3A_26 = vector.broadcast %mul3A_25 : i32 to vector<16xi32>
    %mul3A_27 = arith.muli %iota3A, %mul3A_26 : vector<16xi32>
    %add3A_28 = arith.constant 3 : i32
    %add3A_29 = vector.broadcast %add3A_28 : i32 to vector<16xi32>
    %add3A_30 = arith.addi %mul3A_27, %add3A_29 : vector<16xi32>
    %mul3A_31 = arith.constant 17 : i32
    %mul3A_32 = vector.broadcast %mul3A_31 : i32 to vector<16xi32>
    %mul3A_33 = arith.muli %iota3A, %mul3A_32 : vector<16xi32>
    %add3A_34 = arith.constant 4 : i32
    %add3A_35 = vector.broadcast %add3A_34 : i32 to vector<16xi32>
    %add3A_36 = arith.addi %mul3A_33, %add3A_35 : vector<16xi32>
    %mul3A_37 = arith.constant 17 : i32
    %mul3A_38 = vector.broadcast %mul3A_37 : i32 to vector<16xi32>
    %mul3A_39 = arith.muli %iota3A, %mul3A_38 : vector<16xi32>
    %add3A_40 = arith.constant 5 : i32
    %add3A_41 = vector.broadcast %add3A_40 : i32 to vector<16xi32>
    %add3A_42 = arith.addi %mul3A_39, %add3A_41 : vector<16xi32>
    %mul3A_43 = arith.constant 17 : i32
    %mul3A_44 = vector.broadcast %mul3A_43 : i32 to vector<16xi32>
    %mul3A_45 = arith.muli %iota3A, %mul3A_44 : vector<16xi32>
    %add3A_46 = arith.constant 6 : i32
    %add3A_47 = vector.broadcast %add3A_46 : i32 to vector<16xi32>
    %add3A_48 = arith.addi %mul3A_45, %add3A_47 : vector<16xi32>
    %mul3A_49 = arith.constant 17 : i32
    %mul3A_50 = vector.broadcast %mul3A_49 : i32 to vector<16xi32>
    %mul3A_51 = arith.muli %iota3A, %mul3A_50 : vector<16xi32>
    %add3A_52 = arith.constant 7 : i32
    %add3A_53 = vector.broadcast %add3A_52 : i32 to vector<16xi32>
    %add3A_54 = arith.addi %mul3A_51, %add3A_53 : vector<16xi32>
    %mul3A_55 = arith.constant 17 : i32
    %mul3A_56 = vector.broadcast %mul3A_55 : i32 to vector<16xi32>
    %mul3A_57 = arith.muli %iota3A, %mul3A_56 : vector<16xi32>
    %add3A_58 = arith.constant 8 : i32
    %add3A_59 = vector.broadcast %add3A_58 : i32 to vector<16xi32>
    %add3A_60 = arith.addi %mul3A_57, %add3A_59 : vector<16xi32>
    %mul3A_61 = arith.constant 17 : i32
    %mul3A_62 = vector.broadcast %mul3A_61 : i32 to vector<16xi32>
    %mul3A_63 = arith.muli %iota3A, %mul3A_62 : vector<16xi32>
    %add3A_64 = arith.constant 9 : i32
    %add3A_65 = vector.broadcast %add3A_64 : i32 to vector<16xi32>
    %add3A_66 = arith.addi %mul3A_63, %add3A_65 : vector<16xi32>
    %mul3A_67 = arith.constant 17 : i32
    %mul3A_68 = vector.broadcast %mul3A_67 : i32 to vector<16xi32>
    %mul3A_69 = arith.muli %iota3A, %mul3A_68 : vector<16xi32>
    %add3A_70 = arith.constant 10 : i32
    %add3A_71 = vector.broadcast %add3A_70 : i32 to vector<16xi32>
    %add3A_72 = arith.addi %mul3A_69, %add3A_71 : vector<16xi32>
    %mul3A_73 = arith.constant 17 : i32
    %mul3A_74 = vector.broadcast %mul3A_73 : i32 to vector<16xi32>
    %mul3A_75 = arith.muli %iota3A, %mul3A_74 : vector<16xi32>
    %add3A_76 = arith.constant 11 : i32
    %add3A_77 = vector.broadcast %add3A_76 : i32 to vector<16xi32>
    %add3A_78 = arith.addi %mul3A_75, %add3A_77 : vector<16xi32>
    %mul3A_79 = arith.constant 17 : i32
    %mul3A_80 = vector.broadcast %mul3A_79 : i32 to vector<16xi32>
    %mul3A_81 = arith.muli %iota3A, %mul3A_80 : vector<16xi32>
    %add3A_82 = arith.constant 12 : i32
    %add3A_83 = vector.broadcast %add3A_82 : i32 to vector<16xi32>
    %add3A_84 = arith.addi %mul3A_81, %add3A_83 : vector<16xi32>
    %mul3A_85 = arith.constant 17 : i32
    %mul3A_86 = vector.broadcast %mul3A_85 : i32 to vector<16xi32>
    %mul3A_87 = arith.muli %iota3A, %mul3A_86 : vector<16xi32>
    %add3A_88 = arith.constant 13 : i32
    %add3A_89 = vector.broadcast %add3A_88 : i32 to vector<16xi32>
    %add3A_90 = arith.addi %mul3A_87, %add3A_89 : vector<16xi32>
    %mul3A_91 = arith.constant 17 : i32
    %mul3A_92 = vector.broadcast %mul3A_91 : i32 to vector<16xi32>
    %mul3A_93 = arith.muli %iota3A, %mul3A_92 : vector<16xi32>
    %add3A_94 = arith.constant 14 : i32
    %add3A_95 = vector.broadcast %add3A_94 : i32 to vector<16xi32>
    %add3A_96 = arith.addi %mul3A_93, %add3A_95 : vector<16xi32>
    %mul3A_97 = arith.constant 17 : i32
    %mul3A_98 = vector.broadcast %mul3A_97 : i32 to vector<16xi32>
    %mul3A_99 = arith.muli %iota3A, %mul3A_98 : vector<16xi32>
    %add3A_100 = arith.constant 15 : i32
    %add3A_101 = vector.broadcast %add3A_100 : i32 to vector<16xi32>
    %add3A_102 = arith.addi %mul3A_99, %add3A_101 : vector<16xi32>
    %broadcast_in_dim3A = arith.constant -65536 : i32
    %broadcast_in_dim3A_103 = vector.broadcast %broadcast_in_dim3A : i32 to vector<16xi32>
    %dma_start3A = arith.constant 0 : i32
    %dma_start3A_104 = arith.constant 0 : i32
    %dma_start3A_105 = tpu.memref_slice %arg9[%dma_start3A, %dma_start3A_104] : memref<160x128xbf16, #tpu.memory_space<vmem>> -> memref<80x128xbf16, #tpu.memory_space<vmem>>
    %dma_start3A_106 = arith.constant 0 : i32
    %dma_start3A_107 = tpu.memref_slice %arg7[%dma_start3A_106] : memref<10000xi32, #tpu.memory_space<vmem>> -> memref<80xi32, #tpu.memory_space<vmem>>
    %dma_start3A_108 = arith.constant 0 : i32
    %dma_start3A_109 = arith.constant 0 : i32
    %dma_start3A_110 = tpu.memref_slice %arg6[%dma_start3A_108, %dma_start3A_109] : memref<10000x128xbf16, #tpu.memory_space<vmem_shared>> -> memref<10000x128xbf16, #tpu.memory_space<vmem_shared>>
    tpu.enqueue_indirect_dma source(%dma_start3A_110 : memref<10000x128xbf16, #tpu.memory_space<vmem_shared>>) target(%dma_start3A_105 : memref<80x128xbf16, #tpu.memory_space<vmem>>) offsets(%dma_start3A_107 : memref<80xi32, #tpu.memory_space<vmem>>) semaphore(%arg15 : memref<!tpu.dma_semaphore, #tpu.memory_space<semaphore_mem>>)
    %dma_start3A_111 = arith.constant 0 : i32
    %dma_start3A_112 = arith.constant 0 : i32
    %dma_start3A_113 = tpu.memref_slice %arg10[%dma_start3A_111, %dma_start3A_112] : memref<160x128xbf16, #tpu.memory_space<vmem>> -> memref<80x128xbf16, #tpu.memory_space<vmem>>
    %dma_start3A_114 = arith.constant 0 : i32
    %dma_start3A_115 = tpu.memref_slice %arg8[%dma_start3A_114] : memref<10000xi32, #tpu.memory_space<vmem>> -> memref<80xi32, #tpu.memory_space<vmem>>
    %dma_start3A_116 = arith.constant 0 : i32
    %dma_start3A_117 = arith.constant 0 : i32
    %dma_start3A_118 = tpu.memref_slice %arg6[%dma_start3A_116, %dma_start3A_117] : memref<10000x128xbf16, #tpu.memory_space<vmem_shared>> -> memref<10000x128xbf16, #tpu.memory_space<vmem_shared>>
    tpu.enqueue_indirect_dma source(%dma_start3A_118 : memref<10000x128xbf16, #tpu.memory_space<vmem_shared>>) target(%dma_start3A_113 : memref<80x128xbf16, #tpu.memory_space<vmem>>) offsets(%dma_start3A_115 : memref<80xi32, #tpu.memory_space<vmem>>) semaphore(%arg16 : memref<!tpu.dma_semaphore, #tpu.memory_space<semaphore_mem>>)
    %dma_start3A_119 = arith.constant 80 : i32
    %dma_start3A_120 = arith.constant 0 : i32
    %dma_start3A_121 = tpu.memref_slice %arg9[%dma_start3A_119, %dma_start3A_120] : memref<160x128xbf16, #tpu.memory_space<vmem>> -> memref<80x128xbf16, #tpu.memory_space<vmem>>
    %dma_start3A_122 = arith.constant 80 : i32
    %dma_start3A_123 = tpu.memref_slice %arg7[%dma_start3A_122] : memref<10000xi32, #tpu.memory_space<vmem>> -> memref<80xi32, #tpu.memory_space<vmem>>
    %dma_start3A_124 = arith.constant 0 : i32
    %dma_start3A_125 = arith.constant 0 : i32
    %dma_start3A_126 = tpu.memref_slice %arg6[%dma_start3A_124, %dma_start3A_125] : memref<10000x128xbf16, #tpu.memory_space<vmem_shared>> -> memref<10000x128xbf16, #tpu.memory_space<vmem_shared>>
    tpu.enqueue_indirect_dma source(%dma_start3A_126 : memref<10000x128xbf16, #tpu.memory_space<vmem_shared>>) target(%dma_start3A_121 : memref<80x128xbf16, #tpu.memory_space<vmem>>) offsets(%dma_start3A_123 : memref<80xi32, #tpu.memory_space<vmem>>) semaphore(%arg15 : memref<!tpu.dma_semaphore, #tpu.memory_space<semaphore_mem>>)
    %dma_start3A_127 = arith.constant 80 : i32
    %dma_start3A_128 = arith.constant 0 : i32
    %dma_start3A_129 = tpu.memref_slice %arg10[%dma_start3A_127, %dma_start3A_128] : memref<160x128xbf16, #tpu.memory_space<vmem>> -> memref<80x128xbf16, #tpu.memory_space<vmem>>
    %dma_start3A_130 = arith.constant 80 : i32
    %dma_start3A_131 = tpu.memref_slice %arg8[%dma_start3A_130] : memref<10000xi32, #tpu.memory_space<vmem>> -> memref<80xi32, #tpu.memory_space<vmem>>
    %dma_start3A_132 = arith.constant 0 : i32
    %dma_start3A_133 = arith.constant 0 : i32
    %dma_start3A_134 = tpu.memref_slice %arg6[%dma_start3A_132, %dma_start3A_133] : memref<10000x128xbf16, #tpu.memory_space<vmem_shared>> -> memref<10000x128xbf16, #tpu.memory_space<vmem_shared>>
    tpu.enqueue_indirect_dma source(%dma_start3A_134 : memref<10000x128xbf16, #tpu.memory_space<vmem_shared>>) target(%dma_start3A_129 : memref<80x128xbf16, #tpu.memory_space<vmem>>) offsets(%dma_start3A_131 : memref<80xi32, #tpu.memory_space<vmem>>) semaphore(%arg16 : memref<!tpu.dma_semaphore, #tpu.memory_space<semaphore_mem>>)
    %scan3A = arith.constant 0 : i32
    %scan3A_135 = arith.constant 0 : i32
    %scan3A_136 = arith.constant 30 : i32
    %scan3A_137 = arith.addi %scan3A_135, %scan3A_136 : i32
    %scan3A_138 = arith.constant 1 : i32
    scf.for %scan3A_284 = %scan3A_135 to %scan3A_137 step %scan3A_138  : i32 {
      %mul3A_285 = arith.constant 2 : i32
      %mul3A_286 = arith.muli %scan3A_284, %mul3A_285 : i32
      %add3A_287 = arith.constant 1 : i32
      %add3A_288 = arith.addi %mul3A_286, %add3A_287 : i32
      %mul3A_289 = arith.constant 160 : i32
      %mul3A_290 = arith.muli %add3A_288, %mul3A_289 : i32
      %add3A_291 = arith.constant 0 : i32
      %add3A_292 = arith.addi %mul3A_290, %add3A_291 : i32
      %dma_start3A_293 = arith.constant 0 : i32
      %dma_start3A_294 = arith.constant 0 : i32
      %dma_start3A_295 = tpu.memref_slice %arg11[%dma_start3A_293, %dma_start3A_294] : memref<160x128xbf16, #tpu.memory_space<vmem>> -> memref<80x128xbf16, #tpu.memory_space<vmem>>
      %dma_start3A_296 = tpu.memref_slice %arg7[%add3A_292] : memref<10000xi32, #tpu.memory_space<vmem>> -> memref<80xi32, #tpu.memory_space<vmem>>
      %dma_start3A_297 = arith.constant 0 : i32
      %dma_start3A_298 = arith.constant 0 : i32
      %dma_start3A_299 = tpu.memref_slice %arg6[%dma_start3A_297, %dma_start3A_298] : memref<10000x128xbf16, #tpu.memory_space<vmem_shared>> -> memref<10000x128xbf16, #tpu.memory_space<vmem_shared>>
      tpu.enqueue_indirect_dma source(%dma_start3A_299 : memref<10000x128xbf16, #tpu.memory_space<vmem_shared>>) target(%dma_start3A_295 : memref<80x128xbf16, #tpu.memory_space<vmem>>) offsets(%dma_start3A_296 : memref<80xi32, #tpu.memory_space<vmem>>) semaphore(%arg17 : memref<!tpu.dma_semaphore, #tpu.memory_space<semaphore_mem>>)
      %dma_start3A_300 = arith.constant 0 : i32
      %dma_start3A_301 = arith.constant 0 : i32
      %dma_start3A_302 = tpu.memref_slice %arg12[%dma_start3A_300, %dma_start3A_301] : memref<160x128xbf16, #tpu.memory_space<vmem>> -> memref<80x128xbf16, #tpu.memory_space<vmem>>
      %dma_start3A_303 = tpu.memref_slice %arg8[%add3A_292] : memref<10000xi32, #tpu.memory_space<vmem>> -> memref<80xi32, #tpu.memory_space<vmem>>
      %dma_start3A_304 = arith.constant 0 : i32
      %dma_start3A_305 = arith.constant 0 : i32
      %dma_start3A_306 = tpu.memref_slice %arg6[%dma_start3A_304, %dma_start3A_305] : memref<10000x128xbf16, #tpu.memory_space<vmem_shared>> -> memref<10000x128xbf16, #tpu.memory_space<vmem_shared>>
      tpu.enqueue_indirect_dma source(%dma_start3A_306 : memref<10000x128xbf16, #tpu.memory_space<vmem_shared>>) target(%dma_start3A_302 : memref<80x128xbf16, #tpu.memory_space<vmem>>) offsets(%dma_start3A_303 : memref<80xi32, #tpu.memory_space<vmem>>) semaphore(%arg18 : memref<!tpu.dma_semaphore, #tpu.memory_space<semaphore_mem>>)
      %add3A_307 = arith.constant 80 : i32
      %add3A_308 = arith.addi %mul3A_290, %add3A_307 : i32
      %dma_start3A_309 = arith.constant 80 : i32
      %dma_start3A_310 = arith.constant 0 : i32
      %dma_start3A_311 = tpu.memref_slice %arg11[%dma_start3A_309, %dma_start3A_310] : memref<160x128xbf16, #tpu.memory_space<vmem>> -> memref<80x128xbf16, #tpu.memory_space<vmem>>
      %dma_start3A_312 = tpu.memref_slice %arg7[%add3A_308] : memref<10000xi32, #tpu.memory_space<vmem>> -> memref<80xi32, #tpu.memory_space<vmem>>
      %dma_start3A_313 = arith.constant 0 : i32
      %dma_start3A_314 = arith.constant 0 : i32
      %dma_start3A_315 = tpu.memref_slice %arg6[%dma_start3A_313, %dma_start3A_314] : memref<10000x128xbf16, #tpu.memory_space<vmem_shared>> -> memref<10000x128xbf16, #tpu.memory_space<vmem_shared>>
      tpu.enqueue_indirect_dma source(%dma_start3A_315 : memref<10000x128xbf16, #tpu.memory_space<vmem_shared>>) target(%dma_start3A_311 : memref<80x128xbf16, #tpu.memory_space<vmem>>) offsets(%dma_start3A_312 : memref<80xi32, #tpu.memory_space<vmem>>) semaphore(%arg17 : memref<!tpu.dma_semaphore, #tpu.memory_space<semaphore_mem>>)
      %dma_start3A_316 = arith.constant 80 : i32
      %dma_start3A_317 = arith.constant 0 : i32
      %dma_start3A_318 = tpu.memref_slice %arg12[%dma_start3A_316, %dma_start3A_317] : memref<160x128xbf16, #tpu.memory_space<vmem>> -> memref<80x128xbf16, #tpu.memory_space<vmem>>
      %dma_start3A_319 = tpu.memref_slice %arg8[%add3A_308] : memref<10000xi32, #tpu.memory_space<vmem>> -> memref<80xi32, #tpu.memory_space<vmem>>
      %dma_start3A_320 = arith.constant 0 : i32
      %dma_start3A_321 = arith.constant 0 : i32
      %dma_start3A_322 = tpu.memref_slice %arg6[%dma_start3A_320, %dma_start3A_321] : memref<10000x128xbf16, #tpu.memory_space<vmem_shared>> -> memref<10000x128xbf16, #tpu.memory_space<vmem_shared>>
      tpu.enqueue_indirect_dma source(%dma_start3A_322 : memref<10000x128xbf16, #tpu.memory_space<vmem_shared>>) target(%dma_start3A_318 : memref<80x128xbf16, #tpu.memory_space<vmem>>) offsets(%dma_start3A_319 : memref<80xi32, #tpu.memory_space<vmem>>) semaphore(%arg18 : memref<!tpu.dma_semaphore, #tpu.memory_space<semaphore_mem>>)
      %dma_wait3A_323 = arith.constant 0 : i32
      %dma_wait3A_324 = arith.constant 0 : i32
      %dma_wait3A_325 = tpu.memref_slice %arg9[%dma_wait3A_323, %dma_wait3A_324] : memref<160x128xbf16, #tpu.memory_space<vmem>> -> memref<80x128xbf16, #tpu.memory_space<vmem>>
      %dma_wait3A_326 = arith.constant 0 : i32
      %dma_wait3A_327 = tpu.memref_slice %arg7[%dma_wait3A_326] : memref<10000xi32, #tpu.memory_space<vmem>> -> memref<80xi32, #tpu.memory_space<vmem>>
      %dma_wait3A_328 = arith.constant 0 : i32
      %dma_wait3A_329 = arith.constant 0 : i32
      %dma_wait3A_330 = tpu.memref_slice %arg6[%dma_wait3A_328, %dma_wait3A_329] : memref<10000x128xbf16, #tpu.memory_space<vmem_shared>> -> memref<10000x128xbf16, #tpu.memory_space<vmem_shared>>
      tpu.wait_indirect_dma semaphore(%arg15 : memref<!tpu.dma_semaphore, #tpu.memory_space<semaphore_mem>>) src(%dma_wait3A_330 : memref<10000x128xbf16, #tpu.memory_space<vmem_shared>>) dst(%dma_wait3A_325 : memref<80x128xbf16, #tpu.memory_space<vmem>>)
      %dma_wait3A_331 = arith.constant 0 : i32
      %dma_wait3A_332 = arith.constant 0 : i32
      %dma_wait3A_333 = tpu.memref_slice %arg10[%dma_wait3A_331, %dma_wait3A_332] : memref<160x128xbf16, #tpu.memory_space<vmem>> -> memref<80x128xbf16, #tpu.memory_space<vmem>>
      %dma_wait3A_334 = arith.constant 0 : i32
      %dma_wait3A_335 = tpu.memref_slice %arg8[%dma_wait3A_334] : memref<10000xi32, #tpu.memory_space<vmem>> -> memref<80xi32, #tpu.memory_space<vmem>>
      %dma_wait3A_336 = arith.constant 0 : i32
      %dma_wait3A_337 = arith.constant 0 : i32
      %dma_wait3A_338 = tpu.memref_slice %arg6[%dma_wait3A_336, %dma_wait3A_337] : memref<10000x128xbf16, #tpu.memory_space<vmem_shared>> -> memref<10000x128xbf16, #tpu.memory_space<vmem_shared>>
      tpu.wait_indirect_dma semaphore(%arg16 : memref<!tpu.dma_semaphore, #tpu.memory_space<semaphore_mem>>) src(%dma_wait3A_338 : memref<10000x128xbf16, #tpu.memory_space<vmem_shared>>) dst(%dma_wait3A_333 : memref<80x128xbf16, #tpu.memory_space<vmem>>)
      %dma_wait3A_339 = arith.constant 80 : i32
      %dma_wait3A_340 = arith.constant 0 : i32
      %dma_wait3A_341 = tpu.memref_slice %arg9[%dma_wait3A_339, %dma_wait3A_340] : memref<160x128xbf16, #tpu.memory_space<vmem>> -> memref<80x128xbf16, #tpu.memory_space<vmem>>
      %dma_wait3A_342 = arith.constant 0 : i32
      %dma_wait3A_343 = tpu.memref_slice %arg7[%dma_wait3A_342] : memref<10000xi32, #tpu.memory_space<vmem>> -> memref<80xi32, #tpu.memory_space<vmem>>
      %dma_wait3A_344 = arith.constant 0 : i32
      %dma_wait3A_345 = arith.constant 0 : i32
      %dma_wait3A_346 = tpu.memref_slice %arg6[%dma_wait3A_344, %dma_wait3A_345] : memref<10000x128xbf16, #tpu.memory_space<vmem_shared>> -> memref<10000x128xbf16, #tpu.memory_space<vmem_shared>>
      tpu.wait_indirect_dma semaphore(%arg15 : memref<!tpu.dma_semaphore, #tpu.memory_space<semaphore_mem>>) src(%dma_wait3A_346 : memref<10000x128xbf16, #tpu.memory_space<vmem_shared>>) dst(%dma_wait3A_341 : memref<80x128xbf16, #tpu.memory_space<vmem>>)
      %dma_wait3A_347 = arith.constant 80 : i32
      %dma_wait3A_348 = arith.constant 0 : i32
      %dma_wait3A_349 = tpu.memref_slice %arg10[%dma_wait3A_347, %dma_wait3A_348] : memref<160x128xbf16, #tpu.memory_space<vmem>> -> memref<80x128xbf16, #tpu.memory_space<vmem>>
      %dma_wait3A_350 = arith.constant 0 : i32
      %dma_wait3A_351 = tpu.memref_slice %arg8[%dma_wait3A_350] : memref<10000xi32, #tpu.memory_space<vmem>> -> memref<80xi32, #tpu.memory_space<vmem>>
      %dma_wait3A_352 = arith.constant 0 : i32
      %dma_wait3A_353 = arith.constant 0 : i32
      %dma_wait3A_354 = tpu.memref_slice %arg6[%dma_wait3A_352, %dma_wait3A_353] : memref<10000x128xbf16, #tpu.memory_space<vmem_shared>> -> memref<10000x128xbf16, #tpu.memory_space<vmem_shared>>
      tpu.wait_indirect_dma semaphore(%arg16 : memref<!tpu.dma_semaphore, #tpu.memory_space<semaphore_mem>>) src(%dma_wait3A_354 : memref<10000x128xbf16, #tpu.memory_space<vmem_shared>>) dst(%dma_wait3A_349 : memref<80x128xbf16, #tpu.memory_space<vmem>>)
      %mul3A_355 = arith.constant 160 : i32
      %mul3A_356 = arith.muli %mul3A_286, %mul3A_355 : i32
      %parallel_loop3A_357 = arith.constant 0 : i32
      %parallel_loop3A_358 = arith.constant 160 : i32
      %parallel_loop3A_359 = arith.constant 1 : i32
      scf.for %parallel_loop3A_441 = %parallel_loop3A_357 to %parallel_loop3A_358 step %parallel_loop3A_359  : i32 {
        %parallel_loop3A_442 = arith.index_cast %parallel_loop3A_441 : i32 to index
        %parallel_loop3A_443 = arith.constant 0 : index
        %parallel_loop3A_444 = tpu.vector_load %arg9[%parallel_loop3A_442, %parallel_loop3A_443] {strides = array<i32>} : memref<160x128xbf16, #tpu.memory_space<vmem>>, vector<32xbf16>,
        %parallel_loop3A_445 = arith.index_cast %parallel_loop3A_441 : i32 to index
        %parallel_loop3A_446 = arith.constant 0 : index
        %parallel_loop3A_447 = tpu.vector_load %arg10[%parallel_loop3A_445, %parallel_loop3A_446] {strides = array<i32>} : memref<160x128xbf16, #tpu.memory_space<vmem>>, vector<32xbf16>,
        %parallel_loop3A_448 = arith.mulf %parallel_loop3A_444, %parallel_loop3A_447 : vector<32xbf16>
        %parallel_loop3A_449 = vector.bitcast %parallel_loop3A_448 : vector<32xbf16> to vector<16xi32>
        %parallel_loop3A_450 = arith.constant 16 : i32
        %parallel_loop3A_451 = vector.broadcast %parallel_loop3A_450 : i32 to vector<16xi32>
        %parallel_loop3A_452 = arith.shli %parallel_loop3A_449, %parallel_loop3A_451 : vector<16xi32>
        %parallel_loop3A_453 = vector.bitcast %parallel_loop3A_452 : vector<16xi32> to vector<16xf32>
        %parallel_loop3A_454 = arith.andi %parallel_loop3A_449, %broadcast_in_dim3A_103 : vector<16xi32>
        %parallel_loop3A_455 = vector.bitcast %parallel_loop3A_454 : vector<16xi32> to vector<16xf32>
        %parallel_loop3A_456 = arith.index_cast %parallel_loop3A_441 : i32 to index
        %parallel_loop3A_457 = arith.constant 32 : index
        %parallel_loop3A_458 = tpu.vector_load %arg9[%parallel_loop3A_456, %parallel_loop3A_457] {strides = array<i32>} : memref<160x128xbf16, #tpu.memory_space<vmem>>, vector<32xbf16>,
        %parallel_loop3A_459 = arith.index_cast %parallel_loop3A_441 : i32 to index
        %parallel_loop3A_460 = arith.constant 32 : index
        %parallel_loop3A_461 = tpu.vector_load %arg10[%parallel_loop3A_459, %parallel_loop3A_460] {strides = array<i32>} : memref<160x128xbf16, #tpu.memory_space<vmem>>, vector<32xbf16>,
        %parallel_loop3A_462 = arith.mulf %parallel_loop3A_458, %parallel_loop3A_461 : vector<32xbf16>
        %parallel_loop3A_463 = vector.bitcast %parallel_loop3A_462 : vector<32xbf16> to vector<16xi32>
        %parallel_loop3A_464 = arith.constant 16 : i32
        %parallel_loop3A_465 = vector.broadcast %parallel_loop3A_464 : i32 to vector<16xi32>
        %parallel_loop3A_466 = arith.shli %parallel_loop3A_463, %parallel_loop3A_465 : vector<16xi32>
        %parallel_loop3A_467 = vector.bitcast %parallel_loop3A_466 : vector<16xi32> to vector<16xf32>
        %parallel_loop3A_468 = arith.andi %parallel_loop3A_463, %broadcast_in_dim3A_103 : vector<16xi32>
        %parallel_loop3A_469 = vector.bitcast %parallel_loop3A_468 : vector<16xi32> to vector<16xf32>
        %parallel_loop3A_470 = arith.index_cast %parallel_loop3A_441 : i32 to index
        %parallel_loop3A_471 = arith.constant 64 : index
        %parallel_loop3A_472 = tpu.vector_load %arg9[%parallel_loop3A_470, %parallel_loop3A_471] {strides = array<i32>} : memref<160x128xbf16, #tpu.memory_space<vmem>>, vector<32xbf16>,
        %parallel_loop3A_473 = arith.index_cast %parallel_loop3A_441 : i32 to index
        %parallel_loop3A_474 = arith.constant 64 : index
        %parallel_loop3A_475 = tpu.vector_load %arg10[%parallel_loop3A_473, %parallel_loop3A_474] {strides = array<i32>} : memref<160x128xbf16, #tpu.memory_space<vmem>>, vector<32xbf16>,
        %parallel_loop3A_476 = arith.mulf %parallel_loop3A_472, %parallel_loop3A_475 : vector<32xbf16>
        %parallel_loop3A_477 = vector.bitcast %parallel_loop3A_476 : vector<32xbf16> to vector<16xi32>
        %parallel_loop3A_478 = arith.constant 16 : i32
        %parallel_loop3A_479 = vector.broadcast %parallel_loop3A_478 : i32 to vector<16xi32>
        %parallel_loop3A_480 = arith.shli %parallel_loop3A_477, %parallel_loop3A_479 : vector<16xi32>
        %parallel_loop3A_481 = vector.bitcast %parallel_loop3A_480 : vector<16xi32> to vector<16xf32>
        %parallel_loop3A_482 = arith.andi %parallel_loop3A_477, %broadcast_in_dim3A_103 : vector<16xi32>
        %parallel_loop3A_483 = vector.bitcast %parallel_loop3A_482 : vector<16xi32> to vector<16xf32>
        %parallel_loop3A_484 = arith.index_cast %parallel_loop3A_441 : i32 to index
        %parallel_loop3A_485 = arith.constant 96 : index
        %parallel_loop3A_486 = tpu.vector_load %arg9[%parallel_loop3A_484, %parallel_loop3A_485] {strides = array<i32>} : memref<160x128xbf16, #tpu.memory_space<vmem>>, vector<32xbf16>,
        %parallel_loop3A_487 = arith.index_cast %parallel_loop3A_441 : i32 to index
        %parallel_loop3A_488 = arith.constant 96 : index
        %parallel_loop3A_489 = tpu.vector_load %arg10[%parallel_loop3A_487, %parallel_loop3A_488] {strides = array<i32>} : memref<160x128xbf16, #tpu.memory_space<vmem>>, vector<32xbf16>,
        %parallel_loop3A_490 = arith.mulf %parallel_loop3A_486, %parallel_loop3A_489 : vector<32xbf16>
        %parallel_loop3A_491 = vector.bitcast %parallel_loop3A_490 : vector<32xbf16> to vector<16xi32>
        %parallel_loop3A_492 = arith.constant 16 : i32
        %parallel_loop3A_493 = vector.broadcast %parallel_loop3A_492 : i32 to vector<16xi32>
        %parallel_loop3A_494 = arith.shli %parallel_loop3A_491, %parallel_loop3A_493 : vector<16xi32>
        %parallel_loop3A_495 = vector.bitcast %parallel_loop3A_494 : vector<16xi32> to vector<16xf32>
        %parallel_loop3A_496 = arith.andi %parallel_loop3A_491, %broadcast_in_dim3A_103 : vector<16xi32>
        %parallel_loop3A_497 = vector.bitcast %parallel_loop3A_496 : vector<16xi32> to vector<16xf32>
        %parallel_loop3A_498 = arith.addf %parallel_loop3A_453, %parallel_loop3A_455 : vector<16xf32>
        %parallel_loop3A_499 = arith.addf %parallel_loop3A_467, %parallel_loop3A_469 : vector<16xf32>
        %parallel_loop3A_500 = arith.addf %parallel_loop3A_481, %parallel_loop3A_483 : vector<16xf32>
        %parallel_loop3A_501 = arith.addf %parallel_loop3A_495, %parallel_loop3A_497 : vector<16xf32>
        %parallel_loop3A_502 = arith.addf %parallel_loop3A_498, %parallel_loop3A_499 : vector<16xf32>
        %parallel_loop3A_503 = arith.addf %parallel_loop3A_500, %parallel_loop3A_501 : vector<16xf32>
        %parallel_loop3A_504 = arith.addf %parallel_loop3A_502, %parallel_loop3A_503 : vector<16xf32>
        %parallel_loop3A_505 = arith.constant 17 : i32
        %parallel_loop3A_506 = arith.muli %parallel_loop3A_505, %parallel_loop3A_441 : i32
        %parallel_loop3A_507 = arith.index_cast %parallel_loop3A_506 : i32 to index
        %parallel_loop3A_508 = tpu.vector_load %arg13[%parallel_loop3A_507] {strides = array<i32>} : memref<2720xf32, #tpu.memory_space<vmem>>, vector<16xf32>,
        tpu.vector_store %arg13[%parallel_loop3A_507], %parallel_loop3A_504 {strides = array<i32>} : memref<2720xf32, #tpu.memory_space<vmem>>, vector<16xf32>,
      } {sc.loop_unroll_factor = 4 : i64, sc.parallel_access}
      %parallel_loop3A_360 = arith.constant 0 : i32
      %parallel_loop3A_361 = arith.constant 10 : i32
      %parallel_loop3A_362 = arith.constant 1 : i32
      scf.for %parallel_loop3A_441 = %parallel_loop3A_360 to %parallel_loop3A_361 step %parallel_loop3A_362  : i32 {
        %parallel_loop3A_442 = arith.constant 16 : i32
        %parallel_loop3A_443 = arith.muli %parallel_loop3A_441, %parallel_loop3A_442 : i32
        %parallel_loop3A_444 = arith.constant 272 : i32
        %parallel_loop3A_445 = arith.muli %parallel_loop3A_441, %parallel_loop3A_444 : i32
        %parallel_loop3A_446 = vector.broadcast %parallel_loop3A_445 : i32 to vector<16xi32>
        %parallel_loop3A_447 = arith.addi %add3A_12, %parallel_loop3A_446 : vector<16xi32>
        %parallel_loop3A_448 = tpu.vector_load_idx %arg13[%parallel_loop3A_447] : memref<2720xf32, #tpu.memory_space<vmem>>[vector<16xi32>], vector<16xf32>,
        %parallel_loop3A_449 = vector.broadcast %parallel_loop3A_445 : i32 to vector<16xi32>
        %parallel_loop3A_450 = arith.addi %add3A_18, %parallel_loop3A_449 : vector<16xi32>
        %parallel_loop3A_451 = tpu.vector_load_idx %arg13[%parallel_loop3A_450] : memref<2720xf32, #tpu.memory_space<vmem>>[vector<16xi32>], vector<16xf32>,
        %parallel_loop3A_452 = vector.broadcast %parallel_loop3A_445 : i32 to vector<16xi32>
        %parallel_loop3A_453 = arith.addi %add3A_24, %parallel_loop3A_452 : vector<16xi32>
        %parallel_loop3A_454 = tpu.vector_load_idx %arg13[%parallel_loop3A_453] : memref<2720xf32, #tpu.memory_space<vmem>>[vector<16xi32>], vector<16xf32>,
        %parallel_loop3A_455 = vector.broadcast %parallel_loop3A_445 : i32 to vector<16xi32>
        %parallel_loop3A_456 = arith.addi %add3A_30, %parallel_loop3A_455 : vector<16xi32>
        %parallel_loop3A_457 = tpu.vector_load_idx %arg13[%parallel_loop3A_456] : memref<2720xf32, #tpu.memory_space<vmem>>[vector<16xi32>], vector<16xf32>,
        %parallel_loop3A_458 = vector.broadcast %parallel_loop3A_445 : i32 to vector<16xi32>
        %parallel_loop3A_459 = arith.addi %add3A_36, %parallel_loop3A_458 : vector<16xi32>
        %parallel_loop3A_460 = tpu.vector_load_idx %arg13[%parallel_loop3A_459] : memref<2720xf32, #tpu.memory_space<vmem>>[vector<16xi32>], vector<16xf32>,
        %parallel_loop3A_461 = vector.broadcast %parallel_loop3A_445 : i32 to vector<16xi32>
        %parallel_loop3A_462 = arith.addi %add3A_42, %parallel_loop3A_461 : vector<16xi32>
        %parallel_loop3A_463 = tpu.vector_load_idx %arg13[%parallel_loop3A_462] : memref<2720xf32, #tpu.memory_space<vmem>>[vector<16xi32>], vector<16xf32>,
        %parallel_loop3A_464 = vector.broadcast %parallel_loop3A_445 : i32 to vector<16xi32>
        %parallel_loop3A_465 = arith.addi %add3A_48, %parallel_loop3A_464 : vector<16xi32>
        %parallel_loop3A_466 = tpu.vector_load_idx %arg13[%parallel_loop3A_465] : memref<2720xf32, #tpu.memory_space<vmem>>[vector<16xi32>], vector<16xf32>,
        %parallel_loop3A_467 = vector.broadcast %parallel_loop3A_445 : i32 to vector<16xi32>
        %parallel_loop3A_468 = arith.addi %add3A_54, %parallel_loop3A_467 : vector<16xi32>
        %parallel_loop3A_469 = tpu.vector_load_idx %arg13[%parallel_loop3A_468] : memref<2720xf32, #tpu.memory_space<vmem>>[vector<16xi32>], vector<16xf32>,
        %parallel_loop3A_470 = vector.broadcast %parallel_loop3A_445 : i32 to vector<16xi32>
        %parallel_loop3A_471 = arith.addi %add3A_60, %parallel_loop3A_470 : vector<16xi32>
        %parallel_loop3A_472 = tpu.vector_load_idx %arg13[%parallel_loop3A_471] : memref<2720xf32, #tpu.memory_space<vmem>>[vector<16xi32>], vector<16xf32>,
        %parallel_loop3A_473 = vector.broadcast %parallel_loop3A_445 : i32 to vector<16xi32>
        %parallel_loop3A_474 = arith.addi %add3A_66, %parallel_loop3A_473 : vector<16xi32>
        %parallel_loop3A_475 = tpu.vector_load_idx %arg13[%parallel_loop3A_474] : memref<2720xf32, #tpu.memory_space<vmem>>[vector<16xi32>], vector<16xf32>,
        %parallel_loop3A_476 = vector.broadcast %parallel_loop3A_445 : i32 to vector<16xi32>
        %parallel_loop3A_477 = arith.addi %add3A_72, %parallel_loop3A_476 : vector<16xi32>
        %parallel_loop3A_478 = tpu.vector_load_idx %arg13[%parallel_loop3A_477] : memref<2720xf32, #tpu.memory_space<vmem>>[vector<16xi32>], vector<16xf32>,
        %parallel_loop3A_479 = vector.broadcast %parallel_loop3A_445 : i32 to vector<16xi32>
        %parallel_loop3A_480 = arith.addi %add3A_78, %parallel_loop3A_479 : vector<16xi32>
        %parallel_loop3A_481 = tpu.vector_load_idx %arg13[%parallel_loop3A_480] : memref<2720xf32, #tpu.memory_space<vmem>>[vector<16xi32>], vector<16xf32>,
        %parallel_loop3A_482 = vector.broadcast %parallel_loop3A_445 : i32 to vector<16xi32>
        %parallel_loop3A_483 = arith.addi %add3A_84, %parallel_loop3A_482 : vector<16xi32>
        %parallel_loop3A_484 = tpu.vector_load_idx %arg13[%parallel_loop3A_483] : memref<2720xf32, #tpu.memory_space<vmem>>[vector<16xi32>], vector<16xf32>,
        %parallel_loop3A_485 = vector.broadcast %parallel_loop3A_445 : i32 to vector<16xi32>
        %parallel_loop3A_486 = arith.addi %add3A_90, %parallel_loop3A_485 : vector<16xi32>
        %parallel_loop3A_487 = tpu.vector_load_idx %arg13[%parallel_loop3A_486] : memref<2720xf32, #tpu.memory_space<vmem>>[vector<16xi32>], vector<16xf32>,
        %parallel_loop3A_488 = vector.broadcast %parallel_loop3A_445 : i32 to vector<16xi32>
        %parallel_loop3A_489 = arith.addi %add3A_96, %parallel_loop3A_488 : vector<16xi32>
        %parallel_loop3A_490 = tpu.vector_load_idx %arg13[%parallel_loop3A_489] : memref<2720xf32, #tpu.memory_space<vmem>>[vector<16xi32>], vector<16xf32>,
        %parallel_loop3A_491 = vector.broadcast %parallel_loop3A_445 : i32 to vector<16xi32>
        %parallel_loop3A_492 = arith.addi %add3A_102, %parallel_loop3A_491 : vector<16xi32>
        %parallel_loop3A_493 = tpu.vector_load_idx %arg13[%parallel_loop3A_492] : memref<2720xf32, #tpu.memory_space<vmem>>[vector<16xi32>], vector<16xf32>,
        %parallel_loop3A_494 = arith.addf %parallel_loop3A_448, %parallel_loop3A_451 : vector<16xf32>
        %parallel_loop3A_495 = arith.addf %parallel_loop3A_454, %parallel_loop3A_457 : vector<16xf32>
        %parallel_loop3A_496 = arith.addf %parallel_loop3A_460, %parallel_loop3A_463 : vector<16xf32>
        %parallel_loop3A_497 = arith.addf %parallel_loop3A_466, %parallel_loop3A_469 : vector<16xf32>
        %parallel_loop3A_498 = arith.addf %parallel_loop3A_472, %parallel_loop3A_475 : vector<16xf32>
        %parallel_loop3A_499 = arith.addf %parallel_loop3A_478, %parallel_loop3A_481 : vector<16xf32>
        %parallel_loop3A_500 = arith.addf %parallel_loop3A_484, %parallel_loop3A_487 : vector<16xf32>
        %parallel_loop3A_501 = arith.addf %parallel_loop3A_490, %parallel_loop3A_493 : vector<16xf32>
        %parallel_loop3A_502 = arith.addf %parallel_loop3A_494, %parallel_loop3A_495 : vector<16xf32>
        %parallel_loop3A_503 = arith.addf %parallel_loop3A_496, %parallel_loop3A_497 : vector<16xf32>
        %parallel_loop3A_504 = arith.addf %parallel_loop3A_498, %parallel_loop3A_499 : vector<16xf32>
        %parallel_loop3A_505 = arith.addf %parallel_loop3A_500, %parallel_loop3A_501 : vector<16xf32>
        %parallel_loop3A_506 = arith.addf %parallel_loop3A_502, %parallel_loop3A_503 : vector<16xf32>
        %parallel_loop3A_507 = arith.addf %parallel_loop3A_504, %parallel_loop3A_505 : vector<16xf32>
        %parallel_loop3A_508 = arith.addf %parallel_loop3A_506, %parallel_loop3A_507 : vector<16xf32>
        %parallel_loop3A_509 = arith.constant 0.000000e+00 : f32
        %parallel_loop3A_510 = vector.broadcast %parallel_loop3A_509 : f32 to vector<16xf32>
        %parallel_loop3A_511 = arith.subf %parallel_loop3A_510, %parallel_loop3A_508 : vector<16xf32>
        %parallel_loop3A_512 = math.exp %parallel_loop3A_511 : vector<16xf32>
        %parallel_loop3A_513 = arith.constant 1.000000e+00 : f32
        %parallel_loop3A_514 = vector.broadcast %parallel_loop3A_513 : f32 to vector<16xf32>
        %parallel_loop3A_515 = arith.addf %parallel_loop3A_514, %parallel_loop3A_512 : vector<16xf32>
        %parallel_loop3A_516 = arith.constant 1.000000e+00 : f32
        %parallel_loop3A_517 = vector.broadcast %parallel_loop3A_516 : f32 to vector<16xf32>
        %parallel_loop3A_518 = arith.divf %parallel_loop3A_517, %parallel_loop3A_515 : vector<16xf32>
        %parallel_loop3A_519 = arith.addi %mul3A_356, %parallel_loop3A_443 : i32
        %parallel_loop3A_520 = arith.index_cast %parallel_loop3A_519 : i32 to index
        %parallel_loop3A_521 = tpu.vector_load %arg14[%parallel_loop3A_520] {strides = array<i32>} : memref<10000xf32, #tpu.memory_space<vmem>>, vector<16xf32>,
        tpu.vector_store %arg14[%parallel_loop3A_520], %parallel_loop3A_518 {strides = array<i32>} : memref<10000xf32, #tpu.memory_space<vmem>>, vector<16xf32>,
      } {sc.loop_unroll_factor = 1 : i64, sc.parallel_access}
      %add3A_363 = arith.constant 2 : i32
      %add3A_364 = arith.addi %mul3A_286, %add3A_363 : i32
      %mul3A_365 = arith.constant 160 : i32
      %mul3A_366 = arith.muli %add3A_364, %mul3A_365 : i32
      %add3A_367 = arith.constant 0 : i32
      %add3A_368 = arith.addi %mul3A_366, %add3A_367 : i32
      %dma_start3A_369 = arith.constant 0 : i32
      %dma_start3A_370 = arith.constant 0 : i32
      %dma_start3A_371 = tpu.memref_slice %arg9[%dma_start3A_369, %dma_start3A_370] : memref<160x128xbf16, #tpu.memory_space<vmem>> -> memref<80x128xbf16, #tpu.memory_space<vmem>>
      %dma_start3A_372 = tpu.memref_slice %arg7[%add3A_368] : memref<10000xi32, #tpu.memory_space<vmem>> -> memref<80xi32, #tpu.memory_space<vmem>>
      %dma_start3A_373 = arith.constant 0 : i32
      %dma_start3A_374 = arith.constant 0 : i32
      %dma_start3A_375 = tpu.memref_slice %arg6[%dma_start3A_373, %dma_start3A_374] : memref<10000x128xbf16, #tpu.memory_space<vmem_shared>> -> memref<10000x128xbf16, #tpu.memory_space<vmem_shared>>
      tpu.enqueue_indirect_dma source(%dma_start3A_375 : memref<10000x128xbf16, #tpu.memory_space<vmem_shared>>) target(%dma_start3A_371 : memref<80x128xbf16, #tpu.memory_space<vmem>>) offsets(%dma_start3A_372 : memref<80xi32, #tpu.memory_space<vmem>>) semaphore(%arg15 : memref<!tpu.dma_semaphore, #tpu.memory_space<semaphore_mem>>)
      %dma_start3A_376 = arith.constant 0 : i32
      %dma_start3A_377 = arith.constant 0 : i32
      %dma_start3A_378 = tpu.memref_slice %arg10[%dma_start3A_376, %dma_start3A_377] : memref<160x128xbf16, #tpu.memory_space<vmem>> -> memref<80x128xbf16, #tpu.memory_space<vmem>>
      %dma_start3A_379 = tpu.memref_slice %arg8[%add3A_368] : memref<10000xi32, #tpu.memory_space<vmem>> -> memref<80xi32, #tpu.memory_space<vmem>>
      %dma_start3A_380 = arith.constant 0 : i32
      %dma_start3A_381 = arith.constant 0 : i32
      %dma_start3A_382 = tpu.memref_slice %arg6[%dma_start3A_380, %dma_start3A_381] : memref<10000x128xbf16, #tpu.memory_space<vmem_shared>> -> memref<10000x128xbf16, #tpu.memory_space<vmem_shared>>
      tpu.enqueue_indirect_dma source(%dma_start3A_382 : memref<10000x128xbf16, #tpu.memory_space<vmem_shared>>) target(%dma_start3A_378 : memref<80x128xbf16, #tpu.memory_space<vmem>>) offsets(%dma_start3A_379 : memref<80xi32, #tpu.memory_space<vmem>>) semaphore(%arg16 : memref<!tpu.dma_semaphore, #tpu.memory_space<semaphore_mem>>)
      %add3A_383 = arith.constant 80 : i32
      %add3A_384 = arith.addi %mul3A_366, %add3A_383 : i32
      %dma_start3A_385 = arith.constant 80 : i32
      %dma_start3A_386 = arith.constant 0 : i32
      %dma_start3A_387 = tpu.memref_slice %arg9[%dma_start3A_385, %dma_start3A_386] : memref<160x128xbf16, #tpu.memory_space<vmem>> -> memref<80x128xbf16, #tpu.memory_space<vmem>>
      %dma_start3A_388 = tpu.memref_slice %arg7[%add3A_384] : memref<10000xi32, #tpu.memory_space<vmem>> -> memref<80xi32, #tpu.memory_space<vmem>>
      %dma_start3A_389 = arith.constant 0 : i32
      %dma_start3A_390 = arith.constant 0 : i32
      %dma_start3A_391 = tpu.memref_slice %arg6[%dma_start3A_389, %dma_start3A_390] : memref<10000x128xbf16, #tpu.memory_space<vmem_shared>> -> memref<10000x128xbf16, #tpu.memory_space<vmem_shared>>
      tpu.enqueue_indirect_dma source(%dma_start3A_391 : memref<10000x128xbf16, #tpu.memory_space<vmem_shared>>) target(%dma_start3A_387 : memref<80x128xbf16, #tpu.memory_space<vmem>>) offsets(%dma_start3A_388 : memref<80xi32, #tpu.memory_space<vmem>>) semaphore(%arg15 : memref<!tpu.dma_semaphore, #tpu.memory_space<semaphore_mem>>)
      %dma_start3A_392 = arith.constant 80 : i32
      %dma_start3A_393 = arith.constant 0 : i32
      %dma_start3A_394 = tpu.memref_slice %arg10[%dma_start3A_392, %dma_start3A_393] : memref<160x128xbf16, #tpu.memory_space<vmem>> -> memref<80x128xbf16, #tpu.memory_space<vmem>>
      %dma_start3A_395 = tpu.memref_slice %arg8[%add3A_384] : memref<10000xi32, #tpu.memory_space<vmem>> -> memref<80xi32, #tpu.memory_space<vmem>>
      %dma_start3A_396 = arith.constant 0 : i32
      %dma_start3A_397 = arith.constant 0 : i32
      %dma_start3A_398 = tpu.memref_slice %arg6[%dma_start3A_396, %dma_start3A_397] : memref<10000x128xbf16, #tpu.memory_space<vmem_shared>> -> memref<10000x128xbf16, #tpu.memory_space<vmem_shared>>
      tpu.enqueue_indirect_dma source(%dma_start3A_398 : memref<10000x128xbf16, #tpu.memory_space<vmem_shared>>) target(%dma_start3A_394 : memref<80x128xbf16, #tpu.memory_space<vmem>>) offsets(%dma_start3A_395 : memref<80xi32, #tpu.memory_space<vmem>>) semaphore(%arg16 : memref<!tpu.dma_semaphore, #tpu.memory_space<semaphore_mem>>)
      %dma_wait3A_399 = arith.constant 0 : i32
      %dma_wait3A_400 = arith.constant 0 : i32
      %dma_wait3A_401 = tpu.memref_slice %arg11[%dma_wait3A_399, %dma_wait3A_400] : memref<160x128xbf16, #tpu.memory_space<vmem>> -> memref<80x128xbf16, #tpu.memory_space<vmem>>
      %dma_wait3A_402 = arith.constant 0 : i32
      %dma_wait3A_403 = tpu.memref_slice %arg7[%dma_wait3A_402] : memref<10000xi32, #tpu.memory_space<vmem>> -> memref<80xi32, #tpu.memory_space<vmem>>
      %dma_wait3A_404 = arith.constant 0 : i32
      %dma_wait3A_405 = arith.constant 0 : i32
      %dma_wait3A_406 = tpu.memref_slice %arg6[%dma_wait3A_404, %dma_wait3A_405] : memref<10000x128xbf16, #tpu.memory_space<vmem_shared>> -> memref<10000x128xbf16, #tpu.memory_space<vmem_shared>>
      tpu.wait_indirect_dma semaphore(%arg17 : memref<!tpu.dma_semaphore, #tpu.memory_space<semaphore_mem>>) src(%dma_wait3A_406 : memref<10000x128xbf16, #tpu.memory_space<vmem_shared>>) dst(%dma_wait3A_401 : memref<80x128xbf16, #tpu.memory_space<vmem>>)
      %dma_wait3A_407 = arith.constant 0 : i32
      %dma_wait3A_408 = arith.constant 0 : i32
      %dma_wait3A_409 = tpu.memref_slice %arg12[%dma_wait3A_407, %dma_wait3A_408] : memref<160x128xbf16, #tpu.memory_space<vmem>> -> memref<80x128xbf16, #tpu.memory_space<vmem>>
      %dma_wait3A_410 = arith.constant 0 : i32
      %dma_wait3A_411 = tpu.memref_slice %arg8[%dma_wait3A_410] : memref<10000xi32, #tpu.memory_space<vmem>> -> memref<80xi32, #tpu.memory_space<vmem>>
      %dma_wait3A_412 = arith.constant 0 : i32
      %dma_wait3A_413 = arith.constant 0 : i32
      %dma_wait3A_414 = tpu.memref_slice %arg6[%dma_wait3A_412, %dma_wait3A_413] : memref<10000x128xbf16, #tpu.memory_space<vmem_shared>> -> memref<10000x128xbf16, #tpu.memory_space<vmem_shared>>
      tpu.wait_indirect_dma semaphore(%arg18 : memref<!tpu.dma_semaphore, #tpu.memory_space<semaphore_mem>>) src(%dma_wait3A_414 : memref<10000x128xbf16, #tpu.memory_space<vmem_shared>>) dst(%dma_wait3A_409 : memref<80x128xbf16, #tpu.memory_space<vmem>>)
      %dma_wait3A_415 = arith.constant 80 : i32
      %dma_wait3A_416 = arith.constant 0 : i32
      %dma_wait3A_417 = tpu.memref_slice %arg11[%dma_wait3A_415, %dma_wait3A_416] : memref<160x128xbf16, #tpu.memory_space<vmem>> -> memref<80x128xbf16, #tpu.memory_space<vmem>>
      %dma_wait3A_418 = arith.constant 0 : i32
      %dma_wait3A_419 = tpu.memref_slice %arg7[%dma_wait3A_418] : memref<10000xi32, #tpu.memory_space<vmem>> -> memref<80xi32, #tpu.memory_space<vmem>>
      %dma_wait3A_420 = arith.constant 0 : i32
      %dma_wait3A_421 = arith.constant 0 : i32
      %dma_wait3A_422 = tpu.memref_slice %arg6[%dma_wait3A_420, %dma_wait3A_421] : memref<10000x128xbf16, #tpu.memory_space<vmem_shared>> -> memref<10000x128xbf16, #tpu.memory_space<vmem_shared>>
      tpu.wait_indirect_dma semaphore(%arg17 : memref<!tpu.dma_semaphore, #tpu.memory_space<semaphore_mem>>) src(%dma_wait3A_422 : memref<10000x128xbf16, #tpu.memory_space<vmem_shared>>) dst(%dma_wait3A_417 : memref<80x128xbf16, #tpu.memory_space<vmem>>)
      %dma_wait3A_423 = arith.constant 80 : i32
      %dma_wait3A_424 = arith.constant 0 : i32
      %dma_wait3A_425 = tpu.memref_slice %arg12[%dma_wait3A_423, %dma_wait3A_424] : memref<160x128xbf16, #tpu.memory_space<vmem>> -> memref<80x128xbf16, #tpu.memory_space<vmem>>
      %dma_wait3A_426 = arith.constant 0 : i32
      %dma_wait3A_427 = tpu.memref_slice %arg8[%dma_wait3A_426] : memref<10000xi32, #tpu.memory_space<vmem>> -> memref<80xi32, #tpu.memory_space<vmem>>
      %dma_wait3A_428 = arith.constant 0 : i32
      %dma_wait3A_429 = arith.constant 0 : i32
      %dma_wait3A_430 = tpu.memref_slice %arg6[%dma_wait3A_428, %dma_wait3A_429] : memref<10000x128xbf16, #tpu.memory_space<vmem_shared>> -> memref<10000x128xbf16, #tpu.memory_space<vmem_shared>>
      tpu.wait_indirect_dma semaphore(%arg18 : memref<!tpu.dma_semaphore, #tpu.memory_space<semaphore_mem>>) src(%dma_wait3A_430 : memref<10000x128xbf16, #tpu.memory_space<vmem_shared>>) dst(%dma_wait3A_425 : memref<80x128xbf16, #tpu.memory_space<vmem>>)
      %add3A_431 = arith.constant 1 : i32
      %add3A_432 = arith.addi %mul3A_286, %add3A_431 : i32
      %mul3A_433 = arith.constant 160 : i32
      %mul3A_434 = arith.muli %add3A_432, %mul3A_433 : i32
      %parallel_loop3A_435 = arith.constant 0 : i32
      %parallel_loop3A_436 = arith.constant 160 : i32
      %parallel_loop3A_437 = arith.constant 1 : i32
      scf.for %parallel_loop3A_441 = %parallel_loop3A_435 to %parallel_loop3A_436 step %parallel_loop3A_437  : i32 {
        %parallel_loop3A_442 = arith.index_cast %parallel_loop3A_441 : i32 to index
        %parallel_loop3A_443 = arith.constant 0 : index
        %parallel_loop3A_444 = tpu.vector_load %arg11[%parallel_loop3A_442, %parallel_loop3A_443] {strides = array<i32>} : memref<160x128xbf16, #tpu.memory_space<vmem>>, vector<32xbf16>,
        %parallel_loop3A_445 = arith.index_cast %parallel_loop3A_441 : i32 to index
        %parallel_loop3A_446 = arith.constant 0 : index
        %parallel_loop3A_447 = tpu.vector_load %arg12[%parallel_loop3A_445, %parallel_loop3A_446] {strides = array<i32>} : memref<160x128xbf16, #tpu.memory_space<vmem>>, vector<32xbf16>,
        %parallel_loop3A_448 = arith.mulf %parallel_loop3A_444, %parallel_loop3A_447 : vector<32xbf16>
        %parallel_loop3A_449 = vector.bitcast %parallel_loop3A_448 : vector<32xbf16> to vector<16xi32>
        %parallel_loop3A_450 = arith.constant 16 : i32
        %parallel_loop3A_451 = vector.broadcast %parallel_loop3A_450 : i32 to vector<16xi32>
        %parallel_loop3A_452 = arith.shli %parallel_loop3A_449, %parallel_loop3A_451 : vector<16xi32>
        %parallel_loop3A_453 = vector.bitcast %parallel_loop3A_452 : vector<16xi32> to vector<16xf32>
        %parallel_loop3A_454 = arith.andi %parallel_loop3A_449, %broadcast_in_dim3A_103 : vector<16xi32>
        %parallel_loop3A_455 = vector.bitcast %parallel_loop3A_454 : vector<16xi32> to vector<16xf32>
        %parallel_loop3A_456 = arith.index_cast %parallel_loop3A_441 : i32 to index
        %parallel_loop3A_457 = arith.constant 32 : index
        %parallel_loop3A_458 = tpu.vector_load %arg11[%parallel_loop3A_456, %parallel_loop3A_457] {strides = array<i32>} : memref<160x128xbf16, #tpu.memory_space<vmem>>, vector<32xbf16>,
        %parallel_loop3A_459 = arith.index_cast %parallel_loop3A_441 : i32 to index
        %parallel_loop3A_460 = arith.constant 32 : index
        %parallel_loop3A_461 = tpu.vector_load %arg12[%parallel_loop3A_459, %parallel_loop3A_460] {strides = array<i32>} : memref<160x128xbf16, #tpu.memory_space<vmem>>, vector<32xbf16>,
        %parallel_loop3A_462 = arith.mulf %parallel_loop3A_458, %parallel_loop3A_461 : vector<32xbf16>
        %parallel_loop3A_463 = vector.bitcast %parallel_loop3A_462 : vector<32xbf16> to vector<16xi32>
        %parallel_loop3A_464 = arith.constant 16 : i32
        %parallel_loop3A_465 = vector.broadcast %parallel_loop3A_464 : i32 to vector<16xi32>
        %parallel_loop3A_466 = arith.shli %parallel_loop3A_463, %parallel_loop3A_465 : vector<16xi32>
        %parallel_loop3A_467 = vector.bitcast %parallel_loop3A_466 : vector<16xi32> to vector<16xf32>
        %parallel_loop3A_468 = arith.andi %parallel_loop3A_463, %broadcast_in_dim3A_103 : vector<16xi32>
        %parallel_loop3A_469 = vector.bitcast %parallel_loop3A_468 : vector<16xi32> to vector<16xf32>
        %parallel_loop3A_470 = arith.index_cast %parallel_loop3A_441 : i32 to index
        %parallel_loop3A_471 = arith.constant 64 : index
        %parallel_loop3A_472 = tpu.vector_load %arg11[%parallel_loop3A_470, %parallel_loop3A_471] {strides = array<i32>} : memref<160x128xbf16, #tpu.memory_space<vmem>>, vector<32xbf16>,
        %parallel_loop3A_473 = arith.index_cast %parallel_loop3A_441 : i32 to index
        %parallel_loop3A_474 = arith.constant 64 : index
        %parallel_loop3A_475 = tpu.vector_load %arg12[%parallel_loop3A_473, %parallel_loop3A_474] {strides = array<i32>} : memref<160x128xbf16, #tpu.memory_space<vmem>>, vector<32xbf16>,
        %parallel_loop3A_476 = arith.mulf %parallel_loop3A_472, %parallel_loop3A_475 : vector<32xbf16>
        %parallel_loop3A_477 = vector.bitcast %parallel_loop3A_476 : vector<32xbf16> to vector<16xi32>
        %parallel_loop3A_478 = arith.constant 16 : i32
        %parallel_loop3A_479 = vector.broadcast %parallel_loop3A_478 : i32 to vector<16xi32>
        %parallel_loop3A_480 = arith.shli %parallel_loop3A_477, %parallel_loop3A_479 : vector<16xi32>
        %parallel_loop3A_481 = vector.bitcast %parallel_loop3A_480 : vector<16xi32> to vector<16xf32>
        %parallel_loop3A_482 = arith.andi %parallel_loop3A_477, %broadcast_in_dim3A_103 : vector<16xi32>
        %parallel_loop3A_483 = vector.bitcast %parallel_loop3A_482 : vector<16xi32> to vector<16xf32>
        %parallel_loop3A_484 = arith.index_cast %parallel_loop3A_441 : i32 to index
        %parallel_loop3A_485 = arith.constant 96 : index
        %parallel_loop3A_486 = tpu.vector_load %arg11[%parallel_loop3A_484, %parallel_loop3A_485] {strides = array<i32>} : memref<160x128xbf16, #tpu.memory_space<vmem>>, vector<32xbf16>,
        %parallel_loop3A_487 = arith.index_cast %parallel_loop3A_441 : i32 to index
        %parallel_loop3A_488 = arith.constant 96 : index
        %parallel_loop3A_489 = tpu.vector_load %arg12[%parallel_loop3A_487, %parallel_loop3A_488] {strides = array<i32>} : memref<160x128xbf16, #tpu.memory_space<vmem>>, vector<32xbf16>,
        %parallel_loop3A_490 = arith.mulf %parallel_loop3A_486, %parallel_loop3A_489 : vector<32xbf16>
        %parallel_loop3A_491 = vector.bitcast %parallel_loop3A_490 : vector<32xbf16> to vector<16xi32>
        %parallel_loop3A_492 = arith.constant 16 : i32
        %parallel_loop3A_493 = vector.broadcast %parallel_loop3A_492 : i32 to vector<16xi32>
        %parallel_loop3A_494 = arith.shli %parallel_loop3A_491, %parallel_loop3A_493 : vector<16xi32>
        %parallel_loop3A_495 = vector.bitcast %parallel_loop3A_494 : vector<16xi32> to vector<16xf32>
        %parallel_loop3A_496 = arith.andi %parallel_loop3A_491, %broadcast_in_dim3A_103 : vector<16xi32>
        %parallel_loop3A_497 = vector.bitcast %parallel_loop3A_496 : vector<16xi32> to vector<16xf32>
        %parallel_loop3A_498 = arith.addf %parallel_loop3A_453, %parallel_loop3A_455 : vector<16xf32>
        %parallel_loop3A_499 = arith.addf %parallel_loop3A_467, %parallel_loop3A_469 : vector<16xf32>
        %parallel_loop3A_500 = arith.addf %parallel_loop3A_481, %parallel_loop3A_483 : vector<16xf32>
        %parallel_loop3A_501 = arith.addf %parallel_loop3A_495, %parallel_loop3A_497 : vector<16xf32>
        %parallel_loop3A_502 = arith.addf %parallel_loop3A_498, %parallel_loop3A_499 : vector<16xf32>
        %parallel_loop3A_503 = arith.addf %parallel_loop3A_500, %parallel_loop3A_501 : vector<16xf32>
        %parallel_loop3A_504 = arith.addf %parallel_loop3A_502, %parallel_loop3A_503 : vector<16xf32>
        %parallel_loop3A_505 = arith.constant 17 : i32
        %parallel_loop3A_506 = arith.muli %parallel_loop3A_505, %parallel_loop3A_441 : i32
        %parallel_loop3A_507 = arith.index_cast %parallel_loop3A_506 : i32 to index
        %parallel_loop3A_508 = tpu.vector_load %arg13[%parallel_loop3A_507] {strides = array<i32>} : memref<2720xf32, #tpu.memory_space<vmem>>, vector<16xf32>,
        tpu.vector_store %arg13[%parallel_loop3A_507], %parallel_loop3A_504 {strides = array<i32>} : memref<2720xf32, #tpu.memory_space<vmem>>, vector<16xf32>,
      } {sc.loop_unroll_factor = 4 : i64, sc.parallel_access}
      %parallel_loop3A_438 = arith.constant 0 : i32
      %parallel_loop3A_439 = arith.constant 10 : i32
      %parallel_loop3A_440 = arith.constant 1 : i32
      scf.for %parallel_loop3A_441 = %parallel_loop3A_438 to %parallel_loop3A_439 step %parallel_loop3A_440  : i32 {
        %parallel_loop3A_442 = arith.constant 16 : i32
        %parallel_loop3A_443 = arith.muli %parallel_loop3A_441, %parallel_loop3A_442 : i32
        %parallel_loop3A_444 = arith.constant 272 : i32
        %parallel_loop3A_445 = arith.muli %parallel_loop3A_441, %parallel_loop3A_444 : i32
        %parallel_loop3A_446 = vector.broadcast %parallel_loop3A_445 : i32 to vector<16xi32>
        %parallel_loop3A_447 = arith.addi %add3A_12, %parallel_loop3A_446 : vector<16xi32>
        %parallel_loop3A_448 = tpu.vector_load_idx %arg13[%parallel_loop3A_447] : memref<2720xf32, #tpu.memory_space<vmem>>[vector<16xi32>], vector<16xf32>,
        %parallel_loop3A_449 = vector.broadcast %parallel_loop3A_445 : i32 to vector<16xi32>
        %parallel_loop3A_450 = arith.addi %add3A_18, %parallel_loop3A_449 : vector<16xi32>
        %parallel_loop3A_451 = tpu.vector_load_idx %arg13[%parallel_loop3A_450] : memref<2720xf32, #tpu.memory_space<vmem>>[vector<16xi32>], vector<16xf32>,
        %parallel_loop3A_452 = vector.broadcast %parallel_loop3A_445 : i32 to vector<16xi32>
        %parallel_loop3A_453 = arith.addi %add3A_24, %parallel_loop3A_452 : vector<16xi32>
        %parallel_loop3A_454 = tpu.vector_load_idx %arg13[%parallel_loop3A_453] : memref<2720xf32, #tpu.memory_space<vmem>>[vector<16xi32>], vector<16xf32>,
        %parallel_loop3A_455 = vector.broadcast %parallel_loop3A_445 : i32 to vector<16xi32>
        %parallel_loop3A_456 = arith.addi %add3A_30, %parallel_loop3A_455 : vector<16xi32>
        %parallel_loop3A_457 = tpu.vector_load_idx %arg13[%parallel_loop3A_456] : memref<2720xf32, #tpu.memory_space<vmem>>[vector<16xi32>], vector<16xf32>,
        %parallel_loop3A_458 = vector.broadcast %parallel_loop3A_445 : i32 to vector<16xi32>
        %parallel_loop3A_459 = arith.addi %add3A_36, %parallel_loop3A_458 : vector<16xi32>
        %parallel_loop3A_460 = tpu.vector_load_idx %arg13[%parallel_loop3A_459] : memref<2720xf32, #tpu.memory_space<vmem>>[vector<16xi32>], vector<16xf32>,
        %parallel_loop3A_461 = vector.broadcast %parallel_loop3A_445 : i32 to vector<16xi32>
        %parallel_loop3A_462 = arith.addi %add3A_42, %parallel_loop3A_461 : vector<16xi32>
        %parallel_loop3A_463 = tpu.vector_load_idx %arg13[%parallel_loop3A_462] : memref<2720xf32, #tpu.memory_space<vmem>>[vector<16xi32>], vector<16xf32>,
        %parallel_loop3A_464 = vector.broadcast %parallel_loop3A_445 : i32 to vector<16xi32>
        %parallel_loop3A_465 = arith.addi %add3A_48, %parallel_loop3A_464 : vector<16xi32>
        %parallel_loop3A_466 = tpu.vector_load_idx %arg13[%parallel_loop3A_465] : memref<2720xf32, #tpu.memory_space<vmem>>[vector<16xi32>], vector<16xf32>,
        %parallel_loop3A_467 = vector.broadcast %parallel_loop3A_445 : i32 to vector<16xi32>
        %parallel_loop3A_468 = arith.addi %add3A_54, %parallel_loop3A_467 : vector<16xi32>
        %parallel_loop3A_469 = tpu.vector_load_idx %arg13[%parallel_loop3A_468] : memref<2720xf32, #tpu.memory_space<vmem>>[vector<16xi32>], vector<16xf32>,
        %parallel_loop3A_470 = vector.broadcast %parallel_loop3A_445 : i32 to vector<16xi32>
        %parallel_loop3A_471 = arith.addi %add3A_60, %parallel_loop3A_470 : vector<16xi32>
        %parallel_loop3A_472 = tpu.vector_load_idx %arg13[%parallel_loop3A_471] : memref<2720xf32, #tpu.memory_space<vmem>>[vector<16xi32>], vector<16xf32>,
        %parallel_loop3A_473 = vector.broadcast %parallel_loop3A_445 : i32 to vector<16xi32>
        %parallel_loop3A_474 = arith.addi %add3A_66, %parallel_loop3A_473 : vector<16xi32>
        %parallel_loop3A_475 = tpu.vector_load_idx %arg13[%parallel_loop3A_474] : memref<2720xf32, #tpu.memory_space<vmem>>[vector<16xi32>], vector<16xf32>,
        %parallel_loop3A_476 = vector.broadcast %parallel_loop3A_445 : i32 to vector<16xi32>
        %parallel_loop3A_477 = arith.addi %add3A_72, %parallel_loop3A_476 : vector<16xi32>
        %parallel_loop3A_478 = tpu.vector_load_idx %arg13[%parallel_loop3A_477] : memref<2720xf32, #tpu.memory_space<vmem>>[vector<16xi32>], vector<16xf32>,
        %parallel_loop3A_479 = vector.broadcast %parallel_loop3A_445 : i32 to vector<16xi32>
        %parallel_loop3A_480 = arith.addi %add3A_78, %parallel_loop3A_479 : vector<16xi32>
        %parallel_loop3A_481 = tpu.vector_load_idx %arg13[%parallel_loop3A_480] : memref<2720xf32, #tpu.memory_space<vmem>>[vector<16xi32>], vector<16xf32>,
        %parallel_loop3A_482 = vector.broadcast %parallel_loop3A_445 : i32 to vector<16xi32>
        %parallel_loop3A_483 = arith.addi %add3A_84, %parallel_loop3A_482 : vector<16xi32>
        %parallel_loop3A_484 = tpu.vector_load_idx %arg13[%parallel_loop3A_483] : memref<2720xf32, #tpu.memory_space<vmem>>[vector<16xi32>], vector<16xf32>,
        %parallel_loop3A_485 = vector.broadcast %parallel_loop3A_445 : i32 to vector<16xi32>
        %parallel_loop3A_486 = arith.addi %add3A_90, %parallel_loop3A_485 : vector<16xi32>
        %parallel_loop3A_487 = tpu.vector_load_idx %arg13[%parallel_loop3A_486] : memref<2720xf32, #tpu.memory_space<vmem>>[vector<16xi32>], vector<16xf32>,
        %parallel_loop3A_488 = vector.broadcast %parallel_loop3A_445 : i32 to vector<16xi32>
        %parallel_loop3A_489 = arith.addi %add3A_96, %parallel_loop3A_488 : vector<16xi32>
        %parallel_loop3A_490 = tpu.vector_load_idx %arg13[%parallel_loop3A_489] : memref<2720xf32, #tpu.memory_space<vmem>>[vector<16xi32>], vector<16xf32>,
        %parallel_loop3A_491 = vector.broadcast %parallel_loop3A_445 : i32 to vector<16xi32>
        %parallel_loop3A_492 = arith.addi %add3A_102, %parallel_loop3A_491 : vector<16xi32>
        %parallel_loop3A_493 = tpu.vector_load_idx %arg13[%parallel_loop3A_492] : memref<2720xf32, #tpu.memory_space<vmem>>[vector<16xi32>], vector<16xf32>,
        %parallel_loop3A_494 = arith.addf %parallel_loop3A_448, %parallel_loop3A_451 : vector<16xf32>
        %parallel_loop3A_495 = arith.addf %parallel_loop3A_454, %parallel_loop3A_457 : vector<16xf32>
        %parallel_loop3A_496 = arith.addf %parallel_loop3A_460, %parallel_loop3A_463 : vector<16xf32>
        %parallel_loop3A_497 = arith.addf %parallel_loop3A_466, %parallel_loop3A_469 : vector<16xf32>
        %parallel_loop3A_498 = arith.addf %parallel_loop3A_472, %parallel_loop3A_475 : vector<16xf32>
        %parallel_loop3A_499 = arith.addf %parallel_loop3A_478, %parallel_loop3A_481 : vector<16xf32>
        %parallel_loop3A_500 = arith.addf %parallel_loop3A_484, %parallel_loop3A_487 : vector<16xf32>
        %parallel_loop3A_501 = arith.addf %parallel_loop3A_490, %parallel_loop3A_493 : vector<16xf32>
        %parallel_loop3A_502 = arith.addf %parallel_loop3A_494, %parallel_loop3A_495 : vector<16xf32>
        %parallel_loop3A_503 = arith.addf %parallel_loop3A_496, %parallel_loop3A_497 : vector<16xf32>
        %parallel_loop3A_504 = arith.addf %parallel_loop3A_498, %parallel_loop3A_499 : vector<16xf32>
        %parallel_loop3A_505 = arith.addf %parallel_loop3A_500, %parallel_loop3A_501 : vector<16xf32>
        %parallel_loop3A_506 = arith.addf %parallel_loop3A_502, %parallel_loop3A_503 : vector<16xf32>
        %parallel_loop3A_507 = arith.addf %parallel_loop3A_504, %parallel_loop3A_505 : vector<16xf32>
        %parallel_loop3A_508 = arith.addf %parallel_loop3A_506, %parallel_loop3A_507 : vector<16xf32>
        %parallel_loop3A_509 = arith.constant 0.000000e+00 : f32
        %parallel_loop3A_510 = vector.broadcast %parallel_loop3A_509 : f32 to vector<16xf32>
        %parallel_loop3A_511 = arith.subf %parallel_loop3A_510, %parallel_loop3A_508 : vector<16xf32>
        %parallel_loop3A_512 = math.exp %parallel_loop3A_511 : vector<16xf32>
        %parallel_loop3A_513 = arith.constant 1.000000e+00 : f32
        %parallel_loop3A_514 = vector.broadcast %parallel_loop3A_513 : f32 to vector<16xf32>
        %parallel_loop3A_515 = arith.addf %parallel_loop3A_514, %parallel_loop3A_512 : vector<16xf32>
        %parallel_loop3A_516 = arith.constant 1.000000e+00 : f32
        %parallel_loop3A_517 = vector.broadcast %parallel_loop3A_516 : f32 to vector<16xf32>
        %parallel_loop3A_518 = arith.divf %parallel_loop3A_517, %parallel_loop3A_515 : vector<16xf32>
        %parallel_loop3A_519 = arith.addi %mul3A_434, %parallel_loop3A_443 : i32
        %parallel_loop3A_520 = arith.index_cast %parallel_loop3A_519 : i32 to index
        %parallel_loop3A_521 = tpu.vector_load %arg14[%parallel_loop3A_520] {strides = array<i32>} : memref<10000xf32, #tpu.memory_space<vmem>>, vector<16xf32>,
        tpu.vector_store %arg14[%parallel_loop3A_520], %parallel_loop3A_518 {strides = array<i32>} : memref<10000xf32, #tpu.memory_space<vmem>>, vector<16xf32>,
      } {sc.loop_unroll_factor = 1 : i64, sc.parallel_access}
    }
    %scan3A_139 = arith.constant 30 : i32
    %dma_start3A_140 = arith.constant 0 : i32
    %dma_start3A_141 = arith.constant 0 : i32
    %dma_start3A_142 = tpu.memref_slice %arg11[%dma_start3A_140, %dma_start3A_141] : memref<160x128xbf16, #tpu.memory_space<vmem>> -> memref<80x128xbf16, #tpu.memory_space<vmem>>
    %dma_start3A_143 = arith.constant 9760 : i32
    %dma_start3A_144 = tpu.memref_slice %arg7[%dma_start3A_143] : memref<10000xi32, #tpu.memory_space<vmem>> -> memref<80xi32, #tpu.memory_space<vmem>>
    %dma_start3A_145 = arith.constant 0 : i32
    %dma_start3A_146 = arith.constant 0 : i32
    %dma_start3A_147 = tpu.memref_slice %arg6[%dma_start3A_145, %dma_start3A_146] : memref<10000x128xbf16, #tpu.memory_space<vmem_shared>> -> memref<10000x128xbf16, #tpu.memory_space<vmem_shared>>
    tpu.enqueue_indirect_dma source(%dma_start3A_147 : memref<10000x128xbf16, #tpu.memory_space<vmem_shared>>) target(%dma_start3A_142 : memref<80x128xbf16, #tpu.memory_space<vmem>>) offsets(%dma_start3A_144 : memref<80xi32, #tpu.memory_space<vmem>>) semaphore(%arg17 : memref<!tpu.dma_semaphore, #tpu.memory_space<semaphore_mem>>)
    %dma_start3A_148 = arith.constant 0 : i32
    %dma_start3A_149 = arith.constant 0 : i32
    %dma_start3A_150 = tpu.memref_slice %arg12[%dma_start3A_148, %dma_start3A_149] : memref<160x128xbf16, #tpu.memory_space<vmem>> -> memref<80x128xbf16, #tpu.memory_space<vmem>>
    %dma_start3A_151 = arith.constant 9760 : i32
    %dma_start3A_152 = tpu.memref_slice %arg8[%dma_start3A_151] : memref<10000xi32, #tpu.memory_space<vmem>> -> memref<80xi32, #tpu.memory_space<vmem>>
    %dma_start3A_153 = arith.constant 0 : i32
    %dma_start3A_154 = arith.constant 0 : i32
    %dma_start3A_155 = tpu.memref_slice %arg6[%dma_start3A_153, %dma_start3A_154] : memref<10000x128xbf16, #tpu.memory_space<vmem_shared>> -> memref<10000x128xbf16, #tpu.memory_space<vmem_shared>>
    tpu.enqueue_indirect_dma source(%dma_start3A_155 : memref<10000x128xbf16, #tpu.memory_space<vmem_shared>>) target(%dma_start3A_150 : memref<80x128xbf16, #tpu.memory_space<vmem>>) offsets(%dma_start3A_152 : memref<80xi32, #tpu.memory_space<vmem>>) semaphore(%arg18 : memref<!tpu.dma_semaphore, #tpu.memory_space<semaphore_mem>>)
    %dma_start3A_156 = arith.constant 80 : i32
    %dma_start3A_157 = arith.constant 0 : i32
    %dma_start3A_158 = tpu.memref_slice %arg11[%dma_start3A_156, %dma_start3A_157] : memref<160x128xbf16, #tpu.memory_space<vmem>> -> memref<80x128xbf16, #tpu.memory_space<vmem>>
    %dma_start3A_159 = arith.constant 9840 : i32
    %dma_start3A_160 = tpu.memref_slice %arg7[%dma_start3A_159] : memref<10000xi32, #tpu.memory_space<vmem>> -> memref<80xi32, #tpu.memory_space<vmem>>
    %dma_start3A_161 = arith.constant 0 : i32
    %dma_start3A_162 = arith.constant 0 : i32
    %dma_start3A_163 = tpu.memref_slice %arg6[%dma_start3A_161, %dma_start3A_162] : memref<10000x128xbf16, #tpu.memory_space<vmem_shared>> -> memref<10000x128xbf16, #tpu.memory_space<vmem_shared>>
    tpu.enqueue_indirect_dma source(%dma_start3A_163 : memref<10000x128xbf16, #tpu.memory_space<vmem_shared>>) target(%dma_start3A_158 : memref<80x128xbf16, #tpu.memory_space<vmem>>) offsets(%dma_start3A_160 : memref<80xi32, #tpu.memory_space<vmem>>) semaphore(%arg17 : memref<!tpu.dma_semaphore, #tpu.memory_space<semaphore_mem>>)
    %dma_start3A_164 = arith.constant 80 : i32
    %dma_start3A_165 = arith.constant 0 : i32
    %dma_start3A_166 = tpu.memref_slice %arg12[%dma_start3A_164, %dma_start3A_165] : memref<160x128xbf16, #tpu.memory_space<vmem>> -> memref<80x128xbf16, #tpu.memory_space<vmem>>
    %dma_start3A_167 = arith.constant 9840 : i32
    %dma_start3A_168 = tpu.memref_slice %arg8[%dma_start3A_167] : memref<10000xi32, #tpu.memory_space<vmem>> -> memref<80xi32, #tpu.memory_space<vmem>>
    %dma_start3A_169 = arith.constant 0 : i32
    %dma_start3A_170 = arith.constant 0 : i32
    %dma_start3A_171 = tpu.memref_slice %arg6[%dma_start3A_169, %dma_start3A_170] : memref<10000x128xbf16, #tpu.memory_space<vmem_shared>> -> memref<10000x128xbf16, #tpu.memory_space<vmem_shared>>
    tpu.enqueue_indirect_dma source(%dma_start3A_171 : memref<10000x128xbf16, #tpu.memory_space<vmem_shared>>) target(%dma_start3A_166 : memref<80x128xbf16, #tpu.memory_space<vmem>>) offsets(%dma_start3A_168 : memref<80xi32, #tpu.memory_space<vmem>>) semaphore(%arg18 : memref<!tpu.dma_semaphore, #tpu.memory_space<semaphore_mem>>)
    %dma_wait3A = arith.constant 0 : i32
    %dma_wait3A_172 = arith.constant 0 : i32
    %dma_wait3A_173 = tpu.memref_slice %arg9[%dma_wait3A, %dma_wait3A_172] : memref<160x128xbf16, #tpu.memory_space<vmem>> -> memref<80x128xbf16, #tpu.memory_space<vmem>>
    %dma_wait3A_174 = arith.constant 0 : i32
    %dma_wait3A_175 = tpu.memref_slice %arg7[%dma_wait3A_174] : memref<10000xi32, #tpu.memory_space<vmem>> -> memref<80xi32, #tpu.memory_space<vmem>>
    %dma_wait3A_176 = arith.constant 0 : i32
    %dma_wait3A_177 = arith.constant 0 : i32
    %dma_wait3A_178 = tpu.memref_slice %arg6[%dma_wait3A_176, %dma_wait3A_177] : memref<10000x128xbf16, #tpu.memory_space<vmem_shared>> -> memref<10000x128xbf16, #tpu.memory_space<vmem_shared>>
    tpu.wait_indirect_dma semaphore(%arg15 : memref<!tpu.dma_semaphore, #tpu.memory_space<semaphore_mem>>) src(%dma_wait3A_178 : memref<10000x128xbf16, #tpu.memory_space<vmem_shared>>) dst(%dma_wait3A_173 : memref<80x128xbf16, #tpu.memory_space<vmem>>)
    %dma_wait3A_179 = arith.constant 0 : i32
    %dma_wait3A_180 = arith.constant 0 : i32
    %dma_wait3A_181 = tpu.memref_slice %arg10[%dma_wait3A_179, %dma_wait3A_180] : memref<160x128xbf16, #tpu.memory_space<vmem>> -> memref<80x128xbf16, #tpu.memory_space<vmem>>
    %dma_wait3A_182 = arith.constant 0 : i32
    %dma_wait3A_183 = tpu.memref_slice %arg8[%dma_wait3A_182] : memref<10000xi32, #tpu.memory_space<vmem>> -> memref<80xi32, #tpu.memory_space<vmem>>
    %dma_wait3A_184 = arith.constant 0 : i32
    %dma_wait3A_185 = arith.constant 0 : i32
    %dma_wait3A_186 = tpu.memref_slice %arg6[%dma_wait3A_184, %dma_wait3A_185] : memref<10000x128xbf16, #tpu.memory_space<vmem_shared>> -> memref<10000x128xbf16, #tpu.memory_space<vmem_shared>>
    tpu.wait_indirect_dma semaphore(%arg16 : memref<!tpu.dma_semaphore, #tpu.memory_space<semaphore_mem>>) src(%dma_wait3A_186 : memref<10000x128xbf16, #tpu.memory_space<vmem_shared>>) dst(%dma_wait3A_181 : memref<80x128xbf16, #tpu.memory_space<vmem>>)
    %dma_wait3A_187 = arith.constant 80 : i32
    %dma_wait3A_188 = arith.constant 0 : i32
    %dma_wait3A_189 = tpu.memref_slice %arg9[%dma_wait3A_187, %dma_wait3A_188] : memref<160x128xbf16, #tpu.memory_space<vmem>> -> memref<80x128xbf16, #tpu.memory_space<vmem>>
    %dma_wait3A_190 = arith.constant 0 : i32
    %dma_wait3A_191 = tpu.memref_slice %arg7[%dma_wait3A_190] : memref<10000xi32, #tpu.memory_space<vmem>> -> memref<80xi32, #tpu.memory_space<vmem>>
    %dma_wait3A_192 = arith.constant 0 : i32
    %dma_wait3A_193 = arith.constant 0 : i32
    %dma_wait3A_194 = tpu.memref_slice %arg6[%dma_wait3A_192, %dma_wait3A_193] : memref<10000x128xbf16, #tpu.memory_space<vmem_shared>> -> memref<10000x128xbf16, #tpu.memory_space<vmem_shared>>
    tpu.wait_indirect_dma semaphore(%arg15 : memref<!tpu.dma_semaphore, #tpu.memory_space<semaphore_mem>>) src(%dma_wait3A_194 : memref<10000x128xbf16, #tpu.memory_space<vmem_shared>>) dst(%dma_wait3A_189 : memref<80x128xbf16, #tpu.memory_space<vmem>>)
    %dma_wait3A_195 = arith.constant 80 : i32
    %dma_wait3A_196 = arith.constant 0 : i32
    %dma_wait3A_197 = tpu.memref_slice %arg10[%dma_wait3A_195, %dma_wait3A_196] : memref<160x128xbf16, #tpu.memory_space<vmem>> -> memref<80x128xbf16, #tpu.memory_space<vmem>>
    %dma_wait3A_198 = arith.constant 0 : i32
    %dma_wait3A_199 = tpu.memref_slice %arg8[%dma_wait3A_198] : memref<10000xi32, #tpu.memory_space<vmem>> -> memref<80xi32, #tpu.memory_space<vmem>>
    %dma_wait3A_200 = arith.constant 0 : i32
    %dma_wait3A_201 = arith.constant 0 : i32
    %dma_wait3A_202 = tpu.memref_slice %arg6[%dma_wait3A_200, %dma_wait3A_201] : memref<10000x128xbf16, #tpu.memory_space<vmem_shared>> -> memref<10000x128xbf16, #tpu.memory_space<vmem_shared>>
    tpu.wait_indirect_dma semaphore(%arg16 : memref<!tpu.dma_semaphore, #tpu.memory_space<semaphore_mem>>) src(%dma_wait3A_202 : memref<10000x128xbf16, #tpu.memory_space<vmem_shared>>) dst(%dma_wait3A_197 : memref<80x128xbf16, #tpu.memory_space<vmem>>)
    %parallel_loop3A = arith.constant 0 : i32
    %parallel_loop3A_203 = arith.constant 160 : i32
    %parallel_loop3A_204 = arith.constant 1 : i32
    scf.for %parallel_loop3A_284 = %parallel_loop3A to %parallel_loop3A_203 step %parallel_loop3A_204  : i32 {
      %parallel_loop3A_285 = arith.index_cast %parallel_loop3A_284 : i32 to index
      %parallel_loop3A_286 = arith.constant 0 : index
      %parallel_loop3A_287 = tpu.vector_load %arg9[%parallel_loop3A_285, %parallel_loop3A_286] {strides = array<i32>} : memref<160x128xbf16, #tpu.memory_space<vmem>>, vector<32xbf16>,
      %parallel_loop3A_288 = arith.index_cast %parallel_loop3A_284 : i32 to index
      %parallel_loop3A_289 = arith.constant 0 : index
      %parallel_loop3A_290 = tpu.vector_load %arg10[%parallel_loop3A_288, %parallel_loop3A_289] {strides = array<i32>} : memref<160x128xbf16, #tpu.memory_space<vmem>>, vector<32xbf16>,
      %parallel_loop3A_291 = arith.mulf %parallel_loop3A_287, %parallel_loop3A_290 : vector<32xbf16>
      %parallel_loop3A_292 = vector.bitcast %parallel_loop3A_291 : vector<32xbf16> to vector<16xi32>
      %parallel_loop3A_293 = arith.constant 16 : i32
      %parallel_loop3A_294 = vector.broadcast %parallel_loop3A_293 : i32 to vector<16xi32>
      %parallel_loop3A_295 = arith.shli %parallel_loop3A_292, %parallel_loop3A_294 : vector<16xi32>
      %parallel_loop3A_296 = vector.bitcast %parallel_loop3A_295 : vector<16xi32> to vector<16xf32>
      %parallel_loop3A_297 = arith.andi %parallel_loop3A_292, %broadcast_in_dim3A_103 : vector<16xi32>
      %parallel_loop3A_298 = vector.bitcast %parallel_loop3A_297 : vector<16xi32> to vector<16xf32>
      %parallel_loop3A_299 = arith.index_cast %parallel_loop3A_284 : i32 to index
      %parallel_loop3A_300 = arith.constant 32 : index
      %parallel_loop3A_301 = tpu.vector_load %arg9[%parallel_loop3A_299, %parallel_loop3A_300] {strides = array<i32>} : memref<160x128xbf16, #tpu.memory_space<vmem>>, vector<32xbf16>,
      %parallel_loop3A_302 = arith.index_cast %parallel_loop3A_284 : i32 to index
      %parallel_loop3A_303 = arith.constant 32 : index
      %parallel_loop3A_304 = tpu.vector_load %arg10[%parallel_loop3A_302, %parallel_loop3A_303] {strides = array<i32>} : memref<160x128xbf16, #tpu.memory_space<vmem>>, vector<32xbf16>,
      %parallel_loop3A_305 = arith.mulf %parallel_loop3A_301, %parallel_loop3A_304 : vector<32xbf16>
      %parallel_loop3A_306 = vector.bitcast %parallel_loop3A_305 : vector<32xbf16> to vector<16xi32>
      %parallel_loop3A_307 = arith.constant 16 : i32
      %parallel_loop3A_308 = vector.broadcast %parallel_loop3A_307 : i32 to vector<16xi32>
      %parallel_loop3A_309 = arith.shli %parallel_loop3A_306, %parallel_loop3A_308 : vector<16xi32>
      %parallel_loop3A_310 = vector.bitcast %parallel_loop3A_309 : vector<16xi32> to vector<16xf32>
      %parallel_loop3A_311 = arith.andi %parallel_loop3A_306, %broadcast_in_dim3A_103 : vector<16xi32>
      %parallel_loop3A_312 = vector.bitcast %parallel_loop3A_311 : vector<16xi32> to vector<16xf32>
      %parallel_loop3A_313 = arith.index_cast %parallel_loop3A_284 : i32 to index
      %parallel_loop3A_314 = arith.constant 64 : index
      %parallel_loop3A_315 = tpu.vector_load %arg9[%parallel_loop3A_313, %parallel_loop3A_314] {strides = array<i32>} : memref<160x128xbf16, #tpu.memory_space<vmem>>, vector<32xbf16>,
      %parallel_loop3A_316 = arith.index_cast %parallel_loop3A_284 : i32 to index
      %parallel_loop3A_317 = arith.constant 64 : index
      %parallel_loop3A_318 = tpu.vector_load %arg10[%parallel_loop3A_316, %parallel_loop3A_317] {strides = array<i32>} : memref<160x128xbf16, #tpu.memory_space<vmem>>, vector<32xbf16>,
      %parallel_loop3A_319 = arith.mulf %parallel_loop3A_315, %parallel_loop3A_318 : vector<32xbf16>
      %parallel_loop3A_320 = vector.bitcast %parallel_loop3A_319 : vector<32xbf16> to vector<16xi32>
      %parallel_loop3A_321 = arith.constant 16 : i32
      %parallel_loop3A_322 = vector.broadcast %parallel_loop3A_321 : i32 to vector<16xi32>
      %parallel_loop3A_323 = arith.shli %parallel_loop3A_320, %parallel_loop3A_322 : vector<16xi32>
      %parallel_loop3A_324 = vector.bitcast %parallel_loop3A_323 : vector<16xi32> to vector<16xf32>
      %parallel_loop3A_325 = arith.andi %parallel_loop3A_320, %broadcast_in_dim3A_103 : vector<16xi32>
      %parallel_loop3A_326 = vector.bitcast %parallel_loop3A_325 : vector<16xi32> to vector<16xf32>
      %parallel_loop3A_327 = arith.index_cast %parallel_loop3A_284 : i32 to index
      %parallel_loop3A_328 = arith.constant 96 : index
      %parallel_loop3A_329 = tpu.vector_load %arg9[%parallel_loop3A_327, %parallel_loop3A_328] {strides = array<i32>} : memref<160x128xbf16, #tpu.memory_space<vmem>>, vector<32xbf16>,
      %parallel_loop3A_330 = arith.index_cast %parallel_loop3A_284 : i32 to index
      %parallel_loop3A_331 = arith.constant 96 : index
      %parallel_loop3A_332 = tpu.vector_load %arg10[%parallel_loop3A_330, %parallel_loop3A_331] {strides = array<i32>} : memref<160x128xbf16, #tpu.memory_space<vmem>>, vector<32xbf16>,
      %parallel_loop3A_333 = arith.mulf %parallel_loop3A_329, %parallel_loop3A_332 : vector<32xbf16>
      %parallel_loop3A_334 = vector.bitcast %parallel_loop3A_333 : vector<32xbf16> to vector<16xi32>
      %parallel_loop3A_335 = arith.constant 16 : i32
      %parallel_loop3A_336 = vector.broadcast %parallel_loop3A_335 : i32 to vector<16xi32>
      %parallel_loop3A_337 = arith.shli %parallel_loop3A_334, %parallel_loop3A_336 : vector<16xi32>
      %parallel_loop3A_338 = vector.bitcast %parallel_loop3A_337 : vector<16xi32> to vector<16xf32>
      %parallel_loop3A_339 = arith.andi %parallel_loop3A_334, %broadcast_in_dim3A_103 : vector<16xi32>
      %parallel_loop3A_340 = vector.bitcast %parallel_loop3A_339 : vector<16xi32> to vector<16xf32>
      %parallel_loop3A_341 = arith.addf %parallel_loop3A_296, %parallel_loop3A_298 : vector<16xf32>
      %parallel_loop3A_342 = arith.addf %parallel_loop3A_310, %parallel_loop3A_312 : vector<16xf32>
      %parallel_loop3A_343 = arith.addf %parallel_loop3A_324, %parallel_loop3A_326 : vector<16xf32>
      %parallel_loop3A_344 = arith.addf %parallel_loop3A_338, %parallel_loop3A_340 : vector<16xf32>
      %parallel_loop3A_345 = arith.addf %parallel_loop3A_341, %parallel_loop3A_342 : vector<16xf32>
      %parallel_loop3A_346 = arith.addf %parallel_loop3A_343, %parallel_loop3A_344 : vector<16xf32>
      %parallel_loop3A_347 = arith.addf %parallel_loop3A_345, %parallel_loop3A_346 : vector<16xf32>
      %parallel_loop3A_348 = arith.constant 17 : i32
      %parallel_loop3A_349 = arith.muli %parallel_loop3A_348, %parallel_loop3A_284 : i32
      %parallel_loop3A_350 = arith.index_cast %parallel_loop3A_349 : i32 to index
      %parallel_loop3A_351 = tpu.vector_load %arg13[%parallel_loop3A_350] {strides = array<i32>} : memref<2720xf32, #tpu.memory_space<vmem>>, vector<16xf32>,
      tpu.vector_store %arg13[%parallel_loop3A_350], %parallel_loop3A_347 {strides = array<i32>} : memref<2720xf32, #tpu.memory_space<vmem>>, vector<16xf32>,
    } {sc.loop_unroll_factor = 4 : i64, sc.parallel_access}
    %parallel_loop3A_205 = arith.constant 0 : i32
    %parallel_loop3A_206 = arith.constant 10 : i32
    %parallel_loop3A_207 = arith.constant 1 : i32
    scf.for %parallel_loop3A_284 = %parallel_loop3A_205 to %parallel_loop3A_206 step %parallel_loop3A_207  : i32 {
      %parallel_loop3A_285 = arith.constant 16 : i32
      %parallel_loop3A_286 = arith.muli %parallel_loop3A_284, %parallel_loop3A_285 : i32
      %parallel_loop3A_287 = arith.constant 272 : i32
      %parallel_loop3A_288 = arith.muli %parallel_loop3A_284, %parallel_loop3A_287 : i32
      %parallel_loop3A_289 = vector.broadcast %parallel_loop3A_288 : i32 to vector<16xi32>
      %parallel_loop3A_290 = arith.addi %add3A_12, %parallel_loop3A_289 : vector<16xi32>
      %parallel_loop3A_291 = tpu.vector_load_idx %arg13[%parallel_loop3A_290] : memref<2720xf32, #tpu.memory_space<vmem>>[vector<16xi32>], vector<16xf32>,
      %parallel_loop3A_292 = vector.broadcast %parallel_loop3A_288 : i32 to vector<16xi32>
      %parallel_loop3A_293 = arith.addi %add3A_18, %parallel_loop3A_292 : vector<16xi32>
      %parallel_loop3A_294 = tpu.vector_load_idx %arg13[%parallel_loop3A_293] : memref<2720xf32, #tpu.memory_space<vmem>>[vector<16xi32>], vector<16xf32>,
      %parallel_loop3A_295 = vector.broadcast %parallel_loop3A_288 : i32 to vector<16xi32>
      %parallel_loop3A_296 = arith.addi %add3A_24, %parallel_loop3A_295 : vector<16xi32>
      %parallel_loop3A_297 = tpu.vector_load_idx %arg13[%parallel_loop3A_296] : memref<2720xf32, #tpu.memory_space<vmem>>[vector<16xi32>], vector<16xf32>,
      %parallel_loop3A_298 = vector.broadcast %parallel_loop3A_288 : i32 to vector<16xi32>
      %parallel_loop3A_299 = arith.addi %add3A_30, %parallel_loop3A_298 : vector<16xi32>
      %parallel_loop3A_300 = tpu.vector_load_idx %arg13[%parallel_loop3A_299] : memref<2720xf32, #tpu.memory_space<vmem>>[vector<16xi32>], vector<16xf32>,
      %parallel_loop3A_301 = vector.broadcast %parallel_loop3A_288 : i32 to vector<16xi32>
      %parallel_loop3A_302 = arith.addi %add3A_36, %parallel_loop3A_301 : vector<16xi32>
      %parallel_loop3A_303 = tpu.vector_load_idx %arg13[%parallel_loop3A_302] : memref<2720xf32, #tpu.memory_space<vmem>>[vector<16xi32>], vector<16xf32>,
      %parallel_loop3A_304 = vector.broadcast %parallel_loop3A_288 : i32 to vector<16xi32>
      %parallel_loop3A_305 = arith.addi %add3A_42, %parallel_loop3A_304 : vector<16xi32>
      %parallel_loop3A_306 = tpu.vector_load_idx %arg13[%parallel_loop3A_305] : memref<2720xf32, #tpu.memory_space<vmem>>[vector<16xi32>], vector<16xf32>,
      %parallel_loop3A_307 = vector.broadcast %parallel_loop3A_288 : i32 to vector<16xi32>
      %parallel_loop3A_308 = arith.addi %add3A_48, %parallel_loop3A_307 : vector<16xi32>
      %parallel_loop3A_309 = tpu.vector_load_idx %arg13[%parallel_loop3A_308] : memref<2720xf32, #tpu.memory_space<vmem>>[vector<16xi32>], vector<16xf32>,
      %parallel_loop3A_310 = vector.broadcast %parallel_loop3A_288 : i32 to vector<16xi32>
      %parallel_loop3A_311 = arith.addi %add3A_54, %parallel_loop3A_310 : vector<16xi32>
      %parallel_loop3A_312 = tpu.vector_load_idx %arg13[%parallel_loop3A_311] : memref<2720xf32, #tpu.memory_space<vmem>>[vector<16xi32>], vector<16xf32>,
      %parallel_loop3A_313 = vector.broadcast %parallel_loop3A_288 : i32 to vector<16xi32>
      %parallel_loop3A_314 = arith.addi %add3A_60, %parallel_loop3A_313 : vector<16xi32>
      %parallel_loop3A_315 = tpu.vector_load_idx %arg13[%parallel_loop3A_314] : memref<2720xf32, #tpu.memory_space<vmem>>[vector<16xi32>], vector<16xf32>,
      %parallel_loop3A_316 = vector.broadcast %parallel_loop3A_288 : i32 to vector<16xi32>
      %parallel_loop3A_317 = arith.addi %add3A_66, %parallel_loop3A_316 : vector<16xi32>
      %parallel_loop3A_318 = tpu.vector_load_idx %arg13[%parallel_loop3A_317] : memref<2720xf32, #tpu.memory_space<vmem>>[vector<16xi32>], vector<16xf32>,
      %parallel_loop3A_319 = vector.broadcast %parallel_loop3A_288 : i32 to vector<16xi32>
      %parallel_loop3A_320 = arith.addi %add3A_72, %parallel_loop3A_319 : vector<16xi32>
      %parallel_loop3A_321 = tpu.vector_load_idx %arg13[%parallel_loop3A_320] : memref<2720xf32, #tpu.memory_space<vmem>>[vector<16xi32>], vector<16xf32>,
      %parallel_loop3A_322 = vector.broadcast %parallel_loop3A_288 : i32 to vector<16xi32>
      %parallel_loop3A_323 = arith.addi %add3A_78, %parallel_loop3A_322 : vector<16xi32>
      %parallel_loop3A_324 = tpu.vector_load_idx %arg13[%parallel_loop3A_323] : memref<2720xf32, #tpu.memory_space<vmem>>[vector<16xi32>], vector<16xf32>,
      %parallel_loop3A_325 = vector.broadcast %parallel_loop3A_288 : i32 to vector<16xi32>
      %parallel_loop3A_326 = arith.addi %add3A_84, %parallel_loop3A_325 : vector<16xi32>
      %parallel_loop3A_327 = tpu.vector_load_idx %arg13[%parallel_loop3A_326] : memref<2720xf32, #tpu.memory_space<vmem>>[vector<16xi32>], vector<16xf32>,
      %parallel_loop3A_328 = vector.broadcast %parallel_loop3A_288 : i32 to vector<16xi32>
      %parallel_loop3A_329 = arith.addi %add3A_90, %parallel_loop3A_328 : vector<16xi32>
      %parallel_loop3A_330 = tpu.vector_load_idx %arg13[%parallel_loop3A_329] : memref<2720xf32, #tpu.memory_space<vmem>>[vector<16xi32>], vector<16xf32>,
      %parallel_loop3A_331 = vector.broadcast %parallel_loop3A_288 : i32 to vector<16xi32>
      %parallel_loop3A_332 = arith.addi %add3A_96, %parallel_loop3A_331 : vector<16xi32>
      %parallel_loop3A_333 = tpu.vector_load_idx %arg13[%parallel_loop3A_332] : memref<2720xf32, #tpu.memory_space<vmem>>[vector<16xi32>], vector<16xf32>,
      %parallel_loop3A_334 = vector.broadcast %parallel_loop3A_288 : i32 to vector<16xi32>
      %parallel_loop3A_335 = arith.addi %add3A_102, %parallel_loop3A_334 : vector<16xi32>
      %parallel_loop3A_336 = tpu.vector_load_idx %arg13[%parallel_loop3A_335] : memref<2720xf32, #tpu.memory_space<vmem>>[vector<16xi32>], vector<16xf32>,
      %parallel_loop3A_337 = arith.addf %parallel_loop3A_291, %parallel_loop3A_294 : vector<16xf32>
      %parallel_loop3A_338 = arith.addf %parallel_loop3A_297, %parallel_loop3A_300 : vector<16xf32>
      %parallel_loop3A_339 = arith.addf %parallel_loop3A_303, %parallel_loop3A_306 : vector<16xf32>
      %parallel_loop3A_340 = arith.addf %parallel_loop3A_309, %parallel_loop3A_312 : vector<16xf32>
      %parallel_loop3A_341 = arith.addf %parallel_loop3A_315, %parallel_loop3A_318 : vector<16xf32>
      %parallel_loop3A_342 = arith.addf %parallel_loop3A_321, %parallel_loop3A_324 : vector<16xf32>
      %parallel_loop3A_343 = arith.addf %parallel_loop3A_327, %parallel_loop3A_330 : vector<16xf32>
      %parallel_loop3A_344 = arith.addf %parallel_loop3A_333, %parallel_loop3A_336 : vector<16xf32>
      %parallel_loop3A_345 = arith.addf %parallel_loop3A_337, %parallel_loop3A_338 : vector<16xf32>
      %parallel_loop3A_346 = arith.addf %parallel_loop3A_339, %parallel_loop3A_340 : vector<16xf32>
      %parallel_loop3A_347 = arith.addf %parallel_loop3A_341, %parallel_loop3A_342 : vector<16xf32>
      %parallel_loop3A_348 = arith.addf %parallel_loop3A_343, %parallel_loop3A_344 : vector<16xf32>
      %parallel_loop3A_349 = arith.addf %parallel_loop3A_345, %parallel_loop3A_346 : vector<16xf32>
      %parallel_loop3A_350 = arith.addf %parallel_loop3A_347, %parallel_loop3A_348 : vector<16xf32>
      %parallel_loop3A_351 = arith.addf %parallel_loop3A_349, %parallel_loop3A_350 : vector<16xf32>
      %parallel_loop3A_352 = arith.constant 0.000000e+00 : f32
      %parallel_loop3A_353 = vector.broadcast %parallel_loop3A_352 : f32 to vector<16xf32>
      %parallel_loop3A_354 = arith.subf %parallel_loop3A_353, %parallel_loop3A_351 : vector<16xf32>
      %parallel_loop3A_355 = math.exp %parallel_loop3A_354 : vector<16xf32>
      %parallel_loop3A_356 = arith.constant 1.000000e+00 : f32
      %parallel_loop3A_357 = vector.broadcast %parallel_loop3A_356 : f32 to vector<16xf32>
      %parallel_loop3A_358 = arith.addf %parallel_loop3A_357, %parallel_loop3A_355 : vector<16xf32>
      %parallel_loop3A_359 = arith.constant 1.000000e+00 : f32
      %parallel_loop3A_360 = vector.broadcast %parallel_loop3A_359 : f32 to vector<16xf32>
      %parallel_loop3A_361 = arith.divf %parallel_loop3A_360, %parallel_loop3A_358 : vector<16xf32>
      %parallel_loop3A_362 = arith.constant 9600 : i32
      %parallel_loop3A_363 = arith.addi %parallel_loop3A_362, %parallel_loop3A_286 : i32
      %parallel_loop3A_364 = arith.index_cast %parallel_loop3A_363 : i32 to index
      %parallel_loop3A_365 = tpu.vector_load %arg14[%parallel_loop3A_364] {strides = array<i32>} : memref<10000xf32, #tpu.memory_space<vmem>>, vector<16xf32>,
      tpu.vector_store %arg14[%parallel_loop3A_364], %parallel_loop3A_361 {strides = array<i32>} : memref<10000xf32, #tpu.memory_space<vmem>>, vector<16xf32>,
    } {sc.loop_unroll_factor = 1 : i64, sc.parallel_access}
    %dma_start3A_208 = arith.constant 0 : i32
    %dma_start3A_209 = arith.constant 0 : i32
    %dma_start3A_210 = tpu.memref_slice %arg9[%dma_start3A_208, %dma_start3A_209] : memref<160x128xbf16, #tpu.memory_space<vmem>> -> memref<80x128xbf16, #tpu.memory_space<vmem>>
    %dma_start3A_211 = arith.constant 9920 : i32
    %dma_start3A_212 = tpu.memref_slice %arg7[%dma_start3A_211] : memref<10000xi32, #tpu.memory_space<vmem>> -> memref<80xi32, #tpu.memory_space<vmem>>
    %dma_start3A_213 = arith.constant 0 : i32
    %dma_start3A_214 = arith.constant 0 : i32
    %dma_start3A_215 = tpu.memref_slice %arg6[%dma_start3A_213, %dma_start3A_214] : memref<10000x128xbf16, #tpu.memory_space<vmem_shared>> -> memref<10000x128xbf16, #tpu.memory_space<vmem_shared>>
    tpu.enqueue_indirect_dma source(%dma_start3A_215 : memref<10000x128xbf16, #tpu.memory_space<vmem_shared>>) target(%dma_start3A_210 : memref<80x128xbf16, #tpu.memory_space<vmem>>) offsets(%dma_start3A_212 : memref<80xi32, #tpu.memory_space<vmem>>) semaphore(%arg15 : memref<!tpu.dma_semaphore, #tpu.memory_space<semaphore_mem>>)
    %dma_start3A_216 = arith.constant 0 : i32
    %dma_start3A_217 = arith.constant 0 : i32
    %dma_start3A_218 = tpu.memref_slice %arg10[%dma_start3A_216, %dma_start3A_217] : memref<160x128xbf16, #tpu.memory_space<vmem>> -> memref<80x128xbf16, #tpu.memory_space<vmem>>
    %dma_start3A_219 = arith.constant 9920 : i32
    %dma_start3A_220 = tpu.memref_slice %arg8[%dma_start3A_219] : memref<10000xi32, #tpu.memory_space<vmem>> -> memref<80xi32, #tpu.memory_space<vmem>>
    %dma_start3A_221 = arith.constant 0 : i32
    %dma_start3A_222 = arith.constant 0 : i32
    %dma_start3A_223 = tpu.memref_slice %arg6[%dma_start3A_221, %dma_start3A_222] : memref<10000x128xbf16, #tpu.memory_space<vmem_shared>> -> memref<10000x128xbf16, #tpu.memory_space<vmem_shared>>
    tpu.enqueue_indirect_dma source(%dma_start3A_223 : memref<10000x128xbf16, #tpu.memory_space<vmem_shared>>) target(%dma_start3A_218 : memref<80x128xbf16, #tpu.memory_space<vmem>>) offsets(%dma_start3A_220 : memref<80xi32, #tpu.memory_space<vmem>>) semaphore(%arg16 : memref<!tpu.dma_semaphore, #tpu.memory_space<semaphore_mem>>)
    %dma_wait3A_224 = arith.constant 0 : i32
    %dma_wait3A_225 = arith.constant 0 : i32
    %dma_wait3A_226 = tpu.memref_slice %arg11[%dma_wait3A_224, %dma_wait3A_225] : memref<160x128xbf16, #tpu.memory_space<vmem>> -> memref<80x128xbf16, #tpu.memory_space<vmem>>
    %dma_wait3A_227 = arith.constant 0 : i32
    %dma_wait3A_228 = tpu.memref_slice %arg7[%dma_wait3A_227] : memref<10000xi32, #tpu.memory_space<vmem>> -> memref<80xi32, #tpu.memory_space<vmem>>
    %dma_wait3A_229 = arith.constant 0 : i32
    %dma_wait3A_230 = arith.constant 0 : i32
    %dma_wait3A_231 = tpu.memref_slice %arg6[%dma_wait3A_229, %dma_wait3A_230] : memref<10000x128xbf16, #tpu.memory_space<vmem_shared>> -> memref<10000x128xbf16, #tpu.memory_space<vmem_shared>>
    tpu.wait_indirect_dma semaphore(%arg17 : memref<!tpu.dma_semaphore, #tpu.memory_space<semaphore_mem>>) src(%dma_wait3A_231 : memref<10000x128xbf16, #tpu.memory_space<vmem_shared>>) dst(%dma_wait3A_226 : memref<80x128xbf16, #tpu.memory_space<vmem>>)
    %dma_wait3A_232 = arith.constant 0 : i32
    %dma_wait3A_233 = arith.constant 0 : i32
    %dma_wait3A_234 = tpu.memref_slice %arg12[%dma_wait3A_232, %dma_wait3A_233] : memref<160x128xbf16, #tpu.memory_space<vmem>> -> memref<80x128xbf16, #tpu.memory_space<vmem>>
    %dma_wait3A_235 = arith.constant 0 : i32
    %dma_wait3A_236 = tpu.memref_slice %arg8[%dma_wait3A_235] : memref<10000xi32, #tpu.memory_space<vmem>> -> memref<80xi32, #tpu.memory_space<vmem>>
    %dma_wait3A_237 = arith.constant 0 : i32
    %dma_wait3A_238 = arith.constant 0 : i32
    %dma_wait3A_239 = tpu.memref_slice %arg6[%dma_wait3A_237, %dma_wait3A_238] : memref<10000x128xbf16, #tpu.memory_space<vmem_shared>> -> memref<10000x128xbf16, #tpu.memory_space<vmem_shared>>
    tpu.wait_indirect_dma semaphore(%arg18 : memref<!tpu.dma_semaphore, #tpu.memory_space<semaphore_mem>>) src(%dma_wait3A_239 : memref<10000x128xbf16, #tpu.memory_space<vmem_shared>>) dst(%dma_wait3A_234 : memref<80x128xbf16, #tpu.memory_space<vmem>>)
    %dma_wait3A_240 = arith.constant 80 : i32
    %dma_wait3A_241 = arith.constant 0 : i32
    %dma_wait3A_242 = tpu.memref_slice %arg11[%dma_wait3A_240, %dma_wait3A_241] : memref<160x128xbf16, #tpu.memory_space<vmem>> -> memref<80x128xbf16, #tpu.memory_space<vmem>>
    %dma_wait3A_243 = arith.constant 0 : i32
    %dma_wait3A_244 = tpu.memref_slice %arg7[%dma_wait3A_243] : memref<10000xi32, #tpu.memory_space<vmem>> -> memref<80xi32, #tpu.memory_space<vmem>>
    %dma_wait3A_245 = arith.constant 0 : i32
    %dma_wait3A_246 = arith.constant 0 : i32
    %dma_wait3A_247 = tpu.memref_slice %arg6[%dma_wait3A_245, %dma_wait3A_246] : memref<10000x128xbf16, #tpu.memory_space<vmem_shared>> -> memref<10000x128xbf16, #tpu.memory_space<vmem_shared>>
    tpu.wait_indirect_dma semaphore(%arg17 : memref<!tpu.dma_semaphore, #tpu.memory_space<semaphore_mem>>) src(%dma_wait3A_247 : memref<10000x128xbf16, #tpu.memory_space<vmem_shared>>) dst(%dma_wait3A_242 : memref<80x128xbf16, #tpu.memory_space<vmem>>)
    %dma_wait3A_248 = arith.constant 80 : i32
    %dma_wait3A_249 = arith.constant 0 : i32
    %dma_wait3A_250 = tpu.memref_slice %arg12[%dma_wait3A_248, %dma_wait3A_249] : memref<160x128xbf16, #tpu.memory_space<vmem>> -> memref<80x128xbf16, #tpu.memory_space<vmem>>
    %dma_wait3A_251 = arith.constant 0 : i32
    %dma_wait3A_252 = tpu.memref_slice %arg8[%dma_wait3A_251] : memref<10000xi32, #tpu.memory_space<vmem>> -> memref<80xi32, #tpu.memory_space<vmem>>
    %dma_wait3A_253 = arith.constant 0 : i32
    %dma_wait3A_254 = arith.constant 0 : i32
    %dma_wait3A_255 = tpu.memref_slice %arg6[%dma_wait3A_253, %dma_wait3A_254] : memref<10000x128xbf16, #tpu.memory_space<vmem_shared>> -> memref<10000x128xbf16, #tpu.memory_space<vmem_shared>>
    tpu.wait_indirect_dma semaphore(%arg18 : memref<!tpu.dma_semaphore, #tpu.memory_space<semaphore_mem>>) src(%dma_wait3A_255 : memref<10000x128xbf16, #tpu.memory_space<vmem_shared>>) dst(%dma_wait3A_250 : memref<80x128xbf16, #tpu.memory_space<vmem>>)
    %parallel_loop3A_256 = arith.constant 0 : i32
    %parallel_loop3A_257 = arith.constant 160 : i32
    %parallel_loop3A_258 = arith.constant 1 : i32
    scf.for %parallel_loop3A_284 = %parallel_loop3A_256 to %parallel_loop3A_257 step %parallel_loop3A_258  : i32 {
      %parallel_loop3A_285 = arith.index_cast %parallel_loop3A_284 : i32 to index
      %parallel_loop3A_286 = arith.constant 0 : index
      %parallel_loop3A_287 = tpu.vector_load %arg11[%parallel_loop3A_285, %parallel_loop3A_286] {strides = array<i32>} : memref<160x128xbf16, #tpu.memory_space<vmem>>, vector<32xbf16>,
      %parallel_loop3A_288 = arith.index_cast %parallel_loop3A_284 : i32 to index
      %parallel_loop3A_289 = arith.constant 0 : index
      %parallel_loop3A_290 = tpu.vector_load %arg12[%parallel_loop3A_288, %parallel_loop3A_289] {strides = array<i32>} : memref<160x128xbf16, #tpu.memory_space<vmem>>, vector<32xbf16>,
      %parallel_loop3A_291 = arith.mulf %parallel_loop3A_287, %parallel_loop3A_290 : vector<32xbf16>
      %parallel_loop3A_292 = vector.bitcast %parallel_loop3A_291 : vector<32xbf16> to vector<16xi32>
      %parallel_loop3A_293 = arith.constant 16 : i32
      %parallel_loop3A_294 = vector.broadcast %parallel_loop3A_293 : i32 to vector<16xi32>
      %parallel_loop3A_295 = arith.shli %parallel_loop3A_292, %parallel_loop3A_294 : vector<16xi32>
      %parallel_loop3A_296 = vector.bitcast %parallel_loop3A_295 : vector<16xi32> to vector<16xf32>
      %parallel_loop3A_297 = arith.andi %parallel_loop3A_292, %broadcast_in_dim3A_103 : vector<16xi32>
      %parallel_loop3A_298 = vector.bitcast %parallel_loop3A_297 : vector<16xi32> to vector<16xf32>
      %parallel_loop3A_299 = arith.index_cast %parallel_loop3A_284 : i32 to index
      %parallel_loop3A_300 = arith.constant 32 : index
      %parallel_loop3A_301 = tpu.vector_load %arg11[%parallel_loop3A_299, %parallel_loop3A_300] {strides = array<i32>} : memref<160x128xbf16, #tpu.memory_space<vmem>>, vector<32xbf16>,
      %parallel_loop3A_302 = arith.index_cast %parallel_loop3A_284 : i32 to index
      %parallel_loop3A_303 = arith.constant 32 : index
      %parallel_loop3A_304 = tpu.vector_load %arg12[%parallel_loop3A_302, %parallel_loop3A_303] {strides = array<i32>} : memref<160x128xbf16, #tpu.memory_space<vmem>>, vector<32xbf16>,
      %parallel_loop3A_305 = arith.mulf %parallel_loop3A_301, %parallel_loop3A_304 : vector<32xbf16>
      %parallel_loop3A_306 = vector.bitcast %parallel_loop3A_305 : vector<32xbf16> to vector<16xi32>
      %parallel_loop3A_307 = arith.constant 16 : i32
      %parallel_loop3A_308 = vector.broadcast %parallel_loop3A_307 : i32 to vector<16xi32>
      %parallel_loop3A_309 = arith.shli %parallel_loop3A_306, %parallel_loop3A_308 : vector<16xi32>
      %parallel_loop3A_310 = vector.bitcast %parallel_loop3A_309 : vector<16xi32> to vector<16xf32>
      %parallel_loop3A_311 = arith.andi %parallel_loop3A_306, %broadcast_in_dim3A_103 : vector<16xi32>
      %parallel_loop3A_312 = vector.bitcast %parallel_loop3A_311 : vector<16xi32> to vector<16xf32>
      %parallel_loop3A_313 = arith.index_cast %parallel_loop3A_284 : i32 to index
      %parallel_loop3A_314 = arith.constant 64 : index
      %parallel_loop3A_315 = tpu.vector_load %arg11[%parallel_loop3A_313, %parallel_loop3A_314] {strides = array<i32>} : memref<160x128xbf16, #tpu.memory_space<vmem>>, vector<32xbf16>,
      %parallel_loop3A_316 = arith.index_cast %parallel_loop3A_284 : i32 to index
      %parallel_loop3A_317 = arith.constant 64 : index
      %parallel_loop3A_318 = tpu.vector_load %arg12[%parallel_loop3A_316, %parallel_loop3A_317] {strides = array<i32>} : memref<160x128xbf16, #tpu.memory_space<vmem>>, vector<32xbf16>,
      %parallel_loop3A_319 = arith.mulf %parallel_loop3A_315, %parallel_loop3A_318 : vector<32xbf16>
      %parallel_loop3A_320 = vector.bitcast %parallel_loop3A_319 : vector<32xbf16> to vector<16xi32>
      %parallel_loop3A_321 = arith.constant 16 : i32
      %parallel_loop3A_322 = vector.broadcast %parallel_loop3A_321 : i32 to vector<16xi32>
      %parallel_loop3A_323 = arith.shli %parallel_loop3A_320, %parallel_loop3A_322 : vector<16xi32>
      %parallel_loop3A_324 = vector.bitcast %parallel_loop3A_323 : vector<16xi32> to vector<16xf32>
      %parallel_loop3A_325 = arith.andi %parallel_loop3A_320, %broadcast_in_dim3A_103 : vector<16xi32>
      %parallel_loop3A_326 = vector.bitcast %parallel_loop3A_325 : vector<16xi32> to vector<16xf32>
      %parallel_loop3A_327 = arith.index_cast %parallel_loop3A_284 : i32 to index
      %parallel_loop3A_328 = arith.constant 96 : index
      %parallel_loop3A_329 = tpu.vector_load %arg11[%parallel_loop3A_327, %parallel_loop3A_328] {strides = array<i32>} : memref<160x128xbf16, #tpu.memory_space<vmem>>, vector<32xbf16>,
      %parallel_loop3A_330 = arith.index_cast %parallel_loop3A_284 : i32 to index
      %parallel_loop3A_331 = arith.constant 96 : index
      %parallel_loop3A_332 = tpu.vector_load %arg12[%parallel_loop3A_330, %parallel_loop3A_331] {strides = array<i32>} : memref<160x128xbf16, #tpu.memory_space<vmem>>, vector<32xbf16>,
      %parallel_loop3A_333 = arith.mulf %parallel_loop3A_329, %parallel_loop3A_332 : vector<32xbf16>
      %parallel_loop3A_334 = vector.bitcast %parallel_loop3A_333 : vector<32xbf16> to vector<16xi32>
      %parallel_loop3A_335 = arith.constant 16 : i32
      %parallel_loop3A_336 = vector.broadcast %parallel_loop3A_335 : i32 to vector<16xi32>
      %parallel_loop3A_337 = arith.shli %parallel_loop3A_334, %parallel_loop3A_336 : vector<16xi32>
      %parallel_loop3A_338 = vector.bitcast %parallel_loop3A_337 : vector<16xi32> to vector<16xf32>
      %parallel_loop3A_339 = arith.andi %parallel_loop3A_334, %broadcast_in_dim3A_103 : vector<16xi32>
      %parallel_loop3A_340 = vector.bitcast %parallel_loop3A_339 : vector<16xi32> to vector<16xf32>
      %parallel_loop3A_341 = arith.addf %parallel_loop3A_296, %parallel_loop3A_298 : vector<16xf32>
      %parallel_loop3A_342 = arith.addf %parallel_loop3A_310, %parallel_loop3A_312 : vector<16xf32>
      %parallel_loop3A_343 = arith.addf %parallel_loop3A_324, %parallel_loop3A_326 : vector<16xf32>
      %parallel_loop3A_344 = arith.addf %parallel_loop3A_338, %parallel_loop3A_340 : vector<16xf32>
      %parallel_loop3A_345 = arith.addf %parallel_loop3A_341, %parallel_loop3A_342 : vector<16xf32>
      %parallel_loop3A_346 = arith.addf %parallel_loop3A_343, %parallel_loop3A_344 : vector<16xf32>
      %parallel_loop3A_347 = arith.addf %parallel_loop3A_345, %parallel_loop3A_346 : vector<16xf32>
      %parallel_loop3A_348 = arith.constant 17 : i32
      %parallel_loop3A_349 = arith.muli %parallel_loop3A_348, %parallel_loop3A_284 : i32
      %parallel_loop3A_350 = arith.index_cast %parallel_loop3A_349 : i32 to index
      %parallel_loop3A_351 = tpu.vector_load %arg13[%parallel_loop3A_350] {strides = array<i32>} : memref<2720xf32, #tpu.memory_space<vmem>>, vector<16xf32>,
      tpu.vector_store %arg13[%parallel_loop3A_350], %parallel_loop3A_347 {strides = array<i32>} : memref<2720xf32, #tpu.memory_space<vmem>>, vector<16xf32>,
    } {sc.loop_unroll_factor = 4 : i64, sc.parallel_access}
    %parallel_loop3A_259 = arith.constant 0 : i32
    %parallel_loop3A_260 = arith.constant 10 : i32
    %parallel_loop3A_261 = arith.constant 1 : i32
    scf.for %parallel_loop3A_284 = %parallel_loop3A_259 to %parallel_loop3A_260 step %parallel_loop3A_261  : i32 {
      %parallel_loop3A_285 = arith.constant 16 : i32
      %parallel_loop3A_286 = arith.muli %parallel_loop3A_284, %parallel_loop3A_285 : i32
      %parallel_loop3A_287 = arith.constant 272 : i32
      %parallel_loop3A_288 = arith.muli %parallel_loop3A_284, %parallel_loop3A_287 : i32
      %parallel_loop3A_289 = vector.broadcast %parallel_loop3A_288 : i32 to vector<16xi32>
      %parallel_loop3A_290 = arith.addi %add3A_12, %parallel_loop3A_289 : vector<16xi32>
      %parallel_loop3A_291 = tpu.vector_load_idx %arg13[%parallel_loop3A_290] : memref<2720xf32, #tpu.memory_space<vmem>>[vector<16xi32>], vector<16xf32>,
      %parallel_loop3A_292 = vector.broadcast %parallel_loop3A_288 : i32 to vector<16xi32>
      %parallel_loop3A_293 = arith.addi %add3A_18, %parallel_loop3A_292 : vector<16xi32>
      %parallel_loop3A_294 = tpu.vector_load_idx %arg13[%parallel_loop3A_293] : memref<2720xf32, #tpu.memory_space<vmem>>[vector<16xi32>], vector<16xf32>,
      %parallel_loop3A_295 = vector.broadcast %parallel_loop3A_288 : i32 to vector<16xi32>
      %parallel_loop3A_296 = arith.addi %add3A_24, %parallel_loop3A_295 : vector<16xi32>
      %parallel_loop3A_297 = tpu.vector_load_idx %arg13[%parallel_loop3A_296] : memref<2720xf32, #tpu.memory_space<vmem>>[vector<16xi32>], vector<16xf32>,
      %parallel_loop3A_298 = vector.broadcast %parallel_loop3A_288 : i32 to vector<16xi32>
      %parallel_loop3A_299 = arith.addi %add3A_30, %parallel_loop3A_298 : vector<16xi32>
      %parallel_loop3A_300 = tpu.vector_load_idx %arg13[%parallel_loop3A_299] : memref<2720xf32, #tpu.memory_space<vmem>>[vector<16xi32>], vector<16xf32>,
      %parallel_loop3A_301 = vector.broadcast %parallel_loop3A_288 : i32 to vector<16xi32>
      %parallel_loop3A_302 = arith.addi %add3A_36, %parallel_loop3A_301 : vector<16xi32>
      %parallel_loop3A_303 = tpu.vector_load_idx %arg13[%parallel_loop3A_302] : memref<2720xf32, #tpu.memory_space<vmem>>[vector<16xi32>], vector<16xf32>,
      %parallel_loop3A_304 = vector.broadcast %parallel_loop3A_288 : i32 to vector<16xi32>
      %parallel_loop3A_305 = arith.addi %add3A_42, %parallel_loop3A_304 : vector<16xi32>
      %parallel_loop3A_306 = tpu.vector_load_idx %arg13[%parallel_loop3A_305] : memref<2720xf32, #tpu.memory_space<vmem>>[vector<16xi32>], vector<16xf32>,
      %parallel_loop3A_307 = vector.broadcast %parallel_loop3A_288 : i32 to vector<16xi32>
      %parallel_loop3A_308 = arith.addi %add3A_48, %parallel_loop3A_307 : vector<16xi32>
      %parallel_loop3A_309 = tpu.vector_load_idx %arg13[%parallel_loop3A_308] : memref<2720xf32, #tpu.memory_space<vmem>>[vector<16xi32>], vector<16xf32>,
      %parallel_loop3A_310 = vector.broadcast %parallel_loop3A_288 : i32 to vector<16xi32>
      %parallel_loop3A_311 = arith.addi %add3A_54, %parallel_loop3A_310 : vector<16xi32>
      %parallel_loop3A_312 = tpu.vector_load_idx %arg13[%parallel_loop3A_311] : memref<2720xf32, #tpu.memory_space<vmem>>[vector<16xi32>], vector<16xf32>,
      %parallel_loop3A_313 = vector.broadcast %parallel_loop3A_288 : i32 to vector<16xi32>
      %parallel_loop3A_314 = arith.addi %add3A_60, %parallel_loop3A_313 : vector<16xi32>
      %parallel_loop3A_315 = tpu.vector_load_idx %arg13[%parallel_loop3A_314] : memref<2720xf32, #tpu.memory_space<vmem>>[vector<16xi32>], vector<16xf32>,
      %parallel_loop3A_316 = vector.broadcast %parallel_loop3A_288 : i32 to vector<16xi32>
      %parallel_loop3A_317 = arith.addi %add3A_66, %parallel_loop3A_316 : vector<16xi32>
      %parallel_loop3A_318 = tpu.vector_load_idx %arg13[%parallel_loop3A_317] : memref<2720xf32, #tpu.memory_space<vmem>>[vector<16xi32>], vector<16xf32>,
      %parallel_loop3A_319 = vector.broadcast %parallel_loop3A_288 : i32 to vector<16xi32>
      %parallel_loop3A_320 = arith.addi %add3A_72, %parallel_loop3A_319 : vector<16xi32>
      %parallel_loop3A_321 = tpu.vector_load_idx %arg13[%parallel_loop3A_320] : memref<2720xf32, #tpu.memory_space<vmem>>[vector<16xi32>], vector<16xf32>,
      %parallel_loop3A_322 = vector.broadcast %parallel_loop3A_288 : i32 to vector<16xi32>
      %parallel_loop3A_323 = arith.addi %add3A_78, %parallel_loop3A_322 : vector<16xi32>
      %parallel_loop3A_324 = tpu.vector_load_idx %arg13[%parallel_loop3A_323] : memref<2720xf32, #tpu.memory_space<vmem>>[vector<16xi32>], vector<16xf32>,
      %parallel_loop3A_325 = vector.broadcast %parallel_loop3A_288 : i32 to vector<16xi32>
      %parallel_loop3A_326 = arith.addi %add3A_84, %parallel_loop3A_325 : vector<16xi32>
      %parallel_loop3A_327 = tpu.vector_load_idx %arg13[%parallel_loop3A_326] : memref<2720xf32, #tpu.memory_space<vmem>>[vector<16xi32>], vector<16xf32>,
      %parallel_loop3A_328 = vector.broadcast %parallel_loop3A_288 : i32 to vector<16xi32>
      %parallel_loop3A_329 = arith.addi %add3A_90, %parallel_loop3A_328 : vector<16xi32>
      %parallel_loop3A_330 = tpu.vector_load_idx %arg13[%parallel_loop3A_329] : memref<2720xf32, #tpu.memory_space<vmem>>[vector<16xi32>], vector<16xf32>,
      %parallel_loop3A_331 = vector.broadcast %parallel_loop3A_288 : i32 to vector<16xi32>
      %parallel_loop3A_332 = arith.addi %add3A_96, %parallel_loop3A_331 : vector<16xi32>
      %parallel_loop3A_333 = tpu.vector_load_idx %arg13[%parallel_loop3A_332] : memref<2720xf32, #tpu.memory_space<vmem>>[vector<16xi32>], vector<16xf32>,
      %parallel_loop3A_334 = vector.broadcast %parallel_loop3A_288 : i32 to vector<16xi32>
      %parallel_loop3A_335 = arith.addi %add3A_102, %parallel_loop3A_334 : vector<16xi32>
      %parallel_loop3A_336 = tpu.vector_load_idx %arg13[%parallel_loop3A_335] : memref<2720xf32, #tpu.memory_space<vmem>>[vector<16xi32>], vector<16xf32>,
      %parallel_loop3A_337 = arith.addf %parallel_loop3A_291, %parallel_loop3A_294 : vector<16xf32>
      %parallel_loop3A_338 = arith.addf %parallel_loop3A_297, %parallel_loop3A_300 : vector<16xf32>
      %parallel_loop3A_339 = arith.addf %parallel_loop3A_303, %parallel_loop3A_306 : vector<16xf32>
      %parallel_loop3A_340 = arith.addf %parallel_loop3A_309, %parallel_loop3A_312 : vector<16xf32>
      %parallel_loop3A_341 = arith.addf %parallel_loop3A_315, %parallel_loop3A_318 : vector<16xf32>
      %parallel_loop3A_342 = arith.addf %parallel_loop3A_321, %parallel_loop3A_324 : vector<16xf32>
      %parallel_loop3A_343 = arith.addf %parallel_loop3A_327, %parallel_loop3A_330 : vector<16xf32>
      %parallel_loop3A_344 = arith.addf %parallel_loop3A_333, %parallel_loop3A_336 : vector<16xf32>
      %parallel_loop3A_345 = arith.addf %parallel_loop3A_337, %parallel_loop3A_338 : vector<16xf32>
      %parallel_loop3A_346 = arith.addf %parallel_loop3A_339, %parallel_loop3A_340 : vector<16xf32>
      %parallel_loop3A_347 = arith.addf %parallel_loop3A_341, %parallel_loop3A_342 : vector<16xf32>
      %parallel_loop3A_348 = arith.addf %parallel_loop3A_343, %parallel_loop3A_344 : vector<16xf32>
      %parallel_loop3A_349 = arith.addf %parallel_loop3A_345, %parallel_loop3A_346 : vector<16xf32>
      %parallel_loop3A_350 = arith.addf %parallel_loop3A_347, %parallel_loop3A_348 : vector<16xf32>
      %parallel_loop3A_351 = arith.addf %parallel_loop3A_349, %parallel_loop3A_350 : vector<16xf32>
      %parallel_loop3A_352 = arith.constant 0.000000e+00 : f32
      %parallel_loop3A_353 = vector.broadcast %parallel_loop3A_352 : f32 to vector<16xf32>
      %parallel_loop3A_354 = arith.subf %parallel_loop3A_353, %parallel_loop3A_351 : vector<16xf32>
      %parallel_loop3A_355 = math.exp %parallel_loop3A_354 : vector<16xf32>
      %parallel_loop3A_356 = arith.constant 1.000000e+00 : f32
      %parallel_loop3A_357 = vector.broadcast %parallel_loop3A_356 : f32 to vector<16xf32>
      %parallel_loop3A_358 = arith.addf %parallel_loop3A_357, %parallel_loop3A_355 : vector<16xf32>
      %parallel_loop3A_359 = arith.constant 1.000000e+00 : f32
      %parallel_loop3A_360 = vector.broadcast %parallel_loop3A_359 : f32 to vector<16xf32>
      %parallel_loop3A_361 = arith.divf %parallel_loop3A_360, %parallel_loop3A_358 : vector<16xf32>
      %parallel_loop3A_362 = arith.constant 9760 : i32
      %parallel_loop3A_363 = arith.addi %parallel_loop3A_362, %parallel_loop3A_286 : i32
      %parallel_loop3A_364 = arith.index_cast %parallel_loop3A_363 : i32 to index
      %parallel_loop3A_365 = tpu.vector_load %arg14[%parallel_loop3A_364] {strides = array<i32>} : memref<10000xf32, #tpu.memory_space<vmem>>, vector<16xf32>,
      tpu.vector_store %arg14[%parallel_loop3A_364], %parallel_loop3A_361 {strides = array<i32>} : memref<10000xf32, #tpu.memory_space<vmem>>, vector<16xf32>,
    } {sc.loop_unroll_factor = 1 : i64, sc.parallel_access}
    %dma_wait3A_262 = arith.constant 0 : i32
    %dma_wait3A_263 = arith.constant 0 : i32
    %dma_wait3A_264 = tpu.memref_slice %arg9[%dma_wait3A_262, %dma_wait3A_263] : memref<160x128xbf16, #tpu.memory_space<vmem>> -> memref<80x128xbf16, #tpu.memory_space<vmem>>
    %dma_wait3A_265 = arith.constant 0 : i32
    %dma_wait3A_266 = tpu.memref_slice %arg7[%dma_wait3A_265] : memref<10000xi32, #tpu.memory_space<vmem>> -> memref<80xi32, #tpu.memory_space<vmem>>
    %dma_wait3A_267 = arith.constant 0 : i32
    %dma_wait3A_268 = arith.constant 0 : i32
    %dma_wait3A_269 = tpu.memref_slice %arg6[%dma_wait3A_267, %dma_wait3A_268] : memref<10000x128xbf16, #tpu.memory_space<vmem_shared>> -> memref<10000x128xbf16, #tpu.memory_space<vmem_shared>>
    tpu.wait_indirect_dma semaphore(%arg15 : memref<!tpu.dma_semaphore, #tpu.memory_space<semaphore_mem>>) src(%dma_wait3A_269 : memref<10000x128xbf16, #tpu.memory_space<vmem_shared>>) dst(%dma_wait3A_264 : memref<80x128xbf16, #tpu.memory_space<vmem>>)
    %dma_wait3A_270 = arith.constant 0 : i32
    %dma_wait3A_271 = arith.constant 0 : i32
    %dma_wait3A_272 = tpu.memref_slice %arg10[%dma_wait3A_270, %dma_wait3A_271] : memref<160x128xbf16, #tpu.memory_space<vmem>> -> memref<80x128xbf16, #tpu.memory_space<vmem>>
    %dma_wait3A_273 = arith.constant 0 : i32
    %dma_wait3A_274 = tpu.memref_slice %arg8[%dma_wait3A_273] : memref<10000xi32, #tpu.memory_space<vmem>> -> memref<80xi32, #tpu.memory_space<vmem>>
    %dma_wait3A_275 = arith.constant 0 : i32
    %dma_wait3A_276 = arith.constant 0 : i32
    %dma_wait3A_277 = tpu.memref_slice %arg6[%dma_wait3A_275, %dma_wait3A_276] : memref<10000x128xbf16, #tpu.memory_space<vmem_shared>> -> memref<10000x128xbf16, #tpu.memory_space<vmem_shared>>
    tpu.wait_indirect_dma semaphore(%arg16 : memref<!tpu.dma_semaphore, #tpu.memory_space<semaphore_mem>>) src(%dma_wait3A_277 : memref<10000x128xbf16, #tpu.memory_space<vmem_shared>>) dst(%dma_wait3A_272 : memref<80x128xbf16, #tpu.memory_space<vmem>>)
    %parallel_loop3A_278 = arith.constant 0 : i32
    %parallel_loop3A_279 = arith.constant 80 : i32
    %parallel_loop3A_280 = arith.constant 1 : i32
    scf.for %parallel_loop3A_284 = %parallel_loop3A_278 to %parallel_loop3A_279 step %parallel_loop3A_280  : i32 {
      %parallel_loop3A_285 = arith.index_cast %parallel_loop3A_284 : i32 to index
      %parallel_loop3A_286 = arith.constant 0 : index
      %parallel_loop3A_287 = tpu.vector_load %arg9[%parallel_loop3A_285, %parallel_loop3A_286] {strides = array<i32>} : memref<160x128xbf16, #tpu.memory_space<vmem>>, vector<32xbf16>,
      %parallel_loop3A_288 = arith.index_cast %parallel_loop3A_284 : i32 to index
      %parallel_loop3A_289 = arith.constant 0 : index
      %parallel_loop3A_290 = tpu.vector_load %arg10[%parallel_loop3A_288, %parallel_loop3A_289] {strides = array<i32>} : memref<160x128xbf16, #tpu.memory_space<vmem>>, vector<32xbf16>,
      %parallel_loop3A_291 = arith.mulf %parallel_loop3A_287, %parallel_loop3A_290 : vector<32xbf16>
      %parallel_loop3A_292 = vector.bitcast %parallel_loop3A_291 : vector<32xbf16> to vector<16xi32>
      %parallel_loop3A_293 = arith.constant 16 : i32
      %parallel_loop3A_294 = vector.broadcast %parallel_loop3A_293 : i32 to vector<16xi32>
      %parallel_loop3A_295 = arith.shli %parallel_loop3A_292, %parallel_loop3A_294 : vector<16xi32>
      %parallel_loop3A_296 = vector.bitcast %parallel_loop3A_295 : vector<16xi32> to vector<16xf32>
      %parallel_loop3A_297 = arith.andi %parallel_loop3A_292, %broadcast_in_dim3A_103 : vector<16xi32>
      %parallel_loop3A_298 = vector.bitcast %parallel_loop3A_297 : vector<16xi32> to vector<16xf32>
      %parallel_loop3A_299 = arith.index_cast %parallel_loop3A_284 : i32 to index
      %parallel_loop3A_300 = arith.constant 32 : index
      %parallel_loop3A_301 = tpu.vector_load %arg9[%parallel_loop3A_299, %parallel_loop3A_300] {strides = array<i32>} : memref<160x128xbf16, #tpu.memory_space<vmem>>, vector<32xbf16>,
      %parallel_loop3A_302 = arith.index_cast %parallel_loop3A_284 : i32 to index
      %parallel_loop3A_303 = arith.constant 32 : index
      %parallel_loop3A_304 = tpu.vector_load %arg10[%parallel_loop3A_302, %parallel_loop3A_303] {strides = array<i32>} : memref<160x128xbf16, #tpu.memory_space<vmem>>, vector<32xbf16>,
      %parallel_loop3A_305 = arith.mulf %parallel_loop3A_301, %parallel_loop3A_304 : vector<32xbf16>
      %parallel_loop3A_306 = vector.bitcast %parallel_loop3A_305 : vector<32xbf16> to vector<16xi32>
      %parallel_loop3A_307 = arith.constant 16 : i32
      %parallel_loop3A_308 = vector.broadcast %parallel_loop3A_307 : i32 to vector<16xi32>
      %parallel_loop3A_309 = arith.shli %parallel_loop3A_306, %parallel_loop3A_308 : vector<16xi32>
      %parallel_loop3A_310 = vector.bitcast %parallel_loop3A_309 : vector<16xi32> to vector<16xf32>
      %parallel_loop3A_311 = arith.andi %parallel_loop3A_306, %broadcast_in_dim3A_103 : vector<16xi32>
      %parallel_loop3A_312 = vector.bitcast %parallel_loop3A_311 : vector<16xi32> to vector<16xf32>
      %parallel_loop3A_313 = arith.index_cast %parallel_loop3A_284 : i32 to index
      %parallel_loop3A_314 = arith.constant 64 : index
      %parallel_loop3A_315 = tpu.vector_load %arg9[%parallel_loop3A_313, %parallel_loop3A_314] {strides = array<i32>} : memref<160x128xbf16, #tpu.memory_space<vmem>>, vector<32xbf16>,
      %parallel_loop3A_316 = arith.index_cast %parallel_loop3A_284 : i32 to index
      %parallel_loop3A_317 = arith.constant 64 : index
      %parallel_loop3A_318 = tpu.vector_load %arg10[%parallel_loop3A_316, %parallel_loop3A_317] {strides = array<i32>} : memref<160x128xbf16, #tpu.memory_space<vmem>>, vector<32xbf16>,
      %parallel_loop3A_319 = arith.mulf %parallel_loop3A_315, %parallel_loop3A_318 : vector<32xbf16>
      %parallel_loop3A_320 = vector.bitcast %parallel_loop3A_319 : vector<32xbf16> to vector<16xi32>
      %parallel_loop3A_321 = arith.constant 16 : i32
      %parallel_loop3A_322 = vector.broadcast %parallel_loop3A_321 : i32 to vector<16xi32>
      %parallel_loop3A_323 = arith.shli %parallel_loop3A_320, %parallel_loop3A_322 : vector<16xi32>
      %parallel_loop3A_324 = vector.bitcast %parallel_loop3A_323 : vector<16xi32> to vector<16xf32>
      %parallel_loop3A_325 = arith.andi %parallel_loop3A_320, %broadcast_in_dim3A_103 : vector<16xi32>
      %parallel_loop3A_326 = vector.bitcast %parallel_loop3A_325 : vector<16xi32> to vector<16xf32>
      %parallel_loop3A_327 = arith.index_cast %parallel_loop3A_284 : i32 to index
      %parallel_loop3A_328 = arith.constant 96 : index
      %parallel_loop3A_329 = tpu.vector_load %arg9[%parallel_loop3A_327, %parallel_loop3A_328] {strides = array<i32>} : memref<160x128xbf16, #tpu.memory_space<vmem>>, vector<32xbf16>,
      %parallel_loop3A_330 = arith.index_cast %parallel_loop3A_284 : i32 to index
      %parallel_loop3A_331 = arith.constant 96 : index
      %parallel_loop3A_332 = tpu.vector_load %arg10[%parallel_loop3A_330, %parallel_loop3A_331] {strides = array<i32>} : memref<160x128xbf16, #tpu.memory_space<vmem>>, vector<32xbf16>,
      %parallel_loop3A_333 = arith.mulf %parallel_loop3A_329, %parallel_loop3A_332 : vector<32xbf16>
      %parallel_loop3A_334 = vector.bitcast %parallel_loop3A_333 : vector<32xbf16> to vector<16xi32>
      %parallel_loop3A_335 = arith.constant 16 : i32
      %parallel_loop3A_336 = vector.broadcast %parallel_loop3A_335 : i32 to vector<16xi32>
      %parallel_loop3A_337 = arith.shli %parallel_loop3A_334, %parallel_loop3A_336 : vector<16xi32>
      %parallel_loop3A_338 = vector.bitcast %parallel_loop3A_337 : vector<16xi32> to vector<16xf32>
      %parallel_loop3A_339 = arith.andi %parallel_loop3A_334, %broadcast_in_dim3A_103 : vector<16xi32>
      %parallel_loop3A_340 = vector.bitcast %parallel_loop3A_339 : vector<16xi32> to vector<16xf32>
      %parallel_loop3A_341 = arith.addf %parallel_loop3A_296, %parallel_loop3A_298 : vector<16xf32>
      %parallel_loop3A_342 = arith.addf %parallel_loop3A_310, %parallel_loop3A_312 : vector<16xf32>
      %parallel_loop3A_343 = arith.addf %parallel_loop3A_324, %parallel_loop3A_326 : vector<16xf32>
      %parallel_loop3A_344 = arith.addf %parallel_loop3A_338, %parallel_loop3A_340 : vector<16xf32>
      %parallel_loop3A_345 = arith.addf %parallel_loop3A_341, %parallel_loop3A_342 : vector<16xf32>
      %parallel_loop3A_346 = arith.addf %parallel_loop3A_343, %parallel_loop3A_344 : vector<16xf32>
      %parallel_loop3A_347 = arith.addf %parallel_loop3A_345, %parallel_loop3A_346 : vector<16xf32>
      %parallel_loop3A_348 = arith.constant 17 : i32
      %parallel_loop3A_349 = arith.muli %parallel_loop3A_348, %parallel_loop3A_284 : i32
      %parallel_loop3A_350 = arith.index_cast %parallel_loop3A_349 : i32 to index
      %parallel_loop3A_351 = tpu.vector_load %arg13[%parallel_loop3A_350] {strides = array<i32>} : memref<2720xf32, #tpu.memory_space<vmem>>, vector<16xf32>,
      tpu.vector_store %arg13[%parallel_loop3A_350], %parallel_loop3A_347 {strides = array<i32>} : memref<2720xf32, #tpu.memory_space<vmem>>, vector<16xf32>,
    } {sc.loop_unroll_factor = 4 : i64, sc.parallel_access}
    %parallel_loop3A_281 = arith.constant 0 : i32
    %parallel_loop3A_282 = arith.constant 5 : i32
    %parallel_loop3A_283 = arith.constant 1 : i32
    scf.for %parallel_loop3A_284 = %parallel_loop3A_281 to %parallel_loop3A_282 step %parallel_loop3A_283  : i32 {
      %parallel_loop3A_285 = arith.constant 16 : i32
      %parallel_loop3A_286 = arith.muli %parallel_loop3A_284, %parallel_loop3A_285 : i32
      %parallel_loop3A_287 = arith.constant 272 : i32
      %parallel_loop3A_288 = arith.muli %parallel_loop3A_284, %parallel_loop3A_287 : i32
      %parallel_loop3A_289 = vector.broadcast %parallel_loop3A_288 : i32 to vector<16xi32>
      %parallel_loop3A_290 = arith.addi %add3A_12, %parallel_loop3A_289 : vector<16xi32>
      %parallel_loop3A_291 = tpu.vector_load_idx %arg13[%parallel_loop3A_290] : memref<2720xf32, #tpu.memory_space<vmem>>[vector<16xi32>], vector<16xf32>,
      %parallel_loop3A_292 = vector.broadcast %parallel_loop3A_288 : i32 to vector<16xi32>
      %parallel_loop3A_293 = arith.addi %add3A_18, %parallel_loop3A_292 : vector<16xi32>
      %parallel_loop3A_294 = tpu.vector_load_idx %arg13[%parallel_loop3A_293] : memref<2720xf32, #tpu.memory_space<vmem>>[vector<16xi32>], vector<16xf32>,
      %parallel_loop3A_295 = vector.broadcast %parallel_loop3A_288 : i32 to vector<16xi32>
      %parallel_loop3A_296 = arith.addi %add3A_24, %parallel_loop3A_295 : vector<16xi32>
      %parallel_loop3A_297 = tpu.vector_load_idx %arg13[%parallel_loop3A_296] : memref<2720xf32, #tpu.memory_space<vmem>>[vector<16xi32>], vector<16xf32>,
      %parallel_loop3A_298 = vector.broadcast %parallel_loop3A_288 : i32 to vector<16xi32>
      %parallel_loop3A_299 = arith.addi %add3A_30, %parallel_loop3A_298 : vector<16xi32>
      %parallel_loop3A_300 = tpu.vector_load_idx %arg13[%parallel_loop3A_299] : memref<2720xf32, #tpu.memory_space<vmem>>[vector<16xi32>], vector<16xf32>,
      %parallel_loop3A_301 = vector.broadcast %parallel_loop3A_288 : i32 to vector<16xi32>
      %parallel_loop3A_302 = arith.addi %add3A_36, %parallel_loop3A_301 : vector<16xi32>
      %parallel_loop3A_303 = tpu.vector_load_idx %arg13[%parallel_loop3A_302] : memref<2720xf32, #tpu.memory_space<vmem>>[vector<16xi32>], vector<16xf32>,
      %parallel_loop3A_304 = vector.broadcast %parallel_loop3A_288 : i32 to vector<16xi32>
      %parallel_loop3A_305 = arith.addi %add3A_42, %parallel_loop3A_304 : vector<16xi32>
      %parallel_loop3A_306 = tpu.vector_load_idx %arg13[%parallel_loop3A_305] : memref<2720xf32, #tpu.memory_space<vmem>>[vector<16xi32>], vector<16xf32>,
      %parallel_loop3A_307 = vector.broadcast %parallel_loop3A_288 : i32 to vector<16xi32>
      %parallel_loop3A_308 = arith.addi %add3A_48, %parallel_loop3A_307 : vector<16xi32>
      %parallel_loop3A_309 = tpu.vector_load_idx %arg13[%parallel_loop3A_308] : memref<2720xf32, #tpu.memory_space<vmem>>[vector<16xi32>], vector<16xf32>,
      %parallel_loop3A_310 = vector.broadcast %parallel_loop3A_288 : i32 to vector<16xi32>
      %parallel_loop3A_311 = arith.addi %add3A_54, %parallel_loop3A_310 : vector<16xi32>
      %parallel_loop3A_312 = tpu.vector_load_idx %arg13[%parallel_loop3A_311] : memref<2720xf32, #tpu.memory_space<vmem>>[vector<16xi32>], vector<16xf32>,
      %parallel_loop3A_313 = vector.broadcast %parallel_loop3A_288 : i32 to vector<16xi32>
      %parallel_loop3A_314 = arith.addi %add3A_60, %parallel_loop3A_313 : vector<16xi32>
      %parallel_loop3A_315 = tpu.vector_load_idx %arg13[%parallel_loop3A_314] : memref<2720xf32, #tpu.memory_space<vmem>>[vector<16xi32>], vector<16xf32>,
      %parallel_loop3A_316 = vector.broadcast %parallel_loop3A_288 : i32 to vector<16xi32>
      %parallel_loop3A_317 = arith.addi %add3A_66, %parallel_loop3A_316 : vector<16xi32>
      %parallel_loop3A_318 = tpu.vector_load_idx %arg13[%parallel_loop3A_317] : memref<2720xf32, #tpu.memory_space<vmem>>[vector<16xi32>], vector<16xf32>,
      %parallel_loop3A_319 = vector.broadcast %parallel_loop3A_288 : i32 to vector<16xi32>
      %parallel_loop3A_320 = arith.addi %add3A_72, %parallel_loop3A_319 : vector<16xi32>
      %parallel_loop3A_321 = tpu.vector_load_idx %arg13[%parallel_loop3A_320] : memref<2720xf32, #tpu.memory_space<vmem>>[vector<16xi32>], vector<16xf32>,
      %parallel_loop3A_322 = vector.broadcast %parallel_loop3A_288 : i32 to vector<16xi32>
      %parallel_loop3A_323 = arith.addi %add3A_78, %parallel_loop3A_322 : vector<16xi32>
      %parallel_loop3A_324 = tpu.vector_load_idx %arg13[%parallel_loop3A_323] : memref<2720xf32, #tpu.memory_space<vmem>>[vector<16xi32>], vector<16xf32>,
      %parallel_loop3A_325 = vector.broadcast %parallel_loop3A_288 : i32 to vector<16xi32>
      %parallel_loop3A_326 = arith.addi %add3A_84, %parallel_loop3A_325 : vector<16xi32>
      %parallel_loop3A_327 = tpu.vector_load_idx %arg13[%parallel_loop3A_326] : memref<2720xf32, #tpu.memory_space<vmem>>[vector<16xi32>], vector<16xf32>,
      %parallel_loop3A_328 = vector.broadcast %parallel_loop3A_288 : i32 to vector<16xi32>
      %parallel_loop3A_329 = arith.addi %add3A_90, %parallel_loop3A_328 : vector<16xi32>
      %parallel_loop3A_330 = tpu.vector_load_idx %arg13[%parallel_loop3A_329] : memref<2720xf32, #tpu.memory_space<vmem>>[vector<16xi32>], vector<16xf32>,
      %parallel_loop3A_331 = vector.broadcast %parallel_loop3A_288 : i32 to vector<16xi32>
      %parallel_loop3A_332 = arith.addi %add3A_96, %parallel_loop3A_331 : vector<16xi32>
      %parallel_loop3A_333 = tpu.vector_load_idx %arg13[%parallel_loop3A_332] : memref<2720xf32, #tpu.memory_space<vmem>>[vector<16xi32>], vector<16xf32>,
      %parallel_loop3A_334 = vector.broadcast %parallel_loop3A_288 : i32 to vector<16xi32>
      %parallel_loop3A_335 = arith.addi %add3A_102, %parallel_loop3A_334 : vector<16xi32>
      %parallel_loop3A_336 = tpu.vector_load_idx %arg13[%parallel_loop3A_335] : memref<2720xf32, #tpu.memory_space<vmem>>[vector<16xi32>], vector<16xf32>,
      %parallel_loop3A_337 = arith.addf %parallel_loop3A_291, %parallel_loop3A_294 : vector<16xf32>
      %parallel_loop3A_338 = arith.addf %parallel_loop3A_297, %parallel_loop3A_300 : vector<16xf32>
      %parallel_loop3A_339 = arith.addf %parallel_loop3A_303, %parallel_loop3A_306 : vector<16xf32>
      %parallel_loop3A_340 = arith.addf %parallel_loop3A_309, %parallel_loop3A_312 : vector<16xf32>
      %parallel_loop3A_341 = arith.addf %parallel_loop3A_315, %parallel_loop3A_318 : vector<16xf32>
      %parallel_loop3A_342 = arith.addf %parallel_loop3A_321, %parallel_loop3A_324 : vector<16xf32>
      %parallel_loop3A_343 = arith.addf %parallel_loop3A_327, %parallel_loop3A_330 : vector<16xf32>
      %parallel_loop3A_344 = arith.addf %parallel_loop3A_333, %parallel_loop3A_336 : vector<16xf32>
      %parallel_loop3A_345 = arith.addf %parallel_loop3A_337, %parallel_loop3A_338 : vector<16xf32>
      %parallel_loop3A_346 = arith.addf %parallel_loop3A_339, %parallel_loop3A_340 : vector<16xf32>
      %parallel_loop3A_347 = arith.addf %parallel_loop3A_341, %parallel_loop3A_342 : vector<16xf32>
      %parallel_loop3A_348 = arith.addf %parallel_loop3A_343, %parallel_loop3A_344 : vector<16xf32>
      %parallel_loop3A_349 = arith.addf %parallel_loop3A_345, %parallel_loop3A_346 : vector<16xf32>
      %parallel_loop3A_350 = arith.addf %parallel_loop3A_347, %parallel_loop3A_348 : vector<16xf32>
      %parallel_loop3A_351 = arith.addf %parallel_loop3A_349, %parallel_loop3A_350 : vector<16xf32>
      %parallel_loop3A_352 = arith.constant 0.000000e+00 : f32
      %parallel_loop3A_353 = vector.broadcast %parallel_loop3A_352 : f32 to vector<16xf32>
      %parallel_loop3A_354 = arith.subf %parallel_loop3A_353, %parallel_loop3A_351 : vector<16xf32>
      %parallel_loop3A_355 = math.exp %parallel_loop3A_354 : vector<16xf32>
      %parallel_loop3A_356 = arith.constant 1.000000e+00 : f32
      %parallel_loop3A_357 = vector.broadcast %parallel_loop3A_356 : f32 to vector<16xf32>
      %parallel_loop3A_358 = arith.addf %parallel_loop3A_357, %parallel_loop3A_355 : vector<16xf32>
      %parallel_loop3A_359 = arith.constant 1.000000e+00 : f32
      %parallel_loop3A_360 = vector.broadcast %parallel_loop3A_359 : f32 to vector<16xf32>
      %parallel_loop3A_361 = arith.divf %parallel_loop3A_360, %parallel_loop3A_358 : vector<16xf32>
      %parallel_loop3A_362 = arith.constant 9920 : i32
      %parallel_loop3A_363 = arith.addi %parallel_loop3A_362, %parallel_loop3A_286 : i32
      %parallel_loop3A_364 = arith.index_cast %parallel_loop3A_363 : i32 to index
      %parallel_loop3A_365 = tpu.vector_load %arg14[%parallel_loop3A_364] {strides = array<i32>} : memref<10000xf32, #tpu.memory_space<vmem>>, vector<16xf32>,
      tpu.vector_store %arg14[%parallel_loop3A_364], %parallel_loop3A_361 {strides = array<i32>} : memref<10000xf32, #tpu.memory_space<vmem>>, vector<16xf32>,
    } {sc.loop_unroll_factor = 1 : i64, sc.parallel_access}
    "tpu.region"() ({
      %run_scoped3A = tpu.sem_alloc : memref<!tpu.dma_semaphore, #tpu.memory_space<semaphore_mem>>
      %dma_start3A_284 = tpu.memref_slice %arg5[%mul3A_2] : memref<320000xf32, #tpu.memory_space<hbm>> -> memref<10000xf32, #tpu.memory_space<hbm>>
      %dma_start3A_285 = tpu.memref_slice %arg5[%mul3A_2] : memref<320000xf32, #tpu.memory_space<hbm>> -> memref<10000xf32, #tpu.memory_space<hbm>>
      tpu.enqueue_dma source(%arg14 : memref<10000xf32, #tpu.memory_space<vmem>>) target(%dma_start3A_285 : memref<10000xf32, #tpu.memory_space<hbm>>) target_semaphore(%run_scoped3A : memref<!tpu.dma_semaphore, #tpu.memory_space<semaphore_mem>>)
      %dma_wait3A_286 = tpu.memref_slice %arg5[%mul3A_2] : memref<320000xf32, #tpu.memory_space<hbm>> -> memref<10000xf32, #tpu.memory_space<hbm>>
      %dma_wait3A_287 = tpu.memref_slice %arg5[%mul3A_2] : memref<320000xf32, #tpu.memory_space<hbm>> -> memref<10000xf32, #tpu.memory_space<hbm>>
      tpu.wait_dma2 semaphore(%run_scoped3A : memref<!tpu.dma_semaphore, #tpu.memory_space<semaphore_mem>>) src(%arg14 : memref<10000xf32, #tpu.memory_space<vmem>>) dst(%dma_wait3A_287 : memref<10000xf32, #tpu.memory_space<hbm>>)
      tpu.yield
    }) : () -> ()
    return
  }
}

</mosaic_0001>

<sc_bundles>
// kernel: kernel.3.cloned.1.call-start
scs
__scs_entry_jumppad:
0x0: {  	(pc) =	sbr.rel $0x88, $3  }
0x1: {  	(tag) =	ssettag $0x0;
	lr =	simm.s32 $0x1  }
0x2: {  	[smem:$0x3F9F] =	sst lr;
	_ =	strace $0xD0000000  }
0x3: {  	_ = 	snop  }
0x4: {  	_ = 	snop  }
0x5: {  	_ = 	snop  }
0x6: {  	_ = 	snop  }
0x7: {  	_ = 	snop  }
__scs_overlays_trampoline_lowered:
0x8: {  	[smem:$0x3FAE] =	sst s0  }
0x9: {  	[smem:$0x3FAF] =	sst s1  }
0xa: {  	[smem:$0x3FB0] =	sst s2  }
0xb: {  	[smem:$0x3FB1] =	sst s3  }
0xc: {  	[smem:$0x3FB2] =	sst s4  }
0xd: {  	[smem:$0x3FB3] =	sst s5  }
0xe: {  	[smem:$0x3FB4] =	sst s6  }
0xf: {  	[smem:$0x3FB5] =	sst s7  }
0x10: {  	[smem:$0x3FB6] =	sst s8  }
0x11: {  	[smem:$0x3FB7] =	sst s9;
	s0 =	simm.s32 @!p0 $0x0  }
0x12: {  	s1 =	sld [smem:$0x3F9D];
	s0 =	simm.s32 @p0 $0x1  }
0x13: {  	[smem:$0x3FB8] =	sst s0;
	s0 =	simm.s32 @!p1 $0x0  }
0x14: {  	s2 =	sld [smem:$0x3F9C];
	s0 =	simm.s32 @p1 $0x1  }
0x15: {  	[smem:$0x3FB9] =	sst s0;
	s0 =	simm.s32 @!p2 $0x0  }
0x16: {  	s3 =	sld [smem:$0x3FDB];
	s0 =	simm.s32 @p2 $0x1  }
0x17: {  	s4 =	simm.s32 $0x1BF5;
	[smem:$0x3FBB] =	sst s0  }
0x18: {  	s0 =	sld [smem:$0x3F9E];
	_ =	swait.ge [sflag:s4], $0x0  }
0x19: {  	s7 =	sld [smem:$0x3F9F]  }
0x1a: {  	s8 =	sadd.s32 $0xFFFFE003, lr  }
0x1b: {  	s9 =	sadd.s32 $0xFFFFFEF7, lr;
	s5 =	simm.s32 $0xFFFFFFFF;
	p2 =	slt.u32 s8, $0xFFFFF086  }
0x1c: {  	p1 =	slt.u32 s9, $0xF7A;
	s5 =	simm.s32 @!p2 $0x0  }
0x1d: {  	s5 =	simm.s32 @p1 $0x1;
	p0 =	seq.s32 s7, s2  }
0x1e: {  	s7 =	smul.u32 @!p0 $0xF7A, s2;
	p2 =	seq.s32 @!p0 s5, $0x0  }
0x1f: {  	s9 =	smul.u32 $0xF7A, s1;
	s8 =	simm.s32 @!p0 $0x1BF5;
	p2 =	por !p2, p0  }
0x20: {  	[sflag:s8] =	ssyncset.s32 @!p0 $0xFFFFF086;
	s6 =	sadd.s32 @!p0 s3, s7;
	s7 =	simm.s32 @!p0 $0x108  }
0x21: {  	s3 =	sadd.s32 s3, s9;
	s6 =	sadd.s32 @!p0 $0x88, s6;
	s7 =	simm.s32 @p2 $0x1082  }
0x22: {  	[simem:s7], [sflag:s8] =	dma.local @!p0 [hbm:s6], $0xF7A  }
0x23: {  	s9 =	sor.u32 $0xD0000000, s2;
	s6 =	simm.s32 $0x108;
	_ =	swait.ge @!p0 [sflag:s8], $0x0  }
0x24: {  	s3 =	sadd.s32 $0x88, s3;
	s6 =	simm.s32 @!p1 $0x1082;
	[sflag:s4] =	ssyncset.s32 $0xFFFFF086  }
0x25: {  	[simem:s6], [sflag:s4] =	dma.local [hbm:s3], $0xF7A  }
0x26: {  	[smem:$0x3F9F] =	sst s1;
	(tag) =	ssettag s2;
	_ =	strace s9  }
0x27: {  	s1 =	sld [smem:$0x3FAF]  }
0x28: {  	s2 =	sld [smem:$0x3FB0]  }
0x29: {  	s4 =	sld [smem:$0x3FB2]  }
0x2a: {  	p0 =	seq.s32 s5, $0x0;
	s5 =	sld [smem:$0x3FB3]  }
0x2b: {  	s6 =	sld [smem:$0x3FB4]  }
0x2c: {  	s7 =	sld [smem:$0x3FB5]  }
0x2d: {  	s3 =	simm.s32 $0x108;
	s8 =	sld [smem:$0x3FB6]  }
0x2e: {  	s3 =	simm.s32 @!p0 $0x1082;
	s9 =	sld [smem:$0x3FB7]  }
0x2f: {  	lr =	sadd.s32 s0, s3;
	s0 =	sld [smem:$0x3FAE]  }
0x30: {  	s3 =	sld [smem:$0x3FB1]  }
0x31: {  	[smem:$0x3FBA] =	sst s10  }
0x32: {  	s10 =	sld [smem:$0x3FB8];
	_ =	sdelay $0x3  }
0x33: {  	p0 =	seq.s32 s10, $0x1;
	s10 =	sld [smem:$0x3FBA];
	_ =	sdelay $0x3  }
0x34: {  	[smem:$0x3FBA] =	sst s10  }
0x35: {  	s10 =	sld [smem:$0x3FB9];
	_ =	sdelay $0x3  }
0x36: {  	p1 =	seq.s32 s10, $0x1;
	s10 =	sld [smem:$0x3FBA];
	_ =	sdelay $0x3  }
0x37: {  	[smem:$0x3FBA] =	sst s10  }
0x38: {  	s10 =	sld [smem:$0x3FBB]  }
0x39: {  	_ = 	snop;
	(pc) =	sbr.ind lr, $3  }
0x3a: {  	_ = 	snop  }
0x3b: {  	_ = 	snop  }
0x3c: {  	p2 =	seq.s32 s10, $0x1;
	s10 =	sld [smem:$0x3FBA]  }
0x3d: {  	_ =	shalt  }
0x3e: {  	_ =	shalt  }
0x3f: {  	_ =	shalt  }
0x40: {  	_ =	shalt  }
0x41: {  	_ =	shalt  }
0x42: {  	_ =	shalt  }
0x43: {  	_ =	shalt  }
0x44: {  	_ =	shalt  }
0x45: {  	_ =	shalt  }
0x46: {  	_ =	shalt  }
0x47: {  	_ =	shalt  }
0x48: {  	_ =	shalt  }
0x49: {  	_ =	shalt  }
0x4a: {  	_ =	shalt  }
0x4b: {  	_ =	shalt  }
0x4c: {  	_ =	shalt  }
0x4d: {  	_ =	shalt  }
0x4e: {  	_ =	shalt  }
0x4f: {  	_ =	shalt  }
0x50: {  	_ =	shalt  }
0x51: {  	_ =	shalt  }
0x52: {  	_ =	shalt  }
0x53: {  	_ =	shalt  }
0x54: {  	_ =	shalt  }
0x55: {  	_ =	shalt  }
0x56: {  	_ =	shalt  }
0x57: {  	_ =	shalt  }
0x58: {  	_ =	shalt  }
0x59: {  	_ =	shalt  }
0x5a: {  	_ =	shalt  }
0x5b: {  	_ =	shalt  }
0x5c: {  	_ =	shalt  }
0x5d: {  	_ =	shalt  }
0x5e: {  	_ =	shalt  }
0x5f: {  	_ =	shalt  }
0x60: {  	_ =	shalt  }
0x61: {  	_ =	shalt  }
0x62: {  	_ =	shalt  }
0x63: {  	_ =	shalt  }
0x64: {  	_ =	shalt  }
0x65: {  	_ =	shalt  }
0x66: {  	_ =	shalt  }
0x67: {  	_ =	shalt  }
0x68: {  	_ =	shalt  }
0x69: {  	_ =	shalt  }
0x6a: {  	_ =	shalt  }
0x6b: {  	_ =	shalt  }
0x6c: {  	_ =	shalt  }
0x6d: {  	_ =	shalt  }
0x6e: {  	_ =	shalt  }
0x6f: {  	_ =	shalt  }
0x70: {  	_ =	shalt  }
0x71: {  	_ =	shalt  }
0x72: {  	_ =	shalt  }
0x73: {  	_ =	shalt  }
0x74: {  	_ =	shalt  }
0x75: {  	_ =	shalt  }
0x76: {  	_ =	shalt  }
0x77: {  	_ =	shalt  }
0x78: {  	_ =	shalt  }
0x79: {  	_ =	shalt  }
0x7a: {  	_ =	shalt  }
0x7b: {  	_ =	shalt  }
0x7c: {  	_ =	shalt  }
0x7d: {  	_ =	shalt  }
0x7e: {  	_ =	shalt  }
0x7f: {  	_ =	shalt  }
0x80: {  	_ =	shalt  }
0x81: {  	_ =	shalt  }
0x82: {  	_ =	shalt  }
0x83: {  	_ =	shalt  }
0x84: {  	_ =	shalt  }
0x85: {  	_ =	shalt  }
0x86: {  	_ =	shalt  }
0x87: {  	_ =	shalt  }
.Lfunc_end0:
.L_simem_size_0:
called_computation_lowered:
.L_overlay_start_0:
0x88: {  	s2 =	sld [smem:$0x3FD9]  }
0x89: {  	s3 =	sld [smem:$0x3FFE];
	_ =	sdelay $0x1  }
0x8a: {  	s1 =	srdreg.scid  }
0x8b: {  	s0 =	sand.u32 $0x1, s1  }
0x8c: {  	s17 =	sshll.u32 s0, $0xA;
	s2 =	sadd.s32 s3, s2  }
0x8d: {  	s2 =	sadd.s32 s2, s17  }
0x8e: {  	[smem:$0x3FC6] =	sst s2  }
0x8f: {  	_ = 	snop  }
0x90: {  	s2 =	sld [smem:$0x3FD0];
	(tm) =	ssettm $0x1  }
0x91: {  	s18 =	sld [smem:$0x3FFB];
	_ =	sdelay $0x3  }
0x92: {  	_ =	strace s18  }
0x93: {  	s3 =	sld [smem:$0x3FFC];
	_ =	sdelay $0x3  }
0x94: {  	_ =	strace s3  }
0x95: {  	s3 =	sld [smem:$0x3FFD];
	_ =	sdelay $0x3  }
0x96: {  	_ =	strace s3  }
0x97: {  	_ =	strace $0x8FFFFFFF  }
0x98: {  	s19 =	sld [smem:$0x3FDB];
	_ =	sdelay $0x1  }
0x99: {  	s4 =	simm.s32 $_scs_section_size  }
0x9a: {  	s5 =	simm.s32 $_size__tile_overlayer_lowered;
	s6 =	simm.s32 $_tile_overlayer_lowered  }
0x9b: {  	s22 =	simm.s32 $0x1BFF;
	s21 =	sshll.u32 s6, $0x1;
	s3 =	sadd.s32 s4, s19  }
0x9c: {  	s7 =	simm.s32 $0x0;
	s20 =	sshll.u32 s5, $0x1;
	s5 =	sadd.s32 s21, s3  }
0x9d: {  	[timem:s7], [sflag:s22] =	dma.local [hbm:s5], s20  }
0x9e: {  	_ =	swait.ge [sflag:s22], s20  }
0x9f: {  	s4 =	ssub.s32 $0x0, s20;
	[sflag:s22] =	ssyncset.done $0x0  }
0xa0: {  	[sflag:s22] =	ssyncadd.s32 s4;
	_ =	sdelay $0x1  }
0xa1: {  	s23 =	simm.s32 $0x1B8B  }
0xa2: {  	_ =	swait.ge [sflag:s23], $0x1  }
0xa3: {  	[sflag:s23] =	ssyncset.done $0x0  }
0xa4: {  	s25 =	simm.s32 $0x1B8E;
	s24 =	sld [smem:$0x3FFE];
	[sflag:s23] =	ssyncadd.s32 $0xFFFFFFFF  }
0xa5: {  	s26 =	simm.s32 $execute0_lowered;
	[smem:$0x3FD2] =	sst s25  }
0xa6: {  	s5 =	sshll.u32 s26, $0x1;
	_ =	strace $0x80000046;
	[dreg:$0x1] =	wrdreg $0xFFFFFFFF  }
0xa7: {  	s28 =	simm.s32 $_size_execute0_lowered;
	s3 =	sadd.s32 s3, s5;
	[dreg:$0x0] =	wrdreg $0x0  }
0xa8: {  	s5 =	sshll.u32 s28, $0x1;
	[dreg:$0x2] =	wrdreg s3  }
0xa9: {  	[dreg:$0x3] =	wrdreg s5  }
0xaa: {  	[dreg:$0x4] =	wrdreg $0xC0  }
0xab: {  	_ =	task [dreg:s7], $0x5FFFF  }
0xac: {  	[dreg:$0x1] =	wrdreg $0xFFFFFFFF  }
0xad: {  	[dreg:$0x0] =	wrdreg $0x60  }
0xae: {  	[dreg:$0x2] =	wrdreg s24  }
0xaf: {  	[dreg:$0x3] =	wrdreg s2  }
0xb0: {  	[dreg:$0x4] =	wrdreg $0x0  }
0xb1: {  	[dreg:$0x5] =	wrdreg $0x9  }
0xb2: {  	_ =	task.clear_ibuf [dreg:s7], $0x6FFFF;
	_ =	strace $0x90000046  }
0xb3: {  	s29 =	simm.s32 $0x9;
	_ =	strace $0x80000048  }
0xb4: {  	_ =	swait.ge [sflag:s29], $0x1  }
0xb5: {  	[sflag:s29] =	ssyncadd.s32 $0xFFFFFFFF  }
0xb6: {  	_ =	strace $0x90000048  }
0xb7: {  	_ =	sfence  }
0xb8: {  	s30 =	sld [smem:$0x0];
	_ =	sdelay $0x2  }
0xb9: {  	s31 =	sshll.u32 s1, $0xD;
	s1 =	sshrl.u32 s1, $0x2  }
0xba: {  	s3 =	sand.u32 $0x4000, s31;
	s1 =	sadd.s32 s1, s30  }
0xbb: {  	s0 =	sor.u32 s3, s0;
	s1 =	sshll.u32 s1, $0x11  }
0xbc: {  	s0 =	sor.u32 s1, s0  }
0xbd: {  	s0 =	sadd.s32 $0x8F2B, s0  }
0xbe: {  	[sflag:s0] =	ssyncadd.remote.s32 $0x1  }
0xbf: {  	_ =	sfence.sel $0xFFFF  }
0xc0: {  	[dreg:$0x0] =	wrdreg $0xFFFFFFFF;
	(pc) =	sbr.abs _section_cstart, $3  }
0xc1: {  	[dreg:$0x1] =	wrdreg $0xFFFFFFFF  }
0xc2: {  	_ =	task.clear_ibuf [dreg:s7], $0x2FFFF;
	_ =	strace $0x9FFFFFFF  }
0xc3: {  	(tm) =	ssettm $0x7FFFFFFF  }
tec
execute0_lowered:
.L_overlay_start_1:
0x0: {  	(tag) =	ssettag $0x1  }
0x1: {  	s0 =	rddreg [dreg:$0x0]  }
0x2: {  	s1 =	srdreg.scid;
	s4 =	rddreg [dreg:$0x1]  }
0x3: {  	s9 =	stileid.u32;
	s2 =	rddreg [dreg:$0x2];
	v2 =	vimm.s32 $0x7654321  }
0x4: {  	v4 =	vimm.s32 $0x10765432;
	v6 =	vimm.s32 $0x21076543;
	s11 =	simm.s32 $0x5;
	s14 =	simm.s32 $0x50;
	s15 =	simm.s32 $0xEA60  }
0x5: {  	v8 =	vimm.s32 $0x32107654;
	s16 =	simm.s32 $0x11260;
	s18 =	simm.s32 $0xFE60;
	s20 =	simm.s32 $0x12660  }
0x6: {  	v1 =	vlaneseq.u32;
	v10 =	vimm.s32 $0x43210765;
	s21 =	simm.s32 $0x13A60;
	s22 =	simm.s32 $0x16260;
	s23 =	simm.s32 $0x14E60  }
0x7: {  	v12 =	vimm.s32 $0x65432107;
	s24 =	simm.s32 $0x17660;
	s28 =	simm.s32 $0x18A60;
	s29 =	simm.s32 $0x3;
	v0 =	vmul.u32 $0x11, v1;
	v1 =	vand.u32 $0x7, v1  }
0x8: {  	s30 =	simm.s32 $0x4;
	s1 =	sand.u32 $0x1, s1;
	s3 =	sshll.u32 s9, $0x1;
	v3 =	vunpack.c.l.s4.s8 v2;
	v5 =	vunpack.c.l.s4.s8 v4;
	v7 =	vunpack.c.l.s4.s8 v6  }
0x9: {  	s6 =	smul.u32 $0x13880, s9;
	s26 =	sshll.u32 s9, $0x6;
	v9 =	vunpack.c.l.s4.s8 v8;
	v11 =	vunpack.c.l.s4.s8 v10;
	v10 =	vimm.s32 $0x54321076;
	s5 =	sor.u32 s1, s3  }
0xa: {  	v15 =	vunpack.c.l.s4.s8 v12;
	s3 =	simm.s32 $0x0;
	s1 =	ssub.s32 $0x2, s1;
	v13 =	vunpack.c.l.s4.s8 v10;
	s5 =	smul.u32 $0x4E2, s5;
	v2 =	vadd.s32 $0x1, v0  }
0xb: {  	[smem:$0x7FF] =	sst s3;
	s8 =	sshrl.u32 s1, $0x1;
	s25 =	sshrl.u32 s6, $0x1;
	v3 =	vunpack.c.0.s8.s32 v3;
	v4 =	vadd.s32 $0x2, v0;
	v5 =	vunpack.c.0.s8.s32 v5  }
0xc: {  	s6 =	sshrl.u32 s6, $0x4;
	v6 =	vadd.s32 $0x3, v0;
	v7 =	vunpack.c.0.s8.s32 v7;
	v8 =	vadd.s32 $0x4, v0;
	_ =	strace $0x80000047;
	s1 =	ssub.s32 s1, s8  }
0xd: {  	v9 =	vunpack.c.0.s8.s32 v9;
	v10 =	vadd.s32 $0x5, v0;
	v11 =	vunpack.c.0.s8.s32 v11;
	s10 =	sadd.s32 s25, s2;
	s25 =	simm.s32 $0x1;
	s7 =	sadd.s32 s5, s0  }
0xe: {  	v12 =	vadd.s32 $0x6, v0;
	v14 =	vadd.s32 $0x7, v0;
	v15 =	vunpack.c.0.s8.s32 v15;
	s0 =	sadd.s32 s0, s6;
	s8 =	sadd.s32 s4, s5;
	s9 =	smax.u32 s1, $0x1  }
0xf: {  	v16 =	vadd.s32 $0x8, v0;
	v17 =	vadd.s32 $0x9, v0;
	v18 =	vadd.s32 $0xA, v0;
	s10 =	sshrl.u32 s10, $0x3;
	[dreg:$0x4] =	wrdreg s0;
	s0 =	sor.u32 $0x1C05, s26  }
0x10: {  	v19 =	vadd.s32 $0xB, v0;
	v20 =	vadd.s32 $0xC, v0;
	v13 =	vunpack.c.0.s8.s32 v13;
	s31 =	sadd.s32 $0x1D800, s7;
	s7 =	sadd.s32 $0x13A00, s7;
	[dreg:$0x5] =	wrdreg s0  }
0x11: {  	v21 =	vadd.s32 $0xD, v0;
	v22 =	vadd.s32 $0xE, v0;
	v23 =	vadd.s32 $0xF, v0;
	s26 =	simm.s32 $0x2;
	[dreg:$0x6] =	wrdreg s31;
	s0 =	simm.s32 $0x0  }
.LBB2_1:
0x12: {  	s1 =	rddreg [dreg:$0x4]  }
0x13: {  	s4 =	rddreg [dreg:$0x5]  }
0x14: {  	[spmem:s10], [sflag:s4] =	dma.local [hbm:s1], $0x1388  }
0x15: {  	_ =	swait.ge [sflag:s11], $0x1388  }
0x16: {  	[sflag:s11] =	ssyncset.done $0x0  }
0x17: {  	s12 =	simm.s32 $0x9C40;
	s6 =	rddreg [dreg:$0x6];
	[sflag:s11] =	ssyncadd.s32 $0xFFFFEC78  }
0x18: {  	[tilespmem:s12], [sflag:$0x5] =	stream.linear.gather [hbm4b:s6+s3], $0x2710, $0x38;
	[tilespmem:$0x1BC10] =	vst v63  }
0x19: {  	_ =	swait.ge [sflag:s11], $0x2710  }
0x1a: {  	[sflag:s11] =	ssyncset.done $0x0  }
0x1b: {  	s13 =	simm.s32 $0xC350;
	[sflag:s11] =	ssyncadd.s32 $0xFFFFD8F0  }
0x1c: {  	[tilespmem:s13], [sflag:$0x5] =	stream.linear.gather [hbm4b:s7+s3], $0x2710, $0x38;
	[tilespmem:$0x1BC10] =	vst v63  }
0x1d: {  	_ =	swait.ge [sflag:s11], $0x2710  }
0x1e: {  	[sflag:s11] =	ssyncset.done $0x0  }
0x1f: {  	[sflag:s11] =	ssyncadd.s32 $0xFFFFD8F0  }
0x20: {  	[bflag:$0x0] =	sbarrier.arrive $0xFFFF  }
0x21: {  	[tilespmem:s15], [sflag:$0x1] =	stream.indirect.gather [spmem:s2], $0x40, s12, s14, $0xb8;
	[tilespmem:$0x1BC10] =	vst v63  }
0x22: {  	_ = 	snop  }
0x23: {  	[tilespmem:s16], [sflag:$0x2] =	stream.indirect.gather [spmem:s2], $0x40, s13, s14, $0xb8;
	[tilespmem:$0x1BC10] =	vst v63  }
0x24: {  	s17 =	simm.s32 $0x9C90  }
0x25: {  	[tilespmem:s18], [sflag:$0x1] =	stream.indirect.gather [spmem:s2], $0x40, s17, s14, $0xb8;
	[tilespmem:$0x1BC10] =	vst v63  }
0x26: {  	s19 =	simm.s32 $0xC3A0  }
0x27: {  	[tilespmem:s20], [sflag:$0x2] =	stream.indirect.gather [spmem:s2], $0x40, s19, s14, $0xb8;
	[tilespmem:$0x1BC10] =	vst v63  }
0x28: {  	s31 =	simm.s32 $0x0;
	s17 =	simm.s32 $0x195A0;
	s19 =	simm.s32 $0x19500  }
.LBB2_2:
0x29: {  	s1 =	smul.u32 $0x140, s31;
	_ =	sdelay $0x1  }
0x2a: {  	s4 =	sadd.s32 $0x9CE0, s1  }
0x2b: {  	[tilespmem:s21], [sflag:$0x3] =	stream.indirect.gather [spmem:s2], $0x40, s4, s14, $0xb8;
	[tilespmem:$0x1BC10] =	vst v63  }
0x2c: {  	s6 =	sadd.s32 $0xC3F0, s1  }
0x2d: {  	[tilespmem:s22], [sflag:$0x4] =	stream.indirect.gather [spmem:s2], $0x40, s6, s14, $0xb8;
	[tilespmem:$0x1BC10] =	vst v63  }
0x2e: {  	s12 =	sadd.s32 $0x9D30, s1  }
0x2f: {  	[tilespmem:s23], [sflag:$0x3] =	stream.indirect.gather [spmem:s2], $0x40, s12, s14, $0xb8;
	[tilespmem:$0x1BC10] =	vst v63  }
0x30: {  	s13 =	sadd.s32 $0xC440, s1  }
0x31: {  	[tilespmem:s24], [sflag:$0x4] =	stream.indirect.gather [spmem:s2], $0x40, s13, s14, $0xb8;
	[tilespmem:$0x1BC10] =	vst v63  }
0x32: {  	_ =	swait.ge [sflag:s25], $0x1400  }
0x33: {  	[sflag:s25] =	ssyncset.done $0x0  }
0x34: {  	[sflag:s25] =	ssyncadd.s32 $0xFFFFEC00  }
0x35: {  	_ =	swait.ge [sflag:s26], $0x1400  }
0x36: {  	[sflag:s26] =	ssyncset.done $0x0  }
0x37: {  	[sflag:s26] =	ssyncadd.s32 $0xFFFFEC00  }
0x38: {  	_ =	swait.ge [sflag:s25], $0x1400  }
0x39: {  	[sflag:s25] =	ssyncset.done $0x0  }
0x3a: {  	[sflag:s25] =	ssyncadd.s32 $0xFFFFEC00  }
0x3b: {  	_ =	swait.ge [sflag:s26], $0x1400  }
0x3c: {  	[sflag:s26] =	ssyncset.done $0x0  }
0x3d: {  	s5 =	simm.s32 $0xEAE0;
	[sflag:s26] =	ssyncadd.s32 $0xFFFFEC00  }
0x3e: {  	s12 =	simm.s32 $0x112E0;
	v25 =	vld [tilespmem:s5+$0x40]  }
0x3f: {  	v26 =	vld [tilespmem:s12+$0x40]  }
0x40: {  	v27 =	vld [tilespmem:s5+$0x50]  }
0x41: {  	v28 =	vld [tilespmem:s12+$0x50]  }
0x42: {  	v29 =	vld [tilespmem:s5+$0x60]  }
0x43: {  	v30 =	vld [tilespmem:s12+$0x60]  }
0x44: {  	v31 =	vld [tilespmem:s5+$0x70]  }
0x45: {  	v32 =	vld [tilespmem:s12+$0x70]  }
0x46: {  	v33 =	vld [tilespmem:s5+$0xFFFFFF90]  }
0x47: {  	v34 =	vld [tilespmem:s12+$0xFFFFFF90]  }
0x48: {  	v35 =	vld [tilespmem:s5+$0xFFFFFFA0]  }
0x49: {  	v48 =	vld [tilespmem:s12+$0xFFFFFFB0]  }
0x4a: {  	v38 =	vld [tilespmem:s5+$0xFFFFFFC0]  }
0x4b: {  	v49 =	vld [tilespmem:s5+$0xFFFFFFD0]  }
0x4c: {  	v50 =	vld [tilespmem:s12+$0xFFFFFFD0]  }
0x4d: {  	v57 =	vld [tilespmem:s5+$0x0];
	v25 =	vmul.bf16 v26, v25  }
0x4e: {  	v59 =	vld [tilespmem:s12+$0x0];
	v27 =	vmul.bf16 v28, v27;
	v28 =	vmul.bf16 v30, v29  }
0x4f: {  	v26 =	vld [tilespmem:s12+$0xFFFFFFA0];
	v31 =	vmul.bf16 v32, v31;
	v33 =	vmul.bf16 v34, v33;
	v30 =	vshll.u32 v25, $0x10  }
0x50: {  	v29 =	vld [tilespmem:s5+$0xFFFFFFB0];
	v25 =	vand.u32 $0xFFFF0000, v25;
	v36 =	vshll.u32 v27, $0x10;
	v27 =	vand.u32 $0xFFFF0000, v27  }
0x51: {  	v54 =	vld [tilespmem:s5+$0xFFFFFFF0];
	v37 =	vshll.u32 v28, $0x10;
	v28 =	vand.u32 $0xFFFF0000, v28;
	v39 =	vshll.u32 v31, $0x10  }
0x52: {  	v31 =	vand.u32 $0xFFFF0000, v31;
	v25 =	vadd.f32 v25, v30;
	v30 =	vld [tilespmem:s12+$0xFFFFFFC0];
	v27 =	vadd.f32 v27, v36  }
0x53: {  	v56 =	vld [tilespmem:s12+$0xFFFFFFF0];
	v28 =	vadd.f32 v28, v37;
	v31 =	vadd.f32 v31, v39  }
0x54: {  	v52 =	vld [tilespmem:s5+$0xFFFFFFE0];
	v40 =	vmul.bf16 v59, v57;
	v51 =	vshll.u32 v33, $0x10;
	v26 =	vmul.bf16 v26, v35  }
0x55: {  	v27 =	vadd.f32 v27, v25;
	v28 =	vadd.f32 v31, v28;
	v29 =	vmul.bf16 v48, v29;
	v31 =	vld [tilespmem:s12+$0xFFFFFFE0]  }
0x56: {  	v25 =	vand.u32 $0xFFFF0000, v33;
	v53 =	vshll.u32 v26, $0x10;
	v26 =	vand.u32 $0xFFFF0000, v26  }
0x57: {  	v55 =	vshll.u32 v29, $0x10;
	v29 =	vand.u32 $0xFFFF0000, v29;
	v30 =	vmul.bf16 v30, v38  }
0x58: {  	v33 =	vmul.bf16 v56, v54;
	v26 =	vadd.f32 v26, v53;
	v29 =	vadd.f32 v29, v55  }
0x59: {  	v60 =	vld [tilespmem:s5+$0x10];
	v58 =	vadd.f32 v28, v27;
	v28 =	vmul.bf16 v50, v49;
	v27 =	vshll.u32 v30, $0x10  }
0x5a: {  	v61 =	vld [tilespmem:s12+$0x10];
	v30 =	vand.u32 $0xFFFF0000, v30;
	v26 =	vadd.f32 v29, v26;
	v29 =	vmul.bf16 v31, v52  }
0x5b: {  	v24 =	vld [tilespmem:s12+$0xFFFFFF80];
	v63 =	vshll.u32 v33, $0x10;
	v27 =	vadd.f32 v30, v27;
	v30 =	vshll.u32 v28, $0x10  }
0x5c: {  	v28 =	vand.u32 $0xFFFF0000, v28;
	v31 =	vshll.u32 v29, $0x10;
	v37 =	vand.u32 $0xFFFF0000, v29;
	v29 =	vld [tilespmem:s5+$0x20]  }
0x5d: {  	v33 =	vand.u32 $0xFFFF0000, v33;
	v62 =	vadd.f32 v28, v30;
	v28 =	vadd.f32 v37, v31;
	v31 =	vld [tilespmem:s12+$0x20]  }
0x5e: {  	v34 =	vadd.f32 v33, v63;
	v33 =	vld [tilespmem:s12+$0x30]  }
0x5f: {  	s13 =	simm.s32 $0x18A82;
	v36 =	vmul.bf16 v61, v60;
	v35 =	vshll.u32 v40, $0x10;
	v30 =	vld [tilespmem:s5+$0x30]  }
0x60: {  	s4 =	simm.s32 $0x0;
	v32 =	vld [tilespmem:s5+$0xFFFFFF80];
	v25 =	vadd.f32 v25, v51;
	[tilespmem:s13+$0x11] =	vst v58;
	s5 =	simm.s32 $0xEBE0;
	v37 =	vand.u32 $0xFFFF0000, v40;
	v27 =	vadd.f32 v62, v27  }
.LBB2_3:
0x61: {  	v38 =	vld [tilespmem:s5+$0x40];
	v28 =	vadd.f32 v34, v28;
	v34 =	vadd.f32 v37, v35;
	s12 =	sadd.s32 $0x100, s12  }
0x62: {  	v35 =	vld [tilespmem:s12+$0x40];
	v37 =	vshll.u32 v36, $0x10;
	v36 =	vand.u32 $0xFFFF0000, v36;
	v29 =	vmul.bf16 v31, v29  }
0x63: {  	v31 =	vld [tilespmem:s5+$0x50];
	v27 =	vadd.f32 v28, v27;
	v28 =	vadd.f32 v36, v37  }
0x64: {  	v36 =	vld [tilespmem:s12+$0x50];
	v37 =	vshll.u32 v29, $0x10;
	v29 =	vand.u32 $0xFFFF0000, v29;
	v30 =	vmul.bf16 v33, v30  }
0x65: {  	v33 =	vld [tilespmem:s5+$0x60];
	v24 =	vmul.bf16 v24, v32;
	[tilespmem:s13+$0xFFFFFFEF] =	vst v27;
	v27 =	vadd.f32 v29, v37;
	v28 =	vadd.f32 v28, v34  }
0x66: {  	v29 =	vld [tilespmem:s12+$0x60];
	v32 =	vshll.u32 v30, $0x10;
	v30 =	vand.u32 $0xFFFF0000, v30  }
0x67: {  	v34 =	vld [tilespmem:s5+$0x70];
	v37 =	vshll.u32 v24, $0x10;
	v24 =	vand.u32 $0xFFFF0000, v24;
	v30 =	vadd.f32 v30, v32  }
0x68: {  	v32 =	vld [tilespmem:s12+$0x70];
	v37 =	vadd.f32 v24, v37  }
0x69: {  	s4 =	sadd.s32 $0x4, s4;
	v24 =	vld [tilespmem:s12+$0xFFFFFF80];
	v27 =	vadd.f32 v30, v27  }
0x6a: {  	p0 =	slt.u32 s4, $0x9C;
	v30 =	vld [tilespmem:s5+$0xFFFFFF90];
	v25 =	vadd.f32 v25, v37  }
0x6b: {  	v35 =	vmul.bf16 v35, v38;
	v37 =	vld [tilespmem:s12+$0xFFFFFF90];
	v27 =	vadd.f32 v27, v28  }
0x6c: {  	v31 =	vmul.bf16 v36, v31;
	v28 =	vld [tilespmem:s5+$0xFFFFFFA0];
	v25 =	vadd.f32 v26, v25  }
0x6d: {  	v36 =	vshll.u32 v35, $0x10;
	v29 =	vmul.bf16 v29, v33;
	v26 =	vld [tilespmem:s12+$0xFFFFFFA0];
	v32 =	vmul.bf16 v32, v34;
	[tilespmem:s13+$0x0] =	vst v27  }
0x6e: {  	v33 =	vand.u32 $0xFFFF0000, v35;
	v34 =	vshll.u32 v31, $0x10;
	v31 =	vand.u32 $0xFFFF0000, v31;
	v27 =	vld [tilespmem:s5+$0xFFFFFFB0];
	[tilespmem:s13+$0xFFFFFFDE] =	vst v25  }
0x6f: {  	v35 =	vshll.u32 v29, $0x10;
	v29 =	vand.u32 $0xFFFF0000, v29;
	v25 =	vld [tilespmem:s12+$0xFFFFFFB0];
	v38 =	vshll.u32 v32, $0x10  }
0x70: {  	v33 =	vadd.f32 v33, v36;
	v31 =	vadd.f32 v31, v34;
	v32 =	vand.u32 $0xFFFF0000, v32;
	v39 =	vld [tilespmem:s5+$0xFFFFFFC0]  }
0x71: {  	v29 =	vadd.f32 v29, v35;
	v30 =	vmul.bf16 v37, v30;
	v32 =	vadd.f32 v32, v38;
	v34 =	vld [tilespmem:s12+$0xFFFFFFC0]  }
0x72: {  	v26 =	vmul.bf16 v26, v28;
	v28 =	vld [tilespmem:s5+$0xFFFFFFD0]  }
0x73: {  	v31 =	vadd.f32 v31, v33;
	v35 =	vshll.u32 v30, $0x10;
	v29 =	vadd.f32 v32, v29;
	v36 =	vld [tilespmem:s12+$0xFFFFFFD0]  }
0x74: {  	v30 =	vand.u32 $0xFFFF0000, v30;
	v32 =	vshll.u32 v26, $0x10;
	v27 =	vmul.bf16 v25, v27;
	v33 =	vld [tilespmem:s5+$0xFFFFFFE0]  }
0x75: {  	v26 =	vand.u32 $0xFFFF0000, v26;
	v25 =	vadd.f32 v30, v35;
	v29 =	vadd.f32 v29, v31;
	v30 =	vld [tilespmem:s12+$0xFFFFFFE0]  }
0x76: {  	s13 =	sadd.s32 $0x44, s13;
	v31 =	vshll.u32 v27, $0x10;
	v27 =	vand.u32 $0xFFFF0000, v27;
	v34 =	vmul.bf16 v34, v39;
	v35 =	vld [tilespmem:s5+$0xFFFFFFF0]  }
0x77: {  	s6 =	simm.s32 $0x0;
	v26 =	vadd.f32 v26, v32;
	v27 =	vadd.f32 v27, v31;
	v31 =	vld [tilespmem:s12+$0xFFFFFFF0];
	[tilespmem:s13+$0x11] =	vst v29  }
0x78: {  	v29 =	vshll.u32 v34, $0x10;
	v32 =	vand.u32 $0xFFFF0000, v34;
	v28 =	vmul.bf16 v36, v28;
	v34 =	vld [tilespmem:s5+$0x0]  }
0x79: {  	v26 =	vadd.f32 v27, v26;
	v27 =	vadd.f32 v32, v29;
	v32 =	vld [tilespmem:s12+$0x0]  }
0x7a: {  	v29 =	vshll.u32 v28, $0x10;
	v28 =	vand.u32 $0xFFFF0000, v28;
	v30 =	vmul.bf16 v30, v33;
	v36 =	vld [tilespmem:s5+$0x10]  }
0x7b: {  	v33 =	vadd.f32 v28, v29;
	v38 =	vld [tilespmem:s12+$0x10]  }
.Ltmp0:
0x7c: {  	v28 =	vshll.u32 v30, $0x10;
	v30 =	vand.u32 $0xFFFF0000, v30;
	v35 =	vmul.bf16 v31, v35;
	v29 =	vld [tilespmem:s5+$0x20];
	(pc) =	sbr.rel @p0 .LBB2_3-.Ltmp0, $4  }
0x7d: {  	v28 =	vadd.f32 v30, v28;
	v27 =	vadd.f32 v33, v27;
	v31 =	vld [tilespmem:s12+$0x20]  }
0x7e: {  	v33 =	vshll.u32 v35, $0x10;
	v35 =	vand.u32 $0xFFFF0000, v35;
	v37 =	vmul.bf16 v32, v34;
	v30 =	vld [tilespmem:s5+$0x30]  }
0x7f: {  	v34 =	vadd.f32 v35, v33;
	v33 =	vld [tilespmem:s12+$0x30]  }
0x80: {  	v32 =	vld [tilespmem:s5+$0xFFFFFF80];
	v35 =	vshll.u32 v37, $0x10;
	v37 =	vand.u32 $0xFFFF0000, v37;
	v36 =	vmul.bf16 v38, v36;
	s5 =	sadd.s32 $0x100, s5  }
0x81: {  	v28 =	vadd.f32 v34, v28;
	v56 =	vadd.s32 s6, v16  }
0x82: {  	v57 =	vadd.s32 s6, v17;
	v58 =	vadd.s32 s6, v18;
	v59 =	vadd.s32 s6, v19  }
0x83: {  	v38 =	vshll.u32 v36, $0x10;
	v51 =	vand.u32 $0xFFFF0000, v36;
	v29 =	vmul.bf16 v31, v29  }
0x84: {  	v31 =	vadd.f32 v37, v35;
	v52 =	vadd.f32 v51, v38;
	v30 =	vmul.bf16 v33, v30  }
0x85: {  	v53 =	vshll.u32 v29, $0x10;
	v29 =	vand.u32 $0xFFFF0000, v29;
	v24 =	vmul.bf16 v24, v32  }
0x86: {  	v29 =	vadd.f32 v29, v53;
	v54 =	vshll.u32 v30, $0x10;
	v30 =	vand.u32 $0xFFFF0000, v30  }
0x87: {  	v55 =	vshll.u32 v24, $0x10;
	v24 =	vand.u32 $0xFFFF0000, v24;
	v30 =	vadd.f32 v30, v54  }
0x88: {  	v60 =	vadd.s32 s6, v20;
	v33 =	vand.u32 $0x1FF8, v57;
	v24 =	vadd.f32 v24, v55  }
0x89: {  	v31 =	vadd.f32 v52, v31;
	v32 =	vand.u32 $0x1FF8, v56;
	v29 =	vadd.f32 v30, v29  }
0x8a: {  	v32 =	vor.u32 v1, v32;
	v24 =	vadd.f32 v25, v24;
	v25 =	vadd.f32 v28, v27  }
0x8b: {  	v34 =	vand.u32 $0x1FF8, v58;
	v33 =	vor.u32 v3, v33;
	v27 =	vadd.f32 v29, v31  }
0x8c: {  	v35 =	vand.u32 $0x1FF8, v59;
	v34 =	vor.u32 v5, v34;
	v24 =	vadd.f32 v26, v24;
	[tilespmem:s13+$0xFFFFFFEF] =	vst v25  }
0x8d: {  	v62 =	vadd.s32 s6, v22;
	v36 =	vand.u32 $0x1FF8, v60;
	v35 =	vor.u32 v7, v35;
	[tilespmem:s13+$0x0] =	vst v27  }
0x8e: {  	v39 =	vadd.s32 s6, v23;
	v36 =	vor.u32 v9, v36;
	v38 =	vand.u32 $0x1FF8, v62;
	[tilespmem:s13+$0xFFFFFFDE] =	vst v24  }
0x8f: {  	v39 =	vand.u32 $0x1FF8, v39;
	v38 =	vor.u32 v13, v38;
	v30 =	vadd.s32 s6, v6;
	v32 =	vld.idx.msk [tilespmem:v32+s28+$0x0], $0xffff  }
0x90: {  	v39 =	vor.u32 v15, v39;
	v28 =	vadd.s32 s6, v0;
	v30 =	vand.u32 $0x1FF8, v30;
	v33 =	vld.idx.msk [tilespmem:v33+s28+$0x0], $0xffff  }
0x91: {  	v28 =	vand.u32 $0x1FF8, v28;
	v29 =	vadd.s32 s6, v4;
	v30 =	vor.u32 v7, v30;
	v34 =	vld.idx.msk [tilespmem:v34+s28+$0x0], $0xffff  }
0x92: {  	v31 =	vadd.s32 s6, v14;
	v28 =	vor.u32 v1, v28;
	v29 =	vand.u32 $0x1FF8, v29;
	v35 =	vld.idx.msk [tilespmem:v35+s28+$0x0], $0xffff  }
0x93: {  	v26 =	vadd.s32 s6, v2;
	v31 =	vand.u32 $0x1FF8, v31;
	v29 =	vor.u32 v5, v29;
	v36 =	vld.idx.msk [tilespmem:v36+s28+$0x0], $0xffff  }
0x94: {  	v25 =	vadd.s32 s6, v8;
	v26 =	vand.u32 $0x1FF8, v26;
	v31 =	vor.u32 v15, v31;
	v38 =	vld.idx.msk [tilespmem:v38+s28+$0x0], $0xffff  }
0x95: {  	v27 =	vadd.s32 s6, v10;
	v25 =	vand.u32 $0x1FF8, v25;
	v26 =	vor.u32 v3, v26;
	v39 =	vld.idx.msk [tilespmem:v39+s28+$0x0], $0xffff  }
0x96: {  	v24 =	vadd.s32 s6, v12;
	v27 =	vand.u32 $0x1FF8, v27;
	v25 =	vor.u32 v9, v25;
	v30 =	vld.idx.msk [tilespmem:v30+s28+$0x0], $0xffff  }
0x97: {  	v61 =	vadd.s32 s6, v21;
	v24 =	vand.u32 $0x1FF8, v24;
	v27 =	vor.u32 v11, v27;
	v28 =	vld.idx.msk [tilespmem:v28+s28+$0x0], $0xffff  }
0x98: {  	s4 =	simm.s32 $0x110;
	v37 =	vand.u32 $0x1FF8, v61;
	v24 =	vor.u32 v13, v24;
	v29 =	vld.idx.msk [tilespmem:v29+s28+$0x0], $0xffff  }
0x99: {  	v40 =	vadd.s32 s4, v0;
	v37 =	vor.u32 v11, v37;
	v31 =	vld.idx.msk [tilespmem:v31+s28+$0x0], $0xffff  }
0x9a: {  	v41 =	vadd.s32 s4, v2;
	v42 =	vadd.s32 s4, v4;
	v43 =	vadd.s32 s4, v6;
	v26 =	vld.idx.msk [tilespmem:v26+s28+$0x0], $0xffff  }
0x9b: {  	v44 =	vadd.s32 s4, v8;
	v45 =	vadd.s32 s4, v10;
	v46 =	vadd.s32 s4, v12;
	v25 =	vld.idx.msk [tilespmem:v25+s28+$0x0], $0xffff  }
0x9c: {  	v48 =	vadd.s32 s4, v16;
	v60 =	vadd.s32 s4, v22;
	v40 =	vand.u32 $0x1FF8, v40;
	v27 =	vld.idx.msk [tilespmem:v27+s28+$0x0], $0xffff  }
0x9d: {  	v41 =	vand.u32 $0x1FF8, v41;
	v42 =	vand.u32 $0x1FF8, v42;
	v43 =	vand.u32 $0x1FF8, v43;
	v24 =	vld.idx.msk [tilespmem:v24+s28+$0x0], $0xffff  }
0x9e: {  	v45 =	vand.u32 $0x1FF8, v45;
	v63 =	vor.u32 v5, v42;
	v52 =	vadd.s32 s4, v20;
	v37 =	vld.idx.msk [tilespmem:v37+s28+$0x0], $0xffff  }
0x9f: {  	v43 =	vor.u32 v7, v43;
	v53 =	vand.u32 $0x1FF8, v48;
	v61 =	vand.u32 $0x1FF8, v52  }
0xa0: {  	v54 =	vor.u32 v1, v53;
	v42 =	vadd.f32 v39, v38;
	v26 =	vadd.f32 v26, v28  }
0xa1: {  	v39 =	vor.u32 v9, v61;
	v28 =	vadd.f32 v30, v29;
	v30 =	vadd.f32 v33, v32  }
0xa2: {  	v38 =	vand.u32 $0x1FF8, v60;
	v25 =	vadd.f32 v27, v25;
	v24 =	vadd.f32 v31, v24  }
0xa3: {  	v27 =	vor.u32 v3, v41;
	v41 =	vadd.f32 v37, v36;
	v31 =	vadd.f32 v35, v34  }
0xa4: {  	v38 =	vor.u32 v13, v38;
	v26 =	vadd.f32 v28, v26;
	v24 =	vadd.f32 v24, v25  }
0xa5: {  	v40 =	vor.u32 v1, v40;
	v28 =	vadd.f32 v31, v30;
	v30 =	vadd.f32 v42, v41  }
0xa6: {  	v47 =	vadd.s32 s4, v14;
	v29 =	vand.u32 $0x1FF8, v46;
	v46 =	vor.u32 v11, v45;
	v32 =	vld.idx.msk [tilespmem:v54+s28+$0x0], $0xffff  }
0xa7: {  	v51 =	vadd.s32 s4, v19;
	v39 =	vld.idx.msk [tilespmem:v39+s28+$0x0], $0xffff;
	v24 =	vadd.f32 v24, v26;
	v26 =	vadd.f32 v30, v28  }
0xa8: {  	v49 =	vadd.s32 s4, v17;
	v50 =	vadd.s32 s4, v18;
	v59 =	vand.u32 $0x1FF8, v51;
	v35 =	vld.idx.msk [tilespmem:v43+s28+$0x0], $0xffff  }
0xa9: {  	v56 =	vadd.s32 s4, v21;
	v29 =	vor.u32 v13, v29;
	v38 =	vld.idx.msk [tilespmem:v38+s28+$0x0], $0xffff;
	v24 =	vadd.f32 v26, v24  }
0xaa: {  	v44 =	vand.u32 $0x1FF8, v44;
	v37 =	vor.u32 v7, v59;
	v36 =	vand.u32 $0x1FF8, v56;
	v31 =	vld.idx.msk [tilespmem:v40+s28+$0x0], $0xffff  }
0xab: {  	v62 =	vadd.s32 s4, v23;
	v36 =	vor.u32 v11, v36;
	v33 =	vld.idx.msk [tilespmem:v46+s28+$0x0], $0xffff;
	v24 =	vsub.f32 $0.0e+00, v24  }
0xac: {  	v47 =	vand.u32 $0x1FF8, v47;
	v25 =	vor.u32 v9, v44;
	v40 =	vand.u32 $0x1FF8, v62;
	v27 =	vld.idx.msk [tilespmem:v27+s28+$0x0], $0xffff  }
0xad: {  	v57 =	vand.u32 $0x1FF8, v50;
	v40 =	vor.u32 v15, v40;
	v28 =	vld.idx.msk [tilespmem:v63+s28+$0x0], $0xffff;
	v24 =	vmul.f32 $1.442695020e+00, v24  }
0xae: {  	v58 =	vor.u32 v5, v57;
	v55 =	vand.u32 $0x1FF8, v49;
	s13 =	simm.s32 $0x220;
	v30 =	vor.u32 v15, v47;
	v29 =	vld.idx.msk [tilespmem:v29+s28+$0x0], $0xffff  }
0xaf: {  	v57 =	vadd.s32 s13, v14;
	v60 =	vadd.s32 s13, v18;
	v37 =	vld.idx.msk [tilespmem:v37+s28+$0x0], $0xffff;
	(erf) = vpow2.f32 v24  }
0xb0: {  	v61 =	vadd.s32 s13, v19;
	v54 =	vand.u32 $0x1FF8, v57;
	v36 =	vld.idx.msk [tilespmem:v36+s28+$0x0], $0xffff;
	v26 =	vor.u32 v3, v55  }
0xb1: {  	v56 =	vadd.s32 s13, v12;
	v34 =	vadd.s32 s13, v2;
	v43 =	vadd.s32 s13, v6;
	v25 =	vld.idx.msk [tilespmem:v25+s28+$0x0], $0xffff  }
0xb2: {  	v59 =	vadd.s32 s13, v17;
	v34 =	vand.u32 $0x1FF8, v34;
	v43 =	vand.u32 $0x1FF8, v43;
	v40 =	vld.idx.msk [tilespmem:v40+s28+$0x0], $0xffff  }
0xb3: {  	v41 =	vadd.s32 s13, v0;
	v42 =	vadd.s32 s13, v4;
	v44 =	vadd.s32 s13, v8;
	v30 =	vld.idx.msk [tilespmem:v30+s28+$0x0], $0xffff  }
0xb4: {  	v42 =	vand.u32 $0x1FF8, v42;
	v44 =	vand.u32 $0x1FF8, v44;
	v63 =	vadd.s32 s13, v10;
	v24 =	vld.idx.msk [tilespmem:v58+s28+$0x0], $0xffff  }
0xb5: {  	v46 =	vand.u32 $0x1FF8, v56;
	v45 =	vand.u32 $0x1FF8, v63;
	v63 =	vor.u32 v5, v42;
	v26 =	vld.idx.msk [tilespmem:v26+s28+$0x0], $0xffff  }
0xb6: {  	v42 =	vor.u32 v7, v43;
	v27 =	vadd.f32 v27, v31;
	v31 =	vor.u32 v3, v34  }
0xb7: {  	v28 =	vadd.f32 v35, v28;
	v58 =	vadd.s32 s13, v16;
	v25 =	vadd.f32 v33, v25  }
0xb8: {  	v53 =	vadd.f32 v40, v38;
	v55 =	vand.u32 $0x1FF8, v58;
	v29 =	vadd.f32 v30, v29;
	v30 =	vpop (erf)  }
0xb9: {  	v57 =	vor.u32 v1, v55;
	v43 =	vadd.f32 v37, v24;
	v24 =	vadd.f32 $1.000000000e+00, v30  }
0xba: {  	v26 =	vadd.f32 v26, v32;
	v30 =	vor.u32 v9, v44;
	v44 =	vadd.f32 v36, v39  }
0xbb: {  	v27 =	vadd.f32 v28, v27;
	v28 =	vadd.f32 v29, v25;
	(erf) = vrcp.f32 v24  }
0xbc: {  	v29 =	vor.u32 v11, v45;
	v25 =	vld.idx.msk [tilespmem:v31+s28+$0x0], $0xffff;
	v34 =	vadd.f32 v43, v26;
	v35 =	vadd.f32 v53, v44  }
0xbd: {  	v62 =	vadd.s32 s13, v20;
	v31 =	vor.u32 v13, v46;
	v56 =	vadd.f32 v28, v27;
	v27 =	vld.idx.msk [tilespmem:v42+s28+$0x0], $0xffff  }
0xbe: {  	v41 =	vand.u32 $0x1FF8, v41;
	v26 =	vld.idx.msk [tilespmem:v63+s28+$0x0], $0xffff;
	v36 =	vor.u32 v15, v54;
	v34 =	vadd.f32 v35, v34  }
0xbf: {  	v41 =	vor.u32 v1, v41;
	v58 =	vand.u32 $0x1FF8, v59;
	v59 =	vadd.s32 s13, v21;
	v32 =	vld.idx.msk [tilespmem:v57+s28+$0x0], $0xffff  }
0xc0: {  	v33 =	vor.u32 v3, v58;
	v28 =	vld.idx.msk [tilespmem:v30+s28+$0x0], $0xffff;
	v30 =	vand.u32 $0x1FF8, v60;
	v38 =	vadd.f32 v34, v56  }
0xc1: {  	v37 =	vand.u32 $0x1FF8, v59;
	v29 =	vld.idx.msk [tilespmem:v29+s28+$0x0], $0xffff;
	v60 =	vand.u32 $0x1FF8, v61;
	v34 =	vor.u32 v5, v30  }
0xc2: {  	v62 =	vand.u32 $0x1FF8, v62;
	v30 =	vld.idx.msk [tilespmem:v31+s28+$0x0], $0xffff;
	v35 =	vor.u32 v7, v60;
	v63 =	vsub.f32 $0.0e+00, v38  }
0xc3: {  	v40 =	vadd.s32 s13, v23;
	v61 =	vadd.s32 s13, v22;
	v31 =	vld.idx.msk [tilespmem:v36+s28+$0x0], $0xffff;
	v36 =	vor.u32 v9, v62  }
0xc4: {  	s5 =	simm.s32 $0x330;
	s4 =	smov.u32 s19;
	v24 =	vld.idx.msk [tilespmem:v41+s28+$0x0], $0xffff;
	v41 =	vand.u32 $0x1FF8, v61;
	v38 =	vor.u32 v11, v37;
	v39 =	vmul.f32 $1.442695020e+00, v63;
	v37 =	vpop (erf)  }
.LBB2_5:
0xc5: {  	p0 =	sne.s32 s5, $0x990;
	v33 =	vld.idx.msk [tilespmem:v33+s28+$0x0], $0xffff;
	v41 =	vor.u32 v13, v41;
	v40 =	vand.u32 $0x1FF8, v40;
	[tilespmem:s4+$0x0] =	vst v37  }
0xc6: {  	v37 =	vadd.s32 s5, v0;
	v34 =	vld.idx.msk [tilespmem:v34+s28+$0x0], $0xffff;
	v40 =	vor.u32 v15, v40;
	(erf) = vpow2.f32 v39  }
0xc7: {  	v42 =	vadd.s32 s5, v4;
	v43 =	vadd.s32 s5, v6;
	v39 =	vadd.s32 s5, v2;
	v35 =	vld.idx.msk [tilespmem:v35+s28+$0x0], $0xffff  }
0xc8: {  	v44 =	vadd.s32 s5, v8;
	v45 =	vadd.s32 s5, v10;
	v46 =	vadd.s32 s5, v12;
	v36 =	vld.idx.msk [tilespmem:v36+s28+$0x0], $0xffff  }
0xc9: {  	v47 =	vadd.s32 s5, v14;
	v48 =	vadd.s32 s5, v16;
	v49 =	vadd.s32 s5, v17;
	v38 =	vld.idx.msk [tilespmem:v38+s28+$0x0], $0xffff  }
0xca: {  	v50 =	vadd.s32 s5, v18;
	v51 =	vadd.s32 s5, v19;
	v52 =	vadd.s32 s5, v20;
	v41 =	vld.idx.msk [tilespmem:v41+s28+$0x0], $0xffff  }
0xcb: {  	v37 =	vand.u32 $0x1FF8, v37;
	v42 =	vand.u32 $0x1FF8, v42;
	v39 =	vand.u32 $0x1FF8, v39;
	v40 =	vld.idx.msk [tilespmem:v40+s28+$0x0], $0xffff  }
0xcc: {  	v43 =	vand.u32 $0x1FF8, v43;
	v44 =	vand.u32 $0x1FF8, v44;
	v45 =	vand.u32 $0x1FF8, v45  }
0xcd: {  	v24 =	vadd.f32 v25, v24;
	v46 =	vand.u32 $0x1FF8, v46;
	v37 =	vor.u32 v1, v37  }
0xce: {  	v26 =	vadd.f32 v27, v26;
	v27 =	vadd.f32 v29, v28;
	v25 =	vor.u32 v3, v39  }
0xcf: {  	v28 =	vor.u32 v5, v42;
	v29 =	vadd.f32 v31, v30;
	v30 =	vadd.f32 v33, v32;
	v31 =	vpop (erf)  }
0xd0: {  	v32 =	vor.u32 v7, v43;
	v33 =	vadd.f32 v35, v34;
	v31 =	vadd.f32 $1.000000000e+00, v31  }
0xd1: {  	v34 =	vor.u32 v9, v44;
	v35 =	vadd.f32 v38, v36;
	v36 =	vadd.f32 v40, v41  }
0xd2: {  	v27 =	vadd.f32 v29, v27;
	v38 =	vadd.f32 v26, v24;
	(erf) = vrcp.f32 v31  }
0xd3: {  	v29 =	vor.u32 v11, v45;
	v30 =	vadd.f32 v33, v30;
	v31 =	vadd.f32 v36, v35;
	v24 =	vld.idx.msk [tilespmem:v37+s28+$0x0], $0xffff  }
0xd4: {  	v33 =	vand.u32 $0x1FF8, v47;
	v35 =	vor.u32 v13, v46;
	v36 =	vand.u32 $0x1FF8, v48;
	v25 =	vld.idx.msk [tilespmem:v25+s28+$0x0], $0xffff  }
0xd5: {  	v38 =	vadd.f32 v27, v38;
	v37 =	vor.u32 v15, v33;
	v30 =	vadd.f32 v31, v30;
	v26 =	vld.idx.msk [tilespmem:v28+s28+$0x0], $0xffff  }
0xd6: {  	v39 =	vadd.s32 s5, v21;
	v31 =	vand.u32 $0x1FF8, v49;
	v27 =	vld.idx.msk [tilespmem:v32+s28+$0x0], $0xffff;
	v32 =	vor.u32 v1, v36  }
.Ltmp1:
0xd7: {  	v33 =	vor.u32 v3, v31;
	v31 =	vand.u32 $0x1FF8, v50;
	v36 =	vadd.f32 v30, v38;
	v28 =	vld.idx.msk [tilespmem:v34+s28+$0x0], $0xffff;
	(pc) =	sbr.rel @p0 .LBB2_5-.Ltmp1, $4  }
0xd8: {  	v41 =	vadd.s32 s5, v22;
	v34 =	vor.u32 v5, v31;
	v31 =	vand.u32 $0x1FF8, v51;
	v29 =	vld.idx.msk [tilespmem:v29+s28+$0x0], $0xffff  }
0xd9: {  	v38 =	vand.u32 $0x1FF8, v52;
	v42 =	vsub.f32 $0.0e+00, v36;
	v30 =	vld.idx.msk [tilespmem:v35+s28+$0x0], $0xffff;
	v35 =	vor.u32 v7, v31  }
0xda: {  	v43 =	vand.u32 $0x1FF8, v39;
	v40 =	vadd.s32 s5, v23;
	v36 =	vor.u32 v9, v38;
	v31 =	vld.idx.msk [tilespmem:v37+s28+$0x0], $0xffff  }
0xdb: {  	s4 =	sadd.s32 $0x10, s4;
	s5 =	sadd.s32 $0x110, s5;
	v41 =	vand.u32 $0x1FF8, v41;
	v38 =	vor.u32 v11, v43;
	v39 =	vmul.f32 $1.442695020e+00, v42;
	v32 =	vld.idx.msk [tilespmem:v32+s28+$0x0], $0xffff;
	v37 =	vpop (erf)  }
0xdc: {  	_ =	sdelay $0x3  }
0xdd: {  	v33 =	vld.idx.msk [tilespmem:v33+s28+$0x0], $0xffff;
	v41 =	vor.u32 v13, v41;
	v40 =	vand.u32 $0x1FF8, v40  }
0xde: {  	v34 =	vld.idx.msk [tilespmem:v34+s28+$0x0], $0xffff;
	v40 =	vor.u32 v15, v40  }
0xdf: {  	v35 =	vld.idx.msk [tilespmem:v35+s28+$0x0], $0xffff  }
0xe0: {  	v36 =	vld.idx.msk [tilespmem:v36+s28+$0x0], $0xffff  }
0xe1: {  	v38 =	vld.idx.msk [tilespmem:v38+s28+$0x0], $0xffff  }
0xe2: {  	v41 =	vld.idx.msk [tilespmem:v41+s28+$0x0], $0xffff  }
0xe3: {  	v40 =	vld.idx.msk [tilespmem:v40+s28+$0x0], $0xffff;
	_ =	sdelay $0x1  }
0xe4: {  	v24 =	vadd.f32 v25, v24;
	v25 =	vadd.f32 v27, v26  }
0xe5: {  	v26 =	vadd.f32 v29, v28;
	v27 =	vadd.f32 v31, v30  }
0xe6: {  	(erf) = vpow2.f32 v39;
	v28 =	vadd.f32 v33, v32;
	v29 =	vadd.f32 v35, v34  }
0xe7: {  	v30 =	vadd.f32 v38, v36;
	v31 =	vadd.f32 v40, v41  }
0xe8: {  	v24 =	vadd.f32 v25, v24;
	v25 =	vadd.f32 v27, v26  }
0xe9: {  	v26 =	vadd.f32 v29, v28;
	v27 =	vadd.f32 v31, v30;
	_ =	sdelay $0x1  }
0xea: {  	v24 =	vadd.f32 v25, v24;
	v25 =	vadd.f32 v27, v26;
	_ =	sdelay $0x1  }
0xeb: {  	v24 =	vadd.f32 v25, v24;
	_ =	sdelay $0x1  }
0xec: {  	v25 =	vpop (erf);
	v24 =	vsub.f32 $0.0e+00, v24  }
0xed: {  	v25 =	vadd.f32 $1.000000000e+00, v25  }
0xee: {  	v24 =	vmul.f32 $1.442695020e+00, v24  }
0xef: {  	(erf) = vrcp.f32 v25  }
0xf0: {  	(erf) = vpow2.f32 v24;
	_ =	sdelay $0x7  }
0xf1: {  	v24 =	vpop (erf)  }
0xf2: {  	v25 =	vpop (erf)  }
0xf3: {  	v25 =	vadd.f32 $1.000000000e+00, v25;
	_ =	sdelay $0x1  }
0xf4: {  	(erf) = vrcp.f32 v25;
	_ =	sdelay $0x7  }
0xf5: {  	[tilespmem:s4+$0x0] =	vst v37;
	s13 =	sadd.s32 $0x10, s4  }
0xf6: {  	s4 =	sadd.s32 $0x10, s13;
	[tilespmem:s13+$0x0] =	vst v24;
	v24 =	vpop (erf)  }
0xf7: {  	s5 =	sadd.s32 $0x9D80, s1;
	[tilespmem:s4+$0x0] =	vst v24  }
0xf8: {  	[tilespmem:s15], [sflag:$0x1] =	stream.indirect.gather [spmem:s2], $0x40, s5, s14, $0xb8;
	[tilespmem:$0x1BC10] =	vst v63  }
0xf9: {  	s6 =	sadd.s32 $0xC490, s1  }
0xfa: {  	[tilespmem:s16], [sflag:$0x2] =	stream.indirect.gather [spmem:s2], $0x40, s6, s14, $0xb8;
	[tilespmem:$0x1BC10] =	vst v63  }
0xfb: {  	s12 =	sadd.s32 $0x9DD0, s1  }
0xfc: {  	[tilespmem:s18], [sflag:$0x1] =	stream.indirect.gather [spmem:s2], $0x40, s12, s14, $0xb8;
	[tilespmem:$0x1BC10] =	vst v63  }
0xfd: {  	s13 =	sadd.s32 $0xC4E0, s1  }
0xfe: {  	[tilespmem:s20], [sflag:$0x2] =	stream.indirect.gather [spmem:s2], $0x40, s13, s14, $0xb8;
	[tilespmem:$0x1BC10] =	vst v63  }
0xff: {  	_ =	swait.ge [sflag:s29], $0x1400  }
0x100: {  	[sflag:s29] =	ssyncset.done $0x0  }
0x101: {  	[sflag:s29] =	ssyncadd.s32 $0xFFFFEC00  }
0x102: {  	_ =	swait.ge [sflag:s30], $0x1400  }
0x103: {  	[sflag:s30] =	ssyncset.done $0x0  }
0x104: {  	[sflag:s30] =	ssyncadd.s32 $0xFFFFEC00  }
0x105: {  	_ =	swait.ge [sflag:s29], $0x1400  }
0x106: {  	[sflag:s29] =	ssyncset.done $0x0  }
0x107: {  	[sflag:s29] =	ssyncadd.s32 $0xFFFFEC00  }
0x108: {  	_ =	swait.ge [sflag:s30], $0x1400  }
0x109: {  	[sflag:s30] =	ssyncset.done $0x0  }
0x10a: {  	s5 =	simm.s32 $0x13AE0;
	[sflag:s30] =	ssyncadd.s32 $0xFFFFEC00  }
0x10b: {  	s1 =	simm.s32 $0x162E0;
	v25 =	vld [tilespmem:s5+$0x40]  }
0x10c: {  	v26 =	vld [tilespmem:s1+$0x40]  }
0x10d: {  	v27 =	vld [tilespmem:s5+$0x50]  }
0x10e: {  	v28 =	vld [tilespmem:s1+$0x50]  }
0x10f: {  	v29 =	vld [tilespmem:s5+$0x60]  }
0x110: {  	v30 =	vld [tilespmem:s1+$0x60]  }
0x111: {  	v31 =	vld [tilespmem:s5+$0x70]  }
0x112: {  	v57 =	vld [tilespmem:s1+$0x70]  }
0x113: {  	v58 =	vld [tilespmem:s5+$0xFFFFFF90]  }
0x114: {  	v59 =	vld [tilespmem:s1+$0xFFFFFF90]  }
0x115: {  	v60 =	vld [tilespmem:s5+$0xFFFFFFA0]  }
0x116: {  	v61 =	vld [tilespmem:s1+$0xFFFFFFB0]  }
0x117: {  	v44 =	vld [tilespmem:s5+$0xFFFFFFC0]  }
0x118: {  	v46 =	vld [tilespmem:s1+$0xFFFFFFC0];
	v25 =	vmul.bf16 v26, v25;
	v27 =	vmul.bf16 v28, v27  }
0x119: {  	v26 =	vld [tilespmem:s1+$0xFFFFFFA0];
	v28 =	vmul.bf16 v30, v29;
	v31 =	vmul.bf16 v57, v31  }
0x11a: {  	v29 =	vld [tilespmem:s5+$0xFFFFFFB0];
	v30 =	vshll.u32 v25, $0x10;
	v25 =	vand.u32 $0xFFFF0000, v25;
	v62 =	vshll.u32 v27, $0x10  }
0x11b: {  	v47 =	vld [tilespmem:s5+$0xFFFFFFD0];
	v27 =	vand.u32 $0xFFFF0000, v27;
	v63 =	vshll.u32 v28, $0x10;
	v28 =	vand.u32 $0xFFFF0000, v28  }
0x11c: {  	v48 =	vld [tilespmem:s1+$0xFFFFFFD0];
	v45 =	vshll.u32 v31, $0x10;
	v25 =	vadd.f32 v25, v30;
	v30 =	vmul.bf16 v59, v58  }
0x11d: {  	v50 =	vld [tilespmem:s5+$0xFFFFFFE0];
	v31 =	vand.u32 $0xFFFF0000, v31;
	v27 =	vadd.f32 v27, v62;
	v28 =	vadd.f32 v28, v63  }
0x11e: {  	v51 =	vld [tilespmem:s5+$0xFFFFFFF0];
	v31 =	vadd.f32 v31, v45;
	v26 =	vmul.bf16 v26, v60;
	v49 =	vshll.u32 v30, $0x10  }
0x11f: {  	v27 =	vadd.f32 v27, v25;
	v25 =	vand.u32 $0xFFFF0000, v30;
	v29 =	vmul.bf16 v61, v29;
	v30 =	vld [tilespmem:s1+$0xFFFFFFE0]  }
0x120: {  	v54 =	vld [tilespmem:s1+$0xFFFFFFF0];
	v53 =	vmul.bf16 v46, v44;
	v28 =	vadd.f32 v31, v28;
	v31 =	vshll.u32 v26, $0x10  }
0x121: {  	v55 =	vld [tilespmem:s5+$0x0];
	v26 =	vand.u32 $0xFFFF0000, v26;
	v52 =	vshll.u32 v29, $0x10;
	v29 =	vand.u32 $0xFFFF0000, v29  }
0x122: {  	v57 =	vld [tilespmem:s1+$0x0];
	v26 =	vadd.f32 v26, v31;
	v29 =	vadd.f32 v29, v52  }
0x123: {  	v24 =	vld [tilespmem:s1+$0xFFFFFF80];
	v56 =	vadd.f32 v28, v27;
	v27 =	vshll.u32 v53, $0x10;
	v28 =	vmul.bf16 v48, v47  }
0x124: {  	v58 =	vld [tilespmem:s5+$0x10];
	v31 =	vand.u32 $0xFFFF0000, v53;
	v26 =	vadd.f32 v29, v26;
	v29 =	vmul.bf16 v30, v50  }
0x125: {  	v32 =	vmul.bf16 v54, v51;
	v59 =	vld [tilespmem:s1+$0x10];
	v27 =	vadd.f32 v31, v27;
	v30 =	vshll.u32 v28, $0x10  }
0x126: {  	v28 =	vand.u32 $0xFFFF0000, v28;
	v31 =	vshll.u32 v29, $0x10;
	v60 =	vand.u32 $0xFFFF0000, v29;
	v29 =	vld [tilespmem:s5+$0x20]  }
0x127: {  	v63 =	vmul.bf16 v57, v55;
	v61 =	vadd.f32 v28, v30;
	v28 =	vadd.f32 v60, v31;
	v31 =	vld [tilespmem:s1+$0x20]  }
0x128: {  	v33 =	vld [tilespmem:s1+$0x30];
	v62 =	vshll.u32 v32, $0x10;
	v32 =	vand.u32 $0xFFFF0000, v32  }
0x129: {  	s12 =	simm.s32 $0x18A82;
	v34 =	vadd.f32 v32, v62;
	v25 =	vadd.f32 v25, v49;
	v35 =	vshll.u32 v63, $0x10;
	v30 =	vld [tilespmem:s5+$0x30]  }
0x12a: {  	s4 =	simm.s32 $0x0;
	v32 =	vld [tilespmem:s5+$0xFFFFFF80];
	v37 =	vand.u32 $0xFFFF0000, v63;
	v36 =	vmul.bf16 v59, v58;
	[tilespmem:s12+$0x11] =	vst v56;
	s5 =	simm.s32 $0x13BE0;
	v27 =	vadd.f32 v61, v27  }
.LBB2_7:
0x12b: {  	v38 =	vld [tilespmem:s5+$0x40];
	v28 =	vadd.f32 v34, v28;
	v34 =	vadd.f32 v37, v35;
	s1 =	sadd.s32 $0x100, s1  }
0x12c: {  	v35 =	vld [tilespmem:s1+$0x40];
	v37 =	vshll.u32 v36, $0x10;
	v36 =	vand.u32 $0xFFFF0000, v36;
	v29 =	vmul.bf16 v31, v29  }
0x12d: {  	v31 =	vld [tilespmem:s5+$0x50];
	v27 =	vadd.f32 v28, v27;
	v28 =	vadd.f32 v36, v37  }
0x12e: {  	v36 =	vld [tilespmem:s1+$0x50];
	v37 =	vshll.u32 v29, $0x10;
	v29 =	vand.u32 $0xFFFF0000, v29;
	v30 =	vmul.bf16 v33, v30  }
0x12f: {  	v33 =	vld [tilespmem:s5+$0x60];
	v24 =	vmul.bf16 v24, v32;
	[tilespmem:s12+$0xFFFFFFEF] =	vst v27;
	v27 =	vadd.f32 v29, v37;
	v28 =	vadd.f32 v28, v34  }
0x130: {  	v29 =	vld [tilespmem:s1+$0x60];
	v32 =	vshll.u32 v30, $0x10;
	v30 =	vand.u32 $0xFFFF0000, v30  }
0x131: {  	v34 =	vld [tilespmem:s5+$0x70];
	v37 =	vshll.u32 v24, $0x10;
	v24 =	vand.u32 $0xFFFF0000, v24;
	v30 =	vadd.f32 v30, v32  }
0x132: {  	v32 =	vld [tilespmem:s1+$0x70];
	v37 =	vadd.f32 v24, v37  }
0x133: {  	s4 =	sadd.s32 $0x4, s4;
	v24 =	vld [tilespmem:s1+$0xFFFFFF80];
	v27 =	vadd.f32 v30, v27  }
0x134: {  	p0 =	slt.u32 s4, $0x9C;
	v30 =	vld [tilespmem:s5+$0xFFFFFF90];
	v25 =	vadd.f32 v25, v37  }
0x135: {  	v35 =	vmul.bf16 v35, v38;
	v37 =	vld [tilespmem:s1+$0xFFFFFF90];
	v27 =	vadd.f32 v27, v28  }
0x136: {  	v31 =	vmul.bf16 v36, v31;
	v28 =	vld [tilespmem:s5+$0xFFFFFFA0];
	v25 =	vadd.f32 v26, v25  }
0x137: {  	v36 =	vshll.u32 v35, $0x10;
	v29 =	vmul.bf16 v29, v33;
	v26 =	vld [tilespmem:s1+$0xFFFFFFA0];
	v32 =	vmul.bf16 v32, v34;
	[tilespmem:s12+$0x0] =	vst v27  }
0x138: {  	v33 =	vand.u32 $0xFFFF0000, v35;
	v34 =	vshll.u32 v31, $0x10;
	v31 =	vand.u32 $0xFFFF0000, v31;
	v27 =	vld [tilespmem:s5+$0xFFFFFFB0];
	[tilespmem:s12+$0xFFFFFFDE] =	vst v25  }
0x139: {  	v35 =	vshll.u32 v29, $0x10;
	v29 =	vand.u32 $0xFFFF0000, v29;
	v25 =	vld [tilespmem:s1+$0xFFFFFFB0];
	v38 =	vshll.u32 v32, $0x10  }
0x13a: {  	v33 =	vadd.f32 v33, v36;
	v31 =	vadd.f32 v31, v34;
	v32 =	vand.u32 $0xFFFF0000, v32;
	v39 =	vld [tilespmem:s5+$0xFFFFFFC0]  }
0x13b: {  	v29 =	vadd.f32 v29, v35;
	v30 =	vmul.bf16 v37, v30;
	v32 =	vadd.f32 v32, v38;
	v34 =	vld [tilespmem:s1+$0xFFFFFFC0]  }
0x13c: {  	v26 =	vmul.bf16 v26, v28;
	v28 =	vld [tilespmem:s5+$0xFFFFFFD0]  }
0x13d: {  	v31 =	vadd.f32 v31, v33;
	v35 =	vshll.u32 v30, $0x10;
	v29 =	vadd.f32 v32, v29;
	v36 =	vld [tilespmem:s1+$0xFFFFFFD0]  }
0x13e: {  	v30 =	vand.u32 $0xFFFF0000, v30;
	v32 =	vshll.u32 v26, $0x10;
	v27 =	vmul.bf16 v25, v27;
	v33 =	vld [tilespmem:s5+$0xFFFFFFE0]  }
0x13f: {  	v26 =	vand.u32 $0xFFFF0000, v26;
	v25 =	vadd.f32 v30, v35;
	v29 =	vadd.f32 v29, v31;
	v30 =	vld [tilespmem:s1+$0xFFFFFFE0]  }
0x140: {  	s12 =	sadd.s32 $0x44, s12;
	v31 =	vshll.u32 v27, $0x10;
	v27 =	vand.u32 $0xFFFF0000, v27;
	v34 =	vmul.bf16 v34, v39;
	v35 =	vld [tilespmem:s5+$0xFFFFFFF0]  }
0x141: {  	s6 =	simm.s32 $0x0;
	v26 =	vadd.f32 v26, v32;
	v27 =	vadd.f32 v27, v31;
	v31 =	vld [tilespmem:s1+$0xFFFFFFF0];
	[tilespmem:s12+$0x11] =	vst v29  }
0x142: {  	v29 =	vshll.u32 v34, $0x10;
	v32 =	vand.u32 $0xFFFF0000, v34;
	v28 =	vmul.bf16 v36, v28;
	v34 =	vld [tilespmem:s5+$0x0]  }
0x143: {  	v26 =	vadd.f32 v27, v26;
	v27 =	vadd.f32 v32, v29;
	v32 =	vld [tilespmem:s1+$0x0]  }
0x144: {  	v29 =	vshll.u32 v28, $0x10;
	v28 =	vand.u32 $0xFFFF0000, v28;
	v30 =	vmul.bf16 v30, v33;
	v36 =	vld [tilespmem:s5+$0x10]  }
0x145: {  	v33 =	vadd.f32 v28, v29;
	v38 =	vld [tilespmem:s1+$0x10]  }
.Ltmp2:
0x146: {  	v28 =	vshll.u32 v30, $0x10;
	v30 =	vand.u32 $0xFFFF0000, v30;
	v35 =	vmul.bf16 v31, v35;
	v29 =	vld [tilespmem:s5+$0x20];
	(pc) =	sbr.rel @p0 .LBB2_7-.Ltmp2, $4  }
0x147: {  	v28 =	vadd.f32 v30, v28;
	v27 =	vadd.f32 v33, v27;
	v31 =	vld [tilespmem:s1+$0x20]  }
0x148: {  	v33 =	vshll.u32 v35, $0x10;
	v35 =	vand.u32 $0xFFFF0000, v35;
	v37 =	vmul.bf16 v32, v34;
	v30 =	vld [tilespmem:s5+$0x30]  }
0x149: {  	v34 =	vadd.f32 v35, v33;
	v33 =	vld [tilespmem:s1+$0x30]  }
0x14a: {  	v32 =	vld [tilespmem:s5+$0xFFFFFF80];
	v35 =	vshll.u32 v37, $0x10;
	v37 =	vand.u32 $0xFFFF0000, v37;
	v36 =	vmul.bf16 v38, v36;
	s5 =	sadd.s32 $0x100, s5  }
0x14b: {  	v28 =	vadd.f32 v34, v28;
	v56 =	vadd.s32 s6, v16  }
0x14c: {  	v57 =	vadd.s32 s6, v17;
	v58 =	vadd.s32 s6, v18;
	v59 =	vadd.s32 s6, v19  }
0x14d: {  	v38 =	vshll.u32 v36, $0x10;
	v51 =	vand.u32 $0xFFFF0000, v36;
	v29 =	vmul.bf16 v31, v29  }
0x14e: {  	v31 =	vadd.f32 v37, v35;
	v52 =	vadd.f32 v51, v38;
	v30 =	vmul.bf16 v33, v30  }
0x14f: {  	v53 =	vshll.u32 v29, $0x10;
	v29 =	vand.u32 $0xFFFF0000, v29;
	v24 =	vmul.bf16 v24, v32  }
0x150: {  	v29 =	vadd.f32 v29, v53;
	v54 =	vshll.u32 v30, $0x10;
	v30 =	vand.u32 $0xFFFF0000, v30  }
0x151: {  	v55 =	vshll.u32 v24, $0x10;
	v24 =	vand.u32 $0xFFFF0000, v24;
	v30 =	vadd.f32 v30, v54  }
0x152: {  	v60 =	vadd.s32 s6, v20;
	v33 =	vand.u32 $0x1FF8, v57;
	v24 =	vadd.f32 v24, v55  }
0x153: {  	v31 =	vadd.f32 v52, v31;
	v32 =	vand.u32 $0x1FF8, v56;
	v29 =	vadd.f32 v30, v29  }
0x154: {  	v32 =	vor.u32 v1, v32;
	v24 =	vadd.f32 v25, v24;
	v25 =	vadd.f32 v28, v27  }
0x155: {  	v34 =	vand.u32 $0x1FF8, v58;
	v33 =	vor.u32 v3, v33;
	v27 =	vadd.f32 v29, v31  }
0x156: {  	v35 =	vand.u32 $0x1FF8, v59;
	v34 =	vor.u32 v5, v34;
	v24 =	vadd.f32 v26, v24;
	[tilespmem:s12+$0xFFFFFFEF] =	vst v25  }
0x157: {  	v62 =	vadd.s32 s6, v22;
	v36 =	vand.u32 $0x1FF8, v60;
	v35 =	vor.u32 v7, v35;
	[tilespmem:s12+$0x0] =	vst v27  }
0x158: {  	v39 =	vadd.s32 s6, v23;
	v36 =	vor.u32 v9, v36;
	v38 =	vand.u32 $0x1FF8, v62;
	[tilespmem:s12+$0xFFFFFFDE] =	vst v24  }
0x159: {  	v39 =	vand.u32 $0x1FF8, v39;
	v38 =	vor.u32 v13, v38;
	v30 =	vadd.s32 s6, v6;
	v32 =	vld.idx.msk [tilespmem:v32+s28+$0x0], $0xffff  }
0x15a: {  	v39 =	vor.u32 v15, v39;
	v28 =	vadd.s32 s6, v0;
	v30 =	vand.u32 $0x1FF8, v30;
	v33 =	vld.idx.msk [tilespmem:v33+s28+$0x0], $0xffff  }
0x15b: {  	v28 =	vand.u32 $0x1FF8, v28;
	v29 =	vadd.s32 s6, v4;
	v30 =	vor.u32 v7, v30;
	v34 =	vld.idx.msk [tilespmem:v34+s28+$0x0], $0xffff  }
0x15c: {  	v31 =	vadd.s32 s6, v14;
	v28 =	vor.u32 v1, v28;
	v29 =	vand.u32 $0x1FF8, v29;
	v35 =	vld.idx.msk [tilespmem:v35+s28+$0x0], $0xffff  }
0x15d: {  	v26 =	vadd.s32 s6, v2;
	v31 =	vand.u32 $0x1FF8, v31;
	v29 =	vor.u32 v5, v29;
	v36 =	vld.idx.msk [tilespmem:v36+s28+$0x0], $0xffff  }
0x15e: {  	v25 =	vadd.s32 s6, v8;
	v26 =	vand.u32 $0x1FF8, v26;
	v31 =	vor.u32 v15, v31;
	v38 =	vld.idx.msk [tilespmem:v38+s28+$0x0], $0xffff  }
0x15f: {  	v27 =	vadd.s32 s6, v10;
	v25 =	vand.u32 $0x1FF8, v25;
	v26 =	vor.u32 v3, v26;
	v39 =	vld.idx.msk [tilespmem:v39+s28+$0x0], $0xffff  }
0x160: {  	v24 =	vadd.s32 s6, v12;
	v27 =	vand.u32 $0x1FF8, v27;
	v25 =	vor.u32 v9, v25;
	v30 =	vld.idx.msk [tilespmem:v30+s28+$0x0], $0xffff  }
0x161: {  	v61 =	vadd.s32 s6, v21;
	v24 =	vand.u32 $0x1FF8, v24;
	v27 =	vor.u32 v11, v27;
	v28 =	vld.idx.msk [tilespmem:v28+s28+$0x0], $0xffff  }
0x162: {  	s1 =	simm.s32 $0x110;
	v37 =	vand.u32 $0x1FF8, v61;
	v24 =	vor.u32 v13, v24;
	v29 =	vld.idx.msk [tilespmem:v29+s28+$0x0], $0xffff  }
0x163: {  	v40 =	vadd.s32 s1, v0;
	v37 =	vor.u32 v11, v37;
	v31 =	vld.idx.msk [tilespmem:v31+s28+$0x0], $0xffff  }
0x164: {  	v41 =	vadd.s32 s1, v2;
	v42 =	vadd.s32 s1, v4;
	v43 =	vadd.s32 s1, v6;
	v26 =	vld.idx.msk [tilespmem:v26+s28+$0x0], $0xffff  }
0x165: {  	v44 =	vadd.s32 s1, v8;
	v45 =	vadd.s32 s1, v10;
	v46 =	vadd.s32 s1, v12;
	v25 =	vld.idx.msk [tilespmem:v25+s28+$0x0], $0xffff  }
0x166: {  	v48 =	vadd.s32 s1, v16;
	v60 =	vadd.s32 s1, v22;
	v40 =	vand.u32 $0x1FF8, v40;
	v27 =	vld.idx.msk [tilespmem:v27+s28+$0x0], $0xffff  }
0x167: {  	v41 =	vand.u32 $0x1FF8, v41;
	v42 =	vand.u32 $0x1FF8, v42;
	v43 =	vand.u32 $0x1FF8, v43;
	v24 =	vld.idx.msk [tilespmem:v24+s28+$0x0], $0xffff  }
0x168: {  	v45 =	vand.u32 $0x1FF8, v45;
	v63 =	vor.u32 v5, v42;
	v52 =	vadd.s32 s1, v20;
	v37 =	vld.idx.msk [tilespmem:v37+s28+$0x0], $0xffff  }
0x169: {  	v43 =	vor.u32 v7, v43;
	v53 =	vand.u32 $0x1FF8, v48;
	v61 =	vand.u32 $0x1FF8, v52  }
0x16a: {  	v54 =	vor.u32 v1, v53;
	v42 =	vadd.f32 v39, v38;
	v26 =	vadd.f32 v26, v28  }
0x16b: {  	v39 =	vor.u32 v9, v61;
	v28 =	vadd.f32 v30, v29;
	v30 =	vadd.f32 v33, v32  }
0x16c: {  	v38 =	vand.u32 $0x1FF8, v60;
	v25 =	vadd.f32 v27, v25;
	v24 =	vadd.f32 v31, v24  }
0x16d: {  	v27 =	vor.u32 v3, v41;
	v41 =	vadd.f32 v37, v36;
	v31 =	vadd.f32 v35, v34  }
0x16e: {  	v38 =	vor.u32 v13, v38;
	v26 =	vadd.f32 v28, v26;
	v24 =	vadd.f32 v24, v25  }
0x16f: {  	v40 =	vor.u32 v1, v40;
	v28 =	vadd.f32 v31, v30;
	v30 =	vadd.f32 v42, v41  }
0x170: {  	v47 =	vadd.s32 s1, v14;
	v29 =	vand.u32 $0x1FF8, v46;
	v46 =	vor.u32 v11, v45;
	v32 =	vld.idx.msk [tilespmem:v54+s28+$0x0], $0xffff  }
0x171: {  	v51 =	vadd.s32 s1, v19;
	v39 =	vld.idx.msk [tilespmem:v39+s28+$0x0], $0xffff;
	v24 =	vadd.f32 v24, v26;
	v26 =	vadd.f32 v30, v28  }
0x172: {  	v49 =	vadd.s32 s1, v17;
	v50 =	vadd.s32 s1, v18;
	v59 =	vand.u32 $0x1FF8, v51;
	v35 =	vld.idx.msk [tilespmem:v43+s28+$0x0], $0xffff  }
0x173: {  	v56 =	vadd.s32 s1, v21;
	v29 =	vor.u32 v13, v29;
	v38 =	vld.idx.msk [tilespmem:v38+s28+$0x0], $0xffff;
	v24 =	vadd.f32 v26, v24  }
0x174: {  	v44 =	vand.u32 $0x1FF8, v44;
	v37 =	vor.u32 v7, v59;
	v36 =	vand.u32 $0x1FF8, v56;
	v31 =	vld.idx.msk [tilespmem:v40+s28+$0x0], $0xffff  }
0x175: {  	v62 =	vadd.s32 s1, v23;
	v36 =	vor.u32 v11, v36;
	v33 =	vld.idx.msk [tilespmem:v46+s28+$0x0], $0xffff;
	v24 =	vsub.f32 $0.0e+00, v24  }
0x176: {  	v47 =	vand.u32 $0x1FF8, v47;
	v25 =	vor.u32 v9, v44;
	v40 =	vand.u32 $0x1FF8, v62;
	v27 =	vld.idx.msk [tilespmem:v27+s28+$0x0], $0xffff  }
0x177: {  	s13 =	simm.s32 $0x220;
	v57 =	vand.u32 $0x1FF8, v50;
	v40 =	vor.u32 v15, v40;
	v28 =	vld.idx.msk [tilespmem:v63+s28+$0x0], $0xffff;
	v24 =	vmul.f32 $1.442695020e+00, v24  }
0x178: {  	v58 =	vor.u32 v5, v57;
	v57 =	vadd.s32 s13, v14;
	v30 =	vor.u32 v15, v47;
	v29 =	vld.idx.msk [tilespmem:v29+s28+$0x0], $0xffff  }
0x179: {  	v55 =	vand.u32 $0x1FF8, v49;
	v60 =	vadd.s32 s13, v18;
	v37 =	vld.idx.msk [tilespmem:v37+s28+$0x0], $0xffff;
	(erf) = vpow2.f32 v24  }
0x17a: {  	v61 =	vadd.s32 s13, v19;
	v54 =	vand.u32 $0x1FF8, v57;
	v36 =	vld.idx.msk [tilespmem:v36+s28+$0x0], $0xffff;
	v26 =	vor.u32 v3, v55  }
0x17b: {  	v56 =	vadd.s32 s13, v12;
	v34 =	vadd.s32 s13, v2;
	v43 =	vadd.s32 s13, v6;
	v25 =	vld.idx.msk [tilespmem:v25+s28+$0x0], $0xffff  }
0x17c: {  	v59 =	vadd.s32 s13, v17;
	v34 =	vand.u32 $0x1FF8, v34;
	v43 =	vand.u32 $0x1FF8, v43;
	v40 =	vld.idx.msk [tilespmem:v40+s28+$0x0], $0xffff  }
0x17d: {  	v41 =	vadd.s32 s13, v0;
	v42 =	vadd.s32 s13, v4;
	v44 =	vadd.s32 s13, v8;
	v30 =	vld.idx.msk [tilespmem:v30+s28+$0x0], $0xffff  }
0x17e: {  	v42 =	vand.u32 $0x1FF8, v42;
	v44 =	vand.u32 $0x1FF8, v44;
	v63 =	vadd.s32 s13, v10;
	v24 =	vld.idx.msk [tilespmem:v58+s28+$0x0], $0xffff  }
0x17f: {  	v46 =	vand.u32 $0x1FF8, v56;
	v45 =	vand.u32 $0x1FF8, v63;
	v63 =	vor.u32 v5, v42;
	v26 =	vld.idx.msk [tilespmem:v26+s28+$0x0], $0xffff  }
0x180: {  	v42 =	vor.u32 v7, v43;
	v27 =	vadd.f32 v27, v31;
	v31 =	vor.u32 v3, v34  }
0x181: {  	v28 =	vadd.f32 v35, v28;
	v58 =	vadd.s32 s13, v16;
	v25 =	vadd.f32 v33, v25  }
0x182: {  	v53 =	vadd.f32 v40, v38;
	v55 =	vand.u32 $0x1FF8, v58;
	v29 =	vadd.f32 v30, v29;
	v30 =	vpop (erf)  }
0x183: {  	v57 =	vor.u32 v1, v55;
	v43 =	vadd.f32 v37, v24;
	v24 =	vadd.f32 $1.000000000e+00, v30  }
0x184: {  	v26 =	vadd.f32 v26, v32;
	v30 =	vor.u32 v9, v44;
	v44 =	vadd.f32 v36, v39  }
0x185: {  	v27 =	vadd.f32 v28, v27;
	v28 =	vadd.f32 v29, v25;
	(erf) = vrcp.f32 v24  }
0x186: {  	v29 =	vor.u32 v11, v45;
	v25 =	vld.idx.msk [tilespmem:v31+s28+$0x0], $0xffff;
	v34 =	vadd.f32 v43, v26;
	v35 =	vadd.f32 v53, v44  }
0x187: {  	v62 =	vadd.s32 s13, v20;
	v31 =	vor.u32 v13, v46;
	v56 =	vadd.f32 v28, v27;
	v27 =	vld.idx.msk [tilespmem:v42+s28+$0x0], $0xffff  }
0x188: {  	v41 =	vand.u32 $0x1FF8, v41;
	v26 =	vld.idx.msk [tilespmem:v63+s28+$0x0], $0xffff;
	v36 =	vor.u32 v15, v54;
	v34 =	vadd.f32 v35, v34  }
0x189: {  	v41 =	vor.u32 v1, v41;
	v58 =	vand.u32 $0x1FF8, v59;
	v59 =	vadd.s32 s13, v21;
	v32 =	vld.idx.msk [tilespmem:v57+s28+$0x0], $0xffff  }
0x18a: {  	v33 =	vor.u32 v3, v58;
	v28 =	vld.idx.msk [tilespmem:v30+s28+$0x0], $0xffff;
	v30 =	vand.u32 $0x1FF8, v60;
	v38 =	vadd.f32 v34, v56  }
0x18b: {  	v37 =	vand.u32 $0x1FF8, v59;
	v29 =	vld.idx.msk [tilespmem:v29+s28+$0x0], $0xffff;
	v60 =	vand.u32 $0x1FF8, v61;
	v34 =	vor.u32 v5, v30  }
0x18c: {  	v62 =	vand.u32 $0x1FF8, v62;
	v30 =	vld.idx.msk [tilespmem:v31+s28+$0x0], $0xffff;
	v35 =	vor.u32 v7, v60;
	v63 =	vsub.f32 $0.0e+00, v38  }
0x18d: {  	v40 =	vadd.s32 s13, v23;
	v61 =	vadd.s32 s13, v22;
	v31 =	vld.idx.msk [tilespmem:v36+s28+$0x0], $0xffff;
	v36 =	vor.u32 v9, v62  }
0x18e: {  	s4 =	simm.s32 $0x330;
	s1 =	smov.u32 s17;
	v24 =	vld.idx.msk [tilespmem:v41+s28+$0x0], $0xffff;
	v41 =	vand.u32 $0x1FF8, v61;
	v38 =	vor.u32 v11, v37;
	v39 =	vmul.f32 $1.442695020e+00, v63;
	v37 =	vpop (erf)  }
.LBB2_9:
0x18f: {  	p0 =	sne.s32 s4, $0x990;
	v33 =	vld.idx.msk [tilespmem:v33+s28+$0x0], $0xffff;
	v41 =	vor.u32 v13, v41;
	v40 =	vand.u32 $0x1FF8, v40;
	[tilespmem:s1+$0x0] =	vst v37  }
0x190: {  	v37 =	vadd.s32 s4, v0;
	v34 =	vld.idx.msk [tilespmem:v34+s28+$0x0], $0xffff;
	v40 =	vor.u32 v15, v40;
	(erf) = vpow2.f32 v39  }
0x191: {  	v42 =	vadd.s32 s4, v4;
	v43 =	vadd.s32 s4, v6;
	v39 =	vadd.s32 s4, v2;
	v35 =	vld.idx.msk [tilespmem:v35+s28+$0x0], $0xffff  }
0x192: {  	v44 =	vadd.s32 s4, v8;
	v45 =	vadd.s32 s4, v10;
	v46 =	vadd.s32 s4, v12;
	v36 =	vld.idx.msk [tilespmem:v36+s28+$0x0], $0xffff  }
0x193: {  	v47 =	vadd.s32 s4, v14;
	v48 =	vadd.s32 s4, v16;
	v49 =	vadd.s32 s4, v17;
	v38 =	vld.idx.msk [tilespmem:v38+s28+$0x0], $0xffff  }
0x194: {  	v50 =	vadd.s32 s4, v18;
	v51 =	vadd.s32 s4, v19;
	v52 =	vadd.s32 s4, v20;
	v41 =	vld.idx.msk [tilespmem:v41+s28+$0x0], $0xffff  }
0x195: {  	v37 =	vand.u32 $0x1FF8, v37;
	v42 =	vand.u32 $0x1FF8, v42;
	v39 =	vand.u32 $0x1FF8, v39;
	v40 =	vld.idx.msk [tilespmem:v40+s28+$0x0], $0xffff  }
0x196: {  	v43 =	vand.u32 $0x1FF8, v43;
	v44 =	vand.u32 $0x1FF8, v44;
	v45 =	vand.u32 $0x1FF8, v45  }
0x197: {  	v24 =	vadd.f32 v25, v24;
	v46 =	vand.u32 $0x1FF8, v46;
	v37 =	vor.u32 v1, v37  }
0x198: {  	v26 =	vadd.f32 v27, v26;
	v27 =	vadd.f32 v29, v28;
	v25 =	vor.u32 v3, v39  }
0x199: {  	v28 =	vor.u32 v5, v42;
	v29 =	vadd.f32 v31, v30;
	v30 =	vadd.f32 v33, v32;
	v31 =	vpop (erf)  }
0x19a: {  	v32 =	vor.u32 v7, v43;
	v33 =	vadd.f32 v35, v34;
	v31 =	vadd.f32 $1.000000000e+00, v31  }
0x19b: {  	v34 =	vor.u32 v9, v44;
	v35 =	vadd.f32 v38, v36;
	v36 =	vadd.f32 v40, v41  }
0x19c: {  	v27 =	vadd.f32 v29, v27;
	v38 =	vadd.f32 v26, v24;
	(erf) = vrcp.f32 v31  }
0x19d: {  	v29 =	vor.u32 v11, v45;
	v30 =	vadd.f32 v33, v30;
	v31 =	vadd.f32 v36, v35;
	v24 =	vld.idx.msk [tilespmem:v37+s28+$0x0], $0xffff  }
0x19e: {  	v33 =	vand.u32 $0x1FF8, v47;
	v35 =	vor.u32 v13, v46;
	v36 =	vand.u32 $0x1FF8, v48;
	v25 =	vld.idx.msk [tilespmem:v25+s28+$0x0], $0xffff  }
0x19f: {  	v38 =	vadd.f32 v27, v38;
	v37 =	vor.u32 v15, v33;
	v30 =	vadd.f32 v31, v30;
	v26 =	vld.idx.msk [tilespmem:v28+s28+$0x0], $0xffff  }
0x1a0: {  	v39 =	vadd.s32 s4, v21;
	v31 =	vand.u32 $0x1FF8, v49;
	v27 =	vld.idx.msk [tilespmem:v32+s28+$0x0], $0xffff;
	v32 =	vor.u32 v1, v36  }
.Ltmp3:
0x1a1: {  	v33 =	vor.u32 v3, v31;
	v31 =	vand.u32 $0x1FF8, v50;
	v36 =	vadd.f32 v30, v38;
	v28 =	vld.idx.msk [tilespmem:v34+s28+$0x0], $0xffff;
	(pc) =	sbr.rel @p0 .LBB2_9-.Ltmp3, $4  }
0x1a2: {  	v41 =	vadd.s32 s4, v22;
	v34 =	vor.u32 v5, v31;
	v31 =	vand.u32 $0x1FF8, v51;
	v29 =	vld.idx.msk [tilespmem:v29+s28+$0x0], $0xffff  }
0x1a3: {  	v38 =	vand.u32 $0x1FF8, v52;
	v42 =	vsub.f32 $0.0e+00, v36;
	v30 =	vld.idx.msk [tilespmem:v35+s28+$0x0], $0xffff;
	v35 =	vor.u32 v7, v31  }
0x1a4: {  	v43 =	vand.u32 $0x1FF8, v39;
	v40 =	vadd.s32 s4, v23;
	v36 =	vor.u32 v9, v38;
	v31 =	vld.idx.msk [tilespmem:v37+s28+$0x0], $0xffff  }
0x1a5: {  	s1 =	sadd.s32 $0x10, s1;
	s4 =	sadd.s32 $0x110, s4;
	v41 =	vand.u32 $0x1FF8, v41;
	v38 =	vor.u32 v11, v43;
	v39 =	vmul.f32 $1.442695020e+00, v42;
	v32 =	vld.idx.msk [tilespmem:v32+s28+$0x0], $0xffff;
	v37 =	vpop (erf)  }
0x1a6: {  	_ =	sdelay $0x3  }
0x1a7: {  	v33 =	vld.idx.msk [tilespmem:v33+s28+$0x0], $0xffff;
	v41 =	vor.u32 v13, v41;
	v40 =	vand.u32 $0x1FF8, v40  }
0x1a8: {  	v34 =	vld.idx.msk [tilespmem:v34+s28+$0x0], $0xffff;
	v40 =	vor.u32 v15, v40  }
0x1a9: {  	v35 =	vld.idx.msk [tilespmem:v35+s28+$0x0], $0xffff  }
0x1aa: {  	v36 =	vld.idx.msk [tilespmem:v36+s28+$0x0], $0xffff  }
0x1ab: {  	v38 =	vld.idx.msk [tilespmem:v38+s28+$0x0], $0xffff  }
0x1ac: {  	v41 =	vld.idx.msk [tilespmem:v41+s28+$0x0], $0xffff  }
0x1ad: {  	v40 =	vld.idx.msk [tilespmem:v40+s28+$0x0], $0xffff;
	_ =	sdelay $0x1  }
0x1ae: {  	v24 =	vadd.f32 v25, v24;
	v49 =	vadd.f32 v27, v26  }
0x1af: {  	v50 =	vadd.f32 v29, v28;
	v51 =	vadd.f32 v31, v30  }
0x1b0: {  	(erf) = vpow2.f32 v39;
	v52 =	vadd.f32 v33, v32;
	v53 =	vadd.f32 v35, v34  }
0x1b1: {  	v54 =	vadd.f32 v38, v36;
	v55 =	vadd.f32 v40, v41  }
0x1b2: {  	v24 =	vadd.f32 v49, v24;
	v56 =	vadd.f32 v51, v50  }
0x1b3: {  	v57 =	vadd.f32 v53, v52;
	v58 =	vadd.f32 v55, v54;
	_ =	sdelay $0x1  }
0x1b4: {  	v24 =	vadd.f32 v56, v24;
	v59 =	vadd.f32 v58, v57;
	_ =	sdelay $0x1  }
0x1b5: {  	v24 =	vadd.f32 v59, v24;
	_ =	sdelay $0x1  }
0x1b6: {  	v60 =	vpop (erf);
	v24 =	vsub.f32 $0.0e+00, v24  }
0x1b7: {  	v25 =	vadd.f32 $1.000000000e+00, v60  }
0x1b8: {  	v24 =	vmul.f32 $1.442695020e+00, v24  }
0x1b9: {  	(erf) = vrcp.f32 v25  }
0x1ba: {  	(erf) = vpow2.f32 v24;
	_ =	sdelay $0x7  }
0x1bb: {  	v61 =	vpop (erf)  }
0x1bc: {  	v62 =	vpop (erf)  }
0x1bd: {  	v25 =	vadd.f32 $1.000000000e+00, v62;
	_ =	sdelay $0x1  }
0x1be: {  	(erf) = vrcp.f32 v25;
	_ =	sdelay $0x3  }
0x1bf: {  	s31 =	sadd.s32 $0x1, s31  }
0x1c0: {  	p0 =	sne.s32 s31, $0x1E  }
.Ltmp4:
0x1c1: {  	_ = 	snop;
	(pc) =	sbr.rel @p0 .LBB2_2-.Ltmp4, $4  }
0x1c2: {  	_ = 	snop  }
0x1c3: {  	[tilespmem:s1+$0x0] =	vst v37;
	s13 =	sadd.s32 $0x10, s1  }
0x1c4: {  	s1 =	sadd.s32 $0x10, s13;
	[tilespmem:s13+$0x0] =	vst v61;
	v63 =	vpop (erf)  }
0x1c5: {  	s19 =	sadd.s32 $0x140, s19;
	s17 =	sadd.s32 $0x140, s17;
	[tilespmem:s1+$0x0] =	vst v63  }
0x1c6: {  	s1 =	simm.s32 $0xC260  }
0x1c7: {  	[tilespmem:s21], [sflag:$0x3] =	stream.indirect.gather [spmem:s2], $0x40, s1, s14, $0xb8;
	[tilespmem:$0x1BC10] =	vst v63  }
0x1c8: {  	s17 =	simm.s32 $0xE970  }
0x1c9: {  	[tilespmem:s22], [sflag:$0x4] =	stream.indirect.gather [spmem:s2], $0x40, s17, s14, $0xb8;
	[tilespmem:$0x1BC10] =	vst v63  }
0x1ca: {  	s19 =	simm.s32 $0xC2B0  }
0x1cb: {  	[tilespmem:s23], [sflag:$0x3] =	stream.indirect.gather [spmem:s2], $0x40, s19, s14, $0xb8;
	[tilespmem:$0x1BC10] =	vst v63  }
0x1cc: {  	s31 =	simm.s32 $0xE9C0  }
0x1cd: {  	[tilespmem:s24], [sflag:$0x4] =	stream.indirect.gather [spmem:s2], $0x40, s31, s14, $0xb8;
	[tilespmem:$0x1BC10] =	vst v63  }
0x1ce: {  	_ =	swait.ge [sflag:s25], $0x1400  }
0x1cf: {  	[sflag:s25] =	ssyncset.done $0x0  }
0x1d0: {  	[sflag:s25] =	ssyncadd.s32 $0xFFFFEC00  }
0x1d1: {  	_ =	swait.ge [sflag:s26], $0x1400  }
0x1d2: {  	[sflag:s26] =	ssyncset.done $0x0  }
0x1d3: {  	[sflag:s26] =	ssyncadd.s32 $0xFFFFEC00  }
0x1d4: {  	_ =	swait.ge [sflag:s25], $0x1400  }
0x1d5: {  	[sflag:s25] =	ssyncset.done $0x0  }
0x1d6: {  	[sflag:s25] =	ssyncadd.s32 $0xFFFFEC00  }
0x1d7: {  	_ =	swait.ge [sflag:s26], $0x1400  }
0x1d8: {  	[sflag:s26] =	ssyncset.done $0x0  }
0x1d9: {  	s4 =	simm.s32 $0xEAE0;
	[sflag:s26] =	ssyncadd.s32 $0xFFFFEC00  }
0x1da: {  	s17 =	simm.s32 $0x112E0;
	v25 =	vld [tilespmem:s4+$0x40]  }
0x1db: {  	v26 =	vld [tilespmem:s17+$0x40]  }
0x1dc: {  	v27 =	vld [tilespmem:s4+$0x50]  }
0x1dd: {  	v28 =	vld [tilespmem:s17+$0x50]  }
0x1de: {  	v29 =	vld [tilespmem:s4+$0x60]  }
0x1df: {  	v30 =	vld [tilespmem:s17+$0x60]  }
0x1e0: {  	v31 =	vld [tilespmem:s4+$0x70]  }
0x1e1: {  	v32 =	vld [tilespmem:s17+$0x70]  }
0x1e2: {  	v33 =	vld [tilespmem:s4+$0xFFFFFF90]  }
0x1e3: {  	v34 =	vld [tilespmem:s17+$0xFFFFFF90]  }
0x1e4: {  	v35 =	vld [tilespmem:s4+$0xFFFFFFA0]  }
0x1e5: {  	v48 =	vld [tilespmem:s17+$0xFFFFFFB0]  }
0x1e6: {  	v38 =	vld [tilespmem:s4+$0xFFFFFFC0]  }
0x1e7: {  	v49 =	vld [tilespmem:s4+$0xFFFFFFD0];
	v25 =	vmul.bf16 v26, v25;
	v27 =	vmul.bf16 v28, v27  }
0x1e8: {  	v26 =	vld [tilespmem:s17+$0xFFFFFFA0];
	v28 =	vmul.bf16 v30, v29;
	v31 =	vmul.bf16 v32, v31  }
0x1e9: {  	v29 =	vld [tilespmem:s4+$0xFFFFFFB0];
	v33 =	vmul.bf16 v34, v33;
	v30 =	vshll.u32 v25, $0x10;
	v25 =	vand.u32 $0xFFFF0000, v25  }
0x1ea: {  	v50 =	vld [tilespmem:s17+$0xFFFFFFD0];
	v36 =	vshll.u32 v27, $0x10;
	v37 =	vshll.u32 v28, $0x10;
	v28 =	vand.u32 $0xFFFF0000, v28  }
0x1eb: {  	v39 =	vshll.u32 v31, $0x10;
	v31 =	vand.u32 $0xFFFF0000, v31;
	v25 =	vadd.f32 v25, v30;
	v30 =	vld [tilespmem:s17+$0xFFFFFFC0]  }
0x1ec: {  	v52 =	vld [tilespmem:s4+$0xFFFFFFE0];
	v27 =	vand.u32 $0xFFFF0000, v27;
	v28 =	vadd.f32 v28, v37;
	v31 =	vadd.f32 v31, v39  }
0x1ed: {  	v54 =	vld [tilespmem:s4+$0xFFFFFFF0];
	v27 =	vadd.f32 v27, v36;
	v26 =	vmul.bf16 v26, v35  }
0x1ee: {  	v51 =	vshll.u32 v33, $0x10;
	v28 =	vadd.f32 v31, v28;
	v29 =	vmul.bf16 v48, v29;
	v31 =	vld [tilespmem:s17+$0xFFFFFFE0]  }
0x1ef: {  	v56 =	vld [tilespmem:s17+$0xFFFFFFF0];
	v27 =	vadd.f32 v27, v25;
	v53 =	vshll.u32 v26, $0x10;
	v26 =	vand.u32 $0xFFFF0000, v26  }
0x1f0: {  	v57 =	vld [tilespmem:s4+$0x0];
	v55 =	vshll.u32 v29, $0x10;
	v29 =	vand.u32 $0xFFFF0000, v29;
	v30 =	vmul.bf16 v30, v38  }
0x1f1: {  	v59 =	vld [tilespmem:s17+$0x0];
	v25 =	vand.u32 $0xFFFF0000, v33;
	v26 =	vadd.f32 v26, v53;
	v29 =	vadd.f32 v29, v55  }
0x1f2: {  	v60 =	vld [tilespmem:s4+$0x10];
	v58 =	vadd.f32 v28, v27;
	v28 =	vmul.bf16 v50, v49;
	v27 =	vshll.u32 v30, $0x10  }
0x1f3: {  	v61 =	vld [tilespmem:s17+$0x10];
	v30 =	vand.u32 $0xFFFF0000, v30;
	v26 =	vadd.f32 v29, v26;
	v29 =	vmul.bf16 v31, v52  }
0x1f4: {  	v24 =	vld [tilespmem:s17+$0xFFFFFF80];
	v33 =	vmul.bf16 v56, v54;
	v27 =	vadd.f32 v30, v27;
	v30 =	vshll.u32 v28, $0x10  }
0x1f5: {  	v28 =	vand.u32 $0xFFFF0000, v28;
	v31 =	vshll.u32 v29, $0x10;
	v37 =	vand.u32 $0xFFFF0000, v29;
	v29 =	vld [tilespmem:s4+$0x20]  }
0x1f6: {  	v40 =	vmul.bf16 v59, v57;
	v62 =	vadd.f32 v28, v30;
	v28 =	vadd.f32 v37, v31;
	v31 =	vld [tilespmem:s17+$0x20]  }
0x1f7: {  	v32 =	vld [tilespmem:s17+$0x30];
	v63 =	vshll.u32 v33, $0x10;
	v33 =	vand.u32 $0xFFFF0000, v33  }
0x1f8: {  	s12 =	simm.s32 $0x18A82;
	v36 =	vmul.bf16 v61, v60;
	v35 =	vshll.u32 v40, $0x10;
	v34 =	vadd.f32 v33, v63;
	v30 =	vld [tilespmem:s4+$0x30]  }
0x1f9: {  	s13 =	simm.s32 $0x0;
	s1 =	simm.s32 $0x1BA80;
	v25 =	vadd.f32 v25, v51;
	v33 =	vld [tilespmem:s4+$0xFFFFFF80];
	[tilespmem:s12+$0x11] =	vst v58;
	s4 =	simm.s32 $0xEBE0;
	v37 =	vand.u32 $0xFFFF0000, v40;
	v27 =	vadd.f32 v62, v27  }
.LBB2_12:
0x1fa: {  	v38 =	vld [tilespmem:s4+$0x40];
	v28 =	vadd.f32 v34, v28;
	v34 =	vadd.f32 v37, v35;
	s17 =	sadd.s32 $0x100, s17  }
0x1fb: {  	v35 =	vld [tilespmem:s17+$0x40];
	v37 =	vshll.u32 v36, $0x10;
	v36 =	vand.u32 $0xFFFF0000, v36;
	v29 =	vmul.bf16 v31, v29  }
0x1fc: {  	v31 =	vld [tilespmem:s4+$0x50];
	v27 =	vadd.f32 v28, v27;
	v28 =	vadd.f32 v36, v37  }
0x1fd: {  	v36 =	vld [tilespmem:s17+$0x50];
	v37 =	vshll.u32 v29, $0x10;
	v29 =	vand.u32 $0xFFFF0000, v29;
	v30 =	vmul.bf16 v32, v30  }
0x1fe: {  	v32 =	vld [tilespmem:s4+$0x60];
	v24 =	vmul.bf16 v24, v33;
	[tilespmem:s12+$0xFFFFFFEF] =	vst v27;
	v27 =	vadd.f32 v29, v37;
	v28 =	vadd.f32 v28, v34  }
0x1ff: {  	v29 =	vld [tilespmem:s17+$0x60];
	v33 =	vshll.u32 v30, $0x10;
	v30 =	vand.u32 $0xFFFF0000, v30  }
0x200: {  	v34 =	vld [tilespmem:s4+$0x70];
	v37 =	vshll.u32 v24, $0x10;
	v24 =	vand.u32 $0xFFFF0000, v24;
	v30 =	vadd.f32 v30, v33  }
0x201: {  	v33 =	vld [tilespmem:s17+$0x70];
	v37 =	vadd.f32 v24, v37  }
0x202: {  	s13 =	sadd.s32 $0x4, s13;
	v24 =	vld [tilespmem:s17+$0xFFFFFF80];
	v27 =	vadd.f32 v30, v27  }
0x203: {  	p0 =	slt.u32 s13, $0x9C;
	v30 =	vld [tilespmem:s4+$0xFFFFFF90];
	v25 =	vadd.f32 v25, v37  }
0x204: {  	v35 =	vmul.bf16 v35, v38;
	v37 =	vld [tilespmem:s17+$0xFFFFFF90];
	v27 =	vadd.f32 v27, v28  }
0x205: {  	v31 =	vmul.bf16 v36, v31;
	v28 =	vld [tilespmem:s4+$0xFFFFFFA0];
	v25 =	vadd.f32 v26, v25  }
0x206: {  	v36 =	vshll.u32 v35, $0x10;
	v29 =	vmul.bf16 v29, v32;
	v26 =	vld [tilespmem:s17+$0xFFFFFFA0];
	v32 =	vmul.bf16 v33, v34;
	[tilespmem:s12+$0x0] =	vst v27  }
0x207: {  	v33 =	vand.u32 $0xFFFF0000, v35;
	v34 =	vshll.u32 v31, $0x10;
	v31 =	vand.u32 $0xFFFF0000, v31;
	v27 =	vld [tilespmem:s4+$0xFFFFFFB0];
	[tilespmem:s12+$0xFFFFFFDE] =	vst v25  }
0x208: {  	v35 =	vshll.u32 v29, $0x10;
	v29 =	vand.u32 $0xFFFF0000, v29;
	v25 =	vld [tilespmem:s17+$0xFFFFFFB0];
	v38 =	vshll.u32 v32, $0x10  }
0x209: {  	v33 =	vadd.f32 v33, v36;
	v31 =	vadd.f32 v31, v34;
	v32 =	vand.u32 $0xFFFF0000, v32;
	v39 =	vld [tilespmem:s4+$0xFFFFFFC0]  }
0x20a: {  	v29 =	vadd.f32 v29, v35;
	v30 =	vmul.bf16 v37, v30;
	v32 =	vadd.f32 v32, v38;
	v34 =	vld [tilespmem:s17+$0xFFFFFFC0]  }
0x20b: {  	v26 =	vmul.bf16 v26, v28;
	v28 =	vld [tilespmem:s4+$0xFFFFFFD0]  }
0x20c: {  	v31 =	vadd.f32 v31, v33;
	v35 =	vshll.u32 v30, $0x10;
	v29 =	vadd.f32 v32, v29;
	v36 =	vld [tilespmem:s17+$0xFFFFFFD0]  }
0x20d: {  	v30 =	vand.u32 $0xFFFF0000, v30;
	v32 =	vshll.u32 v26, $0x10;
	v27 =	vmul.bf16 v25, v27;
	v33 =	vld [tilespmem:s4+$0xFFFFFFE0]  }
0x20e: {  	v26 =	vand.u32 $0xFFFF0000, v26;
	v25 =	vadd.f32 v30, v35;
	v29 =	vadd.f32 v29, v31;
	v30 =	vld [tilespmem:s17+$0xFFFFFFE0]  }
0x20f: {  	s12 =	sadd.s32 $0x44, s12;
	v31 =	vshll.u32 v27, $0x10;
	v27 =	vand.u32 $0xFFFF0000, v27;
	v34 =	vmul.bf16 v34, v39;
	v35 =	vld [tilespmem:s4+$0xFFFFFFF0]  }
0x210: {  	s5 =	simm.s32 $0x0;
	v26 =	vadd.f32 v26, v32;
	v27 =	vadd.f32 v27, v31;
	v31 =	vld [tilespmem:s17+$0xFFFFFFF0];
	[tilespmem:s12+$0x11] =	vst v29  }
0x211: {  	v29 =	vshll.u32 v34, $0x10;
	v32 =	vand.u32 $0xFFFF0000, v34;
	v28 =	vmul.bf16 v36, v28;
	v34 =	vld [tilespmem:s4+$0x0]  }
0x212: {  	v26 =	vadd.f32 v27, v26;
	v27 =	vadd.f32 v32, v29;
	v32 =	vld [tilespmem:s17+$0x0]  }
0x213: {  	v29 =	vshll.u32 v28, $0x10;
	v28 =	vand.u32 $0xFFFF0000, v28;
	v30 =	vmul.bf16 v30, v33;
	v36 =	vld [tilespmem:s4+$0x10]  }
0x214: {  	v33 =	vadd.f32 v28, v29;
	v38 =	vld [tilespmem:s17+$0x10]  }
.Ltmp5:
0x215: {  	v28 =	vshll.u32 v30, $0x10;
	v30 =	vand.u32 $0xFFFF0000, v30;
	v35 =	vmul.bf16 v31, v35;
	v29 =	vld [tilespmem:s4+$0x20];
	(pc) =	sbr.rel @p0 .LBB2_12-.Ltmp5, $4  }
0x216: {  	v28 =	vadd.f32 v30, v28;
	v27 =	vadd.f32 v33, v27;
	v31 =	vld [tilespmem:s17+$0x20]  }
0x217: {  	v33 =	vshll.u32 v35, $0x10;
	v35 =	vand.u32 $0xFFFF0000, v35;
	v37 =	vmul.bf16 v32, v34;
	v30 =	vld [tilespmem:s4+$0x30]  }
0x218: {  	v34 =	vadd.f32 v35, v33;
	v32 =	vld [tilespmem:s17+$0x30]  }
0x219: {  	v33 =	vld [tilespmem:s4+$0xFFFFFF80];
	v35 =	vshll.u32 v37, $0x10;
	v37 =	vand.u32 $0xFFFF0000, v37;
	v36 =	vmul.bf16 v38, v36;
	s4 =	sadd.s32 $0x100, s4  }
0x21a: {  	v28 =	vadd.f32 v34, v28;
	v56 =	vadd.s32 s5, v16  }
0x21b: {  	v57 =	vadd.s32 s5, v17;
	v58 =	vadd.s32 s5, v18;
	v59 =	vadd.s32 s5, v19  }
0x21c: {  	v38 =	vshll.u32 v36, $0x10;
	v52 =	vand.u32 $0xFFFF0000, v36;
	v29 =	vmul.bf16 v31, v29  }
0x21d: {  	v31 =	vadd.f32 v37, v35;
	v53 =	vadd.f32 v52, v38;
	v30 =	vmul.bf16 v32, v30  }
0x21e: {  	v54 =	vshll.u32 v29, $0x10;
	v29 =	vand.u32 $0xFFFF0000, v29;
	v24 =	vmul.bf16 v24, v33  }
0x21f: {  	v29 =	vadd.f32 v29, v54;
	v55 =	vshll.u32 v30, $0x10;
	v30 =	vand.u32 $0xFFFF0000, v30  }
0x220: {  	v33 =	vshll.u32 v24, $0x10;
	v24 =	vand.u32 $0xFFFF0000, v24;
	v30 =	vadd.f32 v30, v55  }
0x221: {  	v60 =	vadd.s32 s5, v20;
	v32 =	vand.u32 $0x1FF8, v56;
	v24 =	vadd.f32 v24, v33  }
0x222: {  	v31 =	vadd.f32 v53, v31;
	v32 =	vor.u32 v1, v32;
	v29 =	vadd.f32 v30, v29  }
0x223: {  	v33 =	vand.u32 $0x1FF8, v57;
	v24 =	vadd.f32 v25, v24;
	v25 =	vadd.f32 v28, v27  }
0x224: {  	v34 =	vand.u32 $0x1FF8, v58;
	v33 =	vor.u32 v3, v33;
	v27 =	vadd.f32 v29, v31  }
0x225: {  	v35 =	vand.u32 $0x1FF8, v59;
	v34 =	vor.u32 v5, v34;
	v24 =	vadd.f32 v26, v24;
	[tilespmem:s12+$0xFFFFFFEF] =	vst v25  }
0x226: {  	v62 =	vadd.s32 s5, v22;
	v36 =	vand.u32 $0x1FF8, v60;
	v35 =	vor.u32 v7, v35;
	[tilespmem:s12+$0x0] =	vst v27  }
0x227: {  	v39 =	vadd.s32 s5, v23;
	v36 =	vor.u32 v9, v36;
	v38 =	vand.u32 $0x1FF8, v62;
	[tilespmem:s12+$0xFFFFFFDE] =	vst v24  }
0x228: {  	v39 =	vand.u32 $0x1FF8, v39;
	v38 =	vor.u32 v13, v38;
	v30 =	vadd.s32 s5, v6;
	v32 =	vld.idx.msk [tilespmem:v32+s28+$0x0], $0xffff  }
0x229: {  	v39 =	vor.u32 v15, v39;
	v28 =	vadd.s32 s5, v0;
	v30 =	vand.u32 $0x1FF8, v30;
	v33 =	vld.idx.msk [tilespmem:v33+s28+$0x0], $0xffff  }
0x22a: {  	v28 =	vand.u32 $0x1FF8, v28;
	v29 =	vadd.s32 s5, v4;
	v30 =	vor.u32 v7, v30;
	v34 =	vld.idx.msk [tilespmem:v34+s28+$0x0], $0xffff  }
0x22b: {  	v31 =	vadd.s32 s5, v14;
	v28 =	vor.u32 v1, v28;
	v29 =	vand.u32 $0x1FF8, v29;
	v35 =	vld.idx.msk [tilespmem:v35+s28+$0x0], $0xffff  }
0x22c: {  	v26 =	vadd.s32 s5, v2;
	v31 =	vand.u32 $0x1FF8, v31;
	v29 =	vor.u32 v5, v29;
	v36 =	vld.idx.msk [tilespmem:v36+s28+$0x0], $0xffff  }
0x22d: {  	v25 =	vadd.s32 s5, v8;
	v26 =	vand.u32 $0x1FF8, v26;
	v31 =	vor.u32 v15, v31;
	v38 =	vld.idx.msk [tilespmem:v38+s28+$0x0], $0xffff  }
0x22e: {  	v27 =	vadd.s32 s5, v10;
	v25 =	vand.u32 $0x1FF8, v25;
	v26 =	vor.u32 v3, v26;
	v39 =	vld.idx.msk [tilespmem:v39+s28+$0x0], $0xffff  }
0x22f: {  	v24 =	vadd.s32 s5, v12;
	v27 =	vand.u32 $0x1FF8, v27;
	v25 =	vor.u32 v9, v25;
	v30 =	vld.idx.msk [tilespmem:v30+s28+$0x0], $0xffff  }
0x230: {  	v61 =	vadd.s32 s5, v21;
	v24 =	vand.u32 $0x1FF8, v24;
	v27 =	vor.u32 v11, v27;
	v28 =	vld.idx.msk [tilespmem:v28+s28+$0x0], $0xffff  }
0x231: {  	s4 =	simm.s32 $0x110;
	v37 =	vand.u32 $0x1FF8, v61;
	v24 =	vor.u32 v13, v24;
	v29 =	vld.idx.msk [tilespmem:v29+s28+$0x0], $0xffff  }
0x232: {  	v40 =	vadd.s32 s4, v0;
	v37 =	vor.u32 v11, v37;
	v31 =	vld.idx.msk [tilespmem:v31+s28+$0x0], $0xffff  }
0x233: {  	v41 =	vadd.s32 s4, v2;
	v42 =	vadd.s32 s4, v4;
	v43 =	vadd.s32 s4, v6;
	v26 =	vld.idx.msk [tilespmem:v26+s28+$0x0], $0xffff  }
0x234: {  	v44 =	vadd.s32 s4, v8;
	v45 =	vadd.s32 s4, v10;
	v46 =	vadd.s32 s4, v12;
	v25 =	vld.idx.msk [tilespmem:v25+s28+$0x0], $0xffff  }
0x235: {  	v48 =	vadd.s32 s4, v16;
	v60 =	vadd.s32 s4, v22;
	v52 =	vadd.s32 s4, v20;
	v27 =	vld.idx.msk [tilespmem:v27+s28+$0x0], $0xffff  }
0x236: {  	v40 =	vand.u32 $0x1FF8, v40;
	v41 =	vand.u32 $0x1FF8, v41;
	v42 =	vand.u32 $0x1FF8, v42;
	v24 =	vld.idx.msk [tilespmem:v24+s28+$0x0], $0xffff  }
0x237: {  	v43 =	vand.u32 $0x1FF8, v43;
	v45 =	vand.u32 $0x1FF8, v45;
	v63 =	vor.u32 v5, v42;
	v37 =	vld.idx.msk [tilespmem:v37+s28+$0x0], $0xffff  }
0x238: {  	v43 =	vor.u32 v7, v43;
	v61 =	vand.u32 $0x1FF8, v52;
	v53 =	vand.u32 $0x1FF8, v48  }
0x239: {  	v54 =	vor.u32 v1, v53;
	v42 =	vadd.f32 v39, v38;
	v26 =	vadd.f32 v26, v28  }
0x23a: {  	v39 =	vor.u32 v9, v61;
	v28 =	vadd.f32 v30, v29;
	v30 =	vadd.f32 v33, v32  }
0x23b: {  	v38 =	vand.u32 $0x1FF8, v60;
	v25 =	vadd.f32 v27, v25;
	v24 =	vadd.f32 v31, v24  }
0x23c: {  	v27 =	vor.u32 v3, v41;
	v41 =	vadd.f32 v37, v36;
	v31 =	vadd.f32 v35, v34  }
0x23d: {  	v38 =	vor.u32 v13, v38;
	v26 =	vadd.f32 v28, v26;
	v24 =	vadd.f32 v24, v25  }
0x23e: {  	v40 =	vor.u32 v1, v40;
	v28 =	vadd.f32 v31, v30;
	v30 =	vadd.f32 v42, v41  }
0x23f: {  	v47 =	vadd.s32 s4, v14;
	v29 =	vand.u32 $0x1FF8, v46;
	v46 =	vor.u32 v11, v45;
	v32 =	vld.idx.msk [tilespmem:v54+s28+$0x0], $0xffff  }
0x240: {  	v51 =	vadd.s32 s4, v19;
	v39 =	vld.idx.msk [tilespmem:v39+s28+$0x0], $0xffff;
	v24 =	vadd.f32 v24, v26;
	v26 =	vadd.f32 v30, v28  }
0x241: {  	v49 =	vadd.s32 s4, v17;
	v50 =	vadd.s32 s4, v18;
	v59 =	vand.u32 $0x1FF8, v51;
	v35 =	vld.idx.msk [tilespmem:v43+s28+$0x0], $0xffff  }
0x242: {  	v56 =	vadd.s32 s4, v21;
	v29 =	vor.u32 v13, v29;
	v38 =	vld.idx.msk [tilespmem:v38+s28+$0x0], $0xffff;
	v24 =	vadd.f32 v26, v24  }
0x243: {  	v44 =	vand.u32 $0x1FF8, v44;
	v37 =	vor.u32 v7, v59;
	v36 =	vand.u32 $0x1FF8, v56;
	v31 =	vld.idx.msk [tilespmem:v40+s28+$0x0], $0xffff  }
0x244: {  	v62 =	vadd.s32 s4, v23;
	v36 =	vor.u32 v11, v36;
	v33 =	vld.idx.msk [tilespmem:v46+s28+$0x0], $0xffff;
	v24 =	vsub.f32 $0.0e+00, v24  }
0x245: {  	v47 =	vand.u32 $0x1FF8, v47;
	v25 =	vor.u32 v9, v44;
	v40 =	vand.u32 $0x1FF8, v62;
	v27 =	vld.idx.msk [tilespmem:v27+s28+$0x0], $0xffff  }
0x246: {  	v57 =	vand.u32 $0x1FF8, v50;
	v40 =	vor.u32 v15, v40;
	v28 =	vld.idx.msk [tilespmem:v63+s28+$0x0], $0xffff;
	v24 =	vmul.f32 $1.442695020e+00, v24  }
0x247: {  	s31 =	simm.s32 $0x220;
	v55 =	vand.u32 $0x1FF8, v49;
	v58 =	vor.u32 v5, v57;
	v30 =	vor.u32 v15, v47;
	v29 =	vld.idx.msk [tilespmem:v29+s28+$0x0], $0xffff  }
0x248: {  	v57 =	vadd.s32 s31, v14;
	v60 =	vadd.s32 s31, v18;
	v37 =	vld.idx.msk [tilespmem:v37+s28+$0x0], $0xffff;
	(erf) = vpow2.f32 v24  }
0x249: {  	v61 =	vadd.s32 s31, v19;
	v54 =	vand.u32 $0x1FF8, v57;
	v36 =	vld.idx.msk [tilespmem:v36+s28+$0x0], $0xffff;
	v26 =	vor.u32 v3, v55  }
0x24a: {  	v56 =	vadd.s32 s31, v12;
	v34 =	vadd.s32 s31, v2;
	v43 =	vadd.s32 s31, v6;
	v25 =	vld.idx.msk [tilespmem:v25+s28+$0x0], $0xffff  }
0x24b: {  	v59 =	vadd.s32 s31, v17;
	v34 =	vand.u32 $0x1FF8, v34;
	v43 =	vand.u32 $0x1FF8, v43;
	v40 =	vld.idx.msk [tilespmem:v40+s28+$0x0], $0xffff  }
0x24c: {  	v41 =	vadd.s32 s31, v0;
	v42 =	vadd.s32 s31, v4;
	v44 =	vadd.s32 s31, v8;
	v30 =	vld.idx.msk [tilespmem:v30+s28+$0x0], $0xffff  }
0x24d: {  	v42 =	vand.u32 $0x1FF8, v42;
	v44 =	vand.u32 $0x1FF8, v44;
	v63 =	vadd.s32 s31, v10;
	v24 =	vld.idx.msk [tilespmem:v58+s28+$0x0], $0xffff  }
0x24e: {  	v46 =	vand.u32 $0x1FF8, v56;
	v45 =	vand.u32 $0x1FF8, v63;
	v63 =	vor.u32 v5, v42;
	v26 =	vld.idx.msk [tilespmem:v26+s28+$0x0], $0xffff  }
0x24f: {  	v42 =	vor.u32 v7, v43;
	v27 =	vadd.f32 v27, v31;
	v31 =	vor.u32 v3, v34  }
0x250: {  	v28 =	vadd.f32 v35, v28;
	v58 =	vadd.s32 s31, v16;
	v25 =	vadd.f32 v33, v25  }
0x251: {  	v53 =	vadd.f32 v40, v38;
	v55 =	vand.u32 $0x1FF8, v58;
	v29 =	vadd.f32 v30, v29;
	v30 =	vpop (erf)  }
0x252: {  	v57 =	vor.u32 v1, v55;
	v43 =	vadd.f32 v37, v24;
	v24 =	vadd.f32 $1.000000000e+00, v30  }
0x253: {  	v26 =	vadd.f32 v26, v32;
	v30 =	vor.u32 v9, v44;
	v44 =	vadd.f32 v36, v39  }
0x254: {  	v27 =	vadd.f32 v28, v27;
	v28 =	vadd.f32 v29, v25;
	(erf) = vrcp.f32 v24  }
0x255: {  	v29 =	vor.u32 v11, v45;
	v25 =	vld.idx.msk [tilespmem:v31+s28+$0x0], $0xffff;
	v34 =	vadd.f32 v43, v26;
	v35 =	vadd.f32 v53, v44  }
0x256: {  	v62 =	vadd.s32 s31, v20;
	v31 =	vor.u32 v13, v46;
	v56 =	vadd.f32 v28, v27;
	v27 =	vld.idx.msk [tilespmem:v42+s28+$0x0], $0xffff  }
0x257: {  	v41 =	vand.u32 $0x1FF8, v41;
	v26 =	vld.idx.msk [tilespmem:v63+s28+$0x0], $0xffff;
	v36 =	vor.u32 v15, v54;
	v34 =	vadd.f32 v35, v34  }
0x258: {  	v41 =	vor.u32 v1, v41;
	v58 =	vand.u32 $0x1FF8, v59;
	v59 =	vadd.s32 s31, v21;
	v32 =	vld.idx.msk [tilespmem:v57+s28+$0x0], $0xffff  }
0x259: {  	v33 =	vor.u32 v3, v58;
	v28 =	vld.idx.msk [tilespmem:v30+s28+$0x0], $0xffff;
	v30 =	vand.u32 $0x1FF8, v60;
	v38 =	vadd.f32 v34, v56  }
0x25a: {  	v37 =	vand.u32 $0x1FF8, v59;
	v29 =	vld.idx.msk [tilespmem:v29+s28+$0x0], $0xffff;
	v60 =	vand.u32 $0x1FF8, v61;
	v34 =	vor.u32 v5, v30  }
0x25b: {  	v62 =	vand.u32 $0x1FF8, v62;
	v30 =	vld.idx.msk [tilespmem:v31+s28+$0x0], $0xffff;
	v35 =	vor.u32 v7, v60;
	v63 =	vsub.f32 $0.0e+00, v38  }
0x25c: {  	v40 =	vadd.s32 s31, v23;
	v61 =	vadd.s32 s31, v22;
	v31 =	vld.idx.msk [tilespmem:v36+s28+$0x0], $0xffff;
	v36 =	vor.u32 v9, v62  }
0x25d: {  	s4 =	simm.s32 $0x330;
	v24 =	vld.idx.msk [tilespmem:v41+s28+$0x0], $0xffff;
	v41 =	vand.u32 $0x1FF8, v61;
	v38 =	vor.u32 v11, v37;
	v39 =	vmul.f32 $1.442695020e+00, v63;
	v37 =	vpop (erf)  }
.LBB2_14:
0x25e: {  	p0 =	sne.s32 s4, $0x990;
	v33 =	vld.idx.msk [tilespmem:v33+s28+$0x0], $0xffff;
	v41 =	vor.u32 v13, v41;
	v40 =	vand.u32 $0x1FF8, v40;
	[tilespmem:s1+$0x0] =	vst v37  }
0x25f: {  	v37 =	vadd.s32 s4, v0;
	v34 =	vld.idx.msk [tilespmem:v34+s28+$0x0], $0xffff;
	v40 =	vor.u32 v15, v40;
	(erf) = vpow2.f32 v39  }
0x260: {  	v42 =	vadd.s32 s4, v4;
	v43 =	vadd.s32 s4, v6;
	v39 =	vadd.s32 s4, v2;
	v35 =	vld.idx.msk [tilespmem:v35+s28+$0x0], $0xffff  }
0x261: {  	v44 =	vadd.s32 s4, v8;
	v45 =	vadd.s32 s4, v10;
	v46 =	vadd.s32 s4, v12;
	v36 =	vld.idx.msk [tilespmem:v36+s28+$0x0], $0xffff  }
0x262: {  	v47 =	vadd.s32 s4, v14;
	v48 =	vadd.s32 s4, v16;
	v49 =	vadd.s32 s4, v17;
	v38 =	vld.idx.msk [tilespmem:v38+s28+$0x0], $0xffff  }
0x263: {  	v50 =	vadd.s32 s4, v18;
	v51 =	vadd.s32 s4, v19;
	v52 =	vadd.s32 s4, v20;
	v41 =	vld.idx.msk [tilespmem:v41+s28+$0x0], $0xffff  }
0x264: {  	v37 =	vand.u32 $0x1FF8, v37;
	v42 =	vand.u32 $0x1FF8, v42;
	v39 =	vand.u32 $0x1FF8, v39;
	v40 =	vld.idx.msk [tilespmem:v40+s28+$0x0], $0xffff  }
0x265: {  	v43 =	vand.u32 $0x1FF8, v43;
	v44 =	vand.u32 $0x1FF8, v44;
	v45 =	vand.u32 $0x1FF8, v45  }
0x266: {  	v24 =	vadd.f32 v25, v24;
	v46 =	vand.u32 $0x1FF8, v46;
	v37 =	vor.u32 v1, v37  }
0x267: {  	v26 =	vadd.f32 v27, v26;
	v27 =	vadd.f32 v29, v28;
	v25 =	vor.u32 v3, v39  }
0x268: {  	v28 =	vor.u32 v5, v42;
	v29 =	vadd.f32 v31, v30;
	v30 =	vadd.f32 v33, v32;
	v31 =	vpop (erf)  }
0x269: {  	v32 =	vor.u32 v7, v43;
	v33 =	vadd.f32 v35, v34;
	v31 =	vadd.f32 $1.000000000e+00, v31  }
0x26a: {  	v34 =	vor.u32 v9, v44;
	v35 =	vadd.f32 v38, v36;
	v36 =	vadd.f32 v40, v41  }
0x26b: {  	v27 =	vadd.f32 v29, v27;
	v38 =	vadd.f32 v26, v24;
	(erf) = vrcp.f32 v31  }
0x26c: {  	v29 =	vor.u32 v11, v45;
	v30 =	vadd.f32 v33, v30;
	v31 =	vadd.f32 v36, v35;
	v24 =	vld.idx.msk [tilespmem:v37+s28+$0x0], $0xffff  }
0x26d: {  	v33 =	vand.u32 $0x1FF8, v47;
	v35 =	vor.u32 v13, v46;
	v36 =	vand.u32 $0x1FF8, v48;
	v25 =	vld.idx.msk [tilespmem:v25+s28+$0x0], $0xffff  }
0x26e: {  	v38 =	vadd.f32 v27, v38;
	v37 =	vor.u32 v15, v33;
	v30 =	vadd.f32 v31, v30;
	v26 =	vld.idx.msk [tilespmem:v28+s28+$0x0], $0xffff  }
0x26f: {  	v39 =	vadd.s32 s4, v21;
	v31 =	vand.u32 $0x1FF8, v49;
	v27 =	vld.idx.msk [tilespmem:v32+s28+$0x0], $0xffff;
	v32 =	vor.u32 v1, v36  }
.Ltmp6:
0x270: {  	v33 =	vor.u32 v3, v31;
	v31 =	vand.u32 $0x1FF8, v50;
	v36 =	vadd.f32 v30, v38;
	v28 =	vld.idx.msk [tilespmem:v34+s28+$0x0], $0xffff;
	(pc) =	sbr.rel @p0 .LBB2_14-.Ltmp6, $4  }
0x271: {  	v41 =	vadd.s32 s4, v22;
	v34 =	vor.u32 v5, v31;
	v31 =	vand.u32 $0x1FF8, v51;
	v29 =	vld.idx.msk [tilespmem:v29+s28+$0x0], $0xffff  }
0x272: {  	v38 =	vand.u32 $0x1FF8, v52;
	v42 =	vsub.f32 $0.0e+00, v36;
	v30 =	vld.idx.msk [tilespmem:v35+s28+$0x0], $0xffff;
	v35 =	vor.u32 v7, v31  }
0x273: {  	v43 =	vand.u32 $0x1FF8, v39;
	v40 =	vadd.s32 s4, v23;
	v36 =	vor.u32 v9, v38;
	v31 =	vld.idx.msk [tilespmem:v37+s28+$0x0], $0xffff  }
0x274: {  	s1 =	sadd.s32 $0x10, s1;
	s4 =	sadd.s32 $0x110, s4;
	v41 =	vand.u32 $0x1FF8, v41;
	v38 =	vor.u32 v11, v43;
	v39 =	vmul.f32 $1.442695020e+00, v42;
	v32 =	vld.idx.msk [tilespmem:v32+s28+$0x0], $0xffff;
	v37 =	vpop (erf)  }
0x275: {  	_ =	sdelay $0x3  }
0x276: {  	v33 =	vld.idx.msk [tilespmem:v33+s28+$0x0], $0xffff;
	v41 =	vor.u32 v13, v41;
	v40 =	vand.u32 $0x1FF8, v40  }
0x277: {  	v34 =	vld.idx.msk [tilespmem:v34+s28+$0x0], $0xffff;
	v40 =	vor.u32 v15, v40  }
0x278: {  	v35 =	vld.idx.msk [tilespmem:v35+s28+$0x0], $0xffff  }
0x279: {  	v36 =	vld.idx.msk [tilespmem:v36+s28+$0x0], $0xffff  }
0x27a: {  	v38 =	vld.idx.msk [tilespmem:v38+s28+$0x0], $0xffff  }
0x27b: {  	v41 =	vld.idx.msk [tilespmem:v41+s28+$0x0], $0xffff  }
0x27c: {  	v40 =	vld.idx.msk [tilespmem:v40+s28+$0x0], $0xffff;
	_ =	sdelay $0x1  }
0x27d: {  	v24 =	vadd.f32 v25, v24;
	v25 =	vadd.f32 v27, v26  }
0x27e: {  	v26 =	vadd.f32 v29, v28;
	v27 =	vadd.f32 v31, v30  }
0x27f: {  	(erf) = vpow2.f32 v39;
	v28 =	vadd.f32 v33, v32;
	v29 =	vadd.f32 v35, v34  }
0x280: {  	v30 =	vadd.f32 v38, v36;
	v31 =	vadd.f32 v40, v41  }
0x281: {  	v24 =	vadd.f32 v25, v24;
	v25 =	vadd.f32 v27, v26  }
0x282: {  	v26 =	vadd.f32 v29, v28;
	v27 =	vadd.f32 v31, v30;
	_ =	sdelay $0x1  }
0x283: {  	v24 =	vadd.f32 v25, v24;
	v25 =	vadd.f32 v27, v26;
	_ =	sdelay $0x1  }
0x284: {  	v24 =	vadd.f32 v25, v24;
	_ =	sdelay $0x1  }
0x285: {  	v25 =	vpop (erf);
	v24 =	vsub.f32 $0.0e+00, v24  }
0x286: {  	v25 =	vadd.f32 $1.000000000e+00, v25  }
0x287: {  	v24 =	vmul.f32 $1.442695020e+00, v24  }
0x288: {  	(erf) = vrcp.f32 v25  }
0x289: {  	(erf) = vpow2.f32 v24;
	_ =	sdelay $0x7  }
0x28a: {  	v24 =	vpop (erf)  }
0x28b: {  	v25 =	vpop (erf)  }
0x28c: {  	v25 =	vadd.f32 $1.000000000e+00, v25;
	_ =	sdelay $0x1  }
0x28d: {  	(erf) = vrcp.f32 v25;
	_ =	sdelay $0x7  }
0x28e: {  	[tilespmem:s1+$0x0] =	vst v37;
	s17 =	sadd.s32 $0x10, s1  }
0x28f: {  	s1 =	sadd.s32 $0x10, s17;
	[tilespmem:s17+$0x0] =	vst v24;
	v24 =	vpop (erf)  }
0x290: {  	s19 =	simm.s32 $0xC300;
	[tilespmem:s1+$0x0] =	vst v24  }
0x291: {  	[tilespmem:s15], [sflag:$0x1] =	stream.indirect.gather [spmem:s2], $0x40, s19, s14, $0xb8;
	[tilespmem:$0x1BC10] =	vst v63  }
0x292: {  	s31 =	simm.s32 $0xEA10  }
0x293: {  	[tilespmem:s16], [sflag:$0x2] =	stream.indirect.gather [spmem:s2], $0x40, s31, s14, $0xb8;
	[tilespmem:$0x1BC10] =	vst v63  }
0x294: {  	_ =	swait.ge [sflag:s29], $0x1400  }
0x295: {  	[sflag:s29] =	ssyncset.done $0x0  }
0x296: {  	[sflag:s29] =	ssyncadd.s32 $0xFFFFEC00  }
0x297: {  	_ =	swait.ge [sflag:s30], $0x1400  }
0x298: {  	[sflag:s30] =	ssyncset.done $0x0  }
0x299: {  	[sflag:s30] =	ssyncadd.s32 $0xFFFFEC00  }
0x29a: {  	_ =	swait.ge [sflag:s29], $0x1400  }
0x29b: {  	[sflag:s29] =	ssyncset.done $0x0  }
0x29c: {  	[sflag:s29] =	ssyncadd.s32 $0xFFFFEC00  }
0x29d: {  	_ =	swait.ge [sflag:s30], $0x1400  }
0x29e: {  	[sflag:s30] =	ssyncset.done $0x0  }
0x29f: {  	s4 =	simm.s32 $0x13AE0;
	[sflag:s30] =	ssyncadd.s32 $0xFFFFEC00  }
0x2a0: {  	s17 =	simm.s32 $0x162E0;
	v25 =	vld [tilespmem:s4+$0x40]  }
0x2a1: {  	v26 =	vld [tilespmem:s17+$0x40]  }
0x2a2: {  	v27 =	vld [tilespmem:s4+$0x50]  }
0x2a3: {  	v28 =	vld [tilespmem:s17+$0x50]  }
0x2a4: {  	v29 =	vld [tilespmem:s4+$0x60]  }
0x2a5: {  	v30 =	vld [tilespmem:s17+$0x60]  }
0x2a6: {  	v31 =	vld [tilespmem:s4+$0x70]  }
0x2a7: {  	v57 =	vld [tilespmem:s17+$0x70]  }
0x2a8: {  	v58 =	vld [tilespmem:s4+$0xFFFFFF90]  }
0x2a9: {  	v44 =	vld [tilespmem:s4+$0xFFFFFFC0]  }
0x2aa: {  	v46 =	vld [tilespmem:s17+$0xFFFFFFC0]  }
0x2ab: {  	v59 =	vld [tilespmem:s17+$0xFFFFFF90]  }
0x2ac: {  	v60 =	vld [tilespmem:s4+$0xFFFFFFA0]  }
0x2ad: {  	v61 =	vld [tilespmem:s17+$0xFFFFFFB0];
	v25 =	vmul.bf16 v26, v25  }
0x2ae: {  	v51 =	vld [tilespmem:s4+$0xFFFFFFF0];
	v27 =	vmul.bf16 v28, v27;
	v28 =	vmul.bf16 v30, v29  }
0x2af: {  	v26 =	vld [tilespmem:s17+$0xFFFFFFA0];
	v31 =	vmul.bf16 v57, v31;
	v53 =	vmul.bf16 v46, v44  }
0x2b0: {  	v29 =	vld [tilespmem:s4+$0xFFFFFFB0];
	v30 =	vshll.u32 v25, $0x10;
	v25 =	vand.u32 $0xFFFF0000, v25;
	v62 =	vshll.u32 v27, $0x10  }
0x2b1: {  	v54 =	vld [tilespmem:s17+$0xFFFFFFF0];
	v27 =	vand.u32 $0xFFFF0000, v27;
	v63 =	vshll.u32 v28, $0x10;
	v28 =	vand.u32 $0xFFFF0000, v28  }
0x2b2: {  	v47 =	vld [tilespmem:s4+$0xFFFFFFD0];
	v45 =	vshll.u32 v31, $0x10;
	v25 =	vadd.f32 v25, v30;
	v30 =	vmul.bf16 v59, v58  }
0x2b3: {  	v48 =	vld [tilespmem:s17+$0xFFFFFFD0];
	v31 =	vand.u32 $0xFFFF0000, v31;
	v27 =	vadd.f32 v27, v62;
	v28 =	vadd.f32 v28, v63  }
0x2b4: {  	v50 =	vld [tilespmem:s4+$0xFFFFFFE0];
	v31 =	vadd.f32 v31, v45;
	v26 =	vmul.bf16 v26, v60;
	v49 =	vshll.u32 v30, $0x10  }
0x2b5: {  	v27 =	vadd.f32 v27, v25;
	v25 =	vand.u32 $0xFFFF0000, v30;
	v29 =	vmul.bf16 v61, v29;
	v30 =	vld [tilespmem:s17+$0xFFFFFFE0]  }
0x2b6: {  	v32 =	vmul.bf16 v54, v51;
	v28 =	vadd.f32 v31, v28;
	v31 =	vshll.u32 v26, $0x10  }
0x2b7: {  	v55 =	vld [tilespmem:s4+$0x0];
	v26 =	vand.u32 $0xFFFF0000, v26;
	v52 =	vshll.u32 v29, $0x10;
	v29 =	vand.u32 $0xFFFF0000, v29  }
0x2b8: {  	v57 =	vld [tilespmem:s17+$0x0];
	v62 =	vshll.u32 v32, $0x10;
	v26 =	vadd.f32 v26, v31;
	v29 =	vadd.f32 v29, v52  }
0x2b9: {  	v24 =	vld [tilespmem:s17+$0xFFFFFF80];
	v56 =	vadd.f32 v28, v27;
	v27 =	vshll.u32 v53, $0x10;
	v28 =	vmul.bf16 v48, v47  }
0x2ba: {  	v58 =	vld [tilespmem:s4+$0x10];
	v31 =	vand.u32 $0xFFFF0000, v53;
	v26 =	vadd.f32 v29, v26;
	v29 =	vmul.bf16 v30, v50  }
0x2bb: {  	v59 =	vld [tilespmem:s17+$0x10];
	v32 =	vand.u32 $0xFFFF0000, v32;
	v27 =	vadd.f32 v31, v27;
	v30 =	vshll.u32 v28, $0x10  }
0x2bc: {  	v28 =	vand.u32 $0xFFFF0000, v28;
	v31 =	vshll.u32 v29, $0x10;
	v60 =	vand.u32 $0xFFFF0000, v29;
	v29 =	vld [tilespmem:s4+$0x20]  }
0x2bd: {  	v63 =	vmul.bf16 v57, v55;
	v61 =	vadd.f32 v28, v30;
	v28 =	vadd.f32 v60, v31;
	v31 =	vld [tilespmem:s17+$0x20]  }
0x2be: {  	v34 =	vadd.f32 v32, v62;
	v32 =	vld [tilespmem:s17+$0x30]  }
0x2bf: {  	s12 =	simm.s32 $0x18A82;
	v25 =	vadd.f32 v25, v49;
	v35 =	vshll.u32 v63, $0x10;
	v30 =	vld [tilespmem:s4+$0x30]  }
0x2c0: {  	s13 =	simm.s32 $0x0;
	s1 =	simm.s32 $0x1BB20;
	v33 =	vld [tilespmem:s4+$0xFFFFFF80];
	v37 =	vand.u32 $0xFFFF0000, v63;
	v36 =	vmul.bf16 v59, v58;
	[tilespmem:s12+$0x11] =	vst v56;
	s4 =	simm.s32 $0x13BE0;
	v27 =	vadd.f32 v61, v27  }
.LBB2_16:
0x2c1: {  	v38 =	vld [tilespmem:s4+$0x40];
	v28 =	vadd.f32 v34, v28;
	v34 =	vadd.f32 v37, v35;
	s17 =	sadd.s32 $0x100, s17  }
0x2c2: {  	v35 =	vld [tilespmem:s17+$0x40];
	v37 =	vshll.u32 v36, $0x10;
	v36 =	vand.u32 $0xFFFF0000, v36;
	v29 =	vmul.bf16 v31, v29  }
0x2c3: {  	v31 =	vld [tilespmem:s4+$0x50];
	v27 =	vadd.f32 v28, v27;
	v28 =	vadd.f32 v36, v37  }
0x2c4: {  	v36 =	vld [tilespmem:s17+$0x50];
	v37 =	vshll.u32 v29, $0x10;
	v29 =	vand.u32 $0xFFFF0000, v29;
	v30 =	vmul.bf16 v32, v30  }
0x2c5: {  	v32 =	vld [tilespmem:s4+$0x60];
	v24 =	vmul.bf16 v24, v33;
	[tilespmem:s12+$0xFFFFFFEF] =	vst v27;
	v27 =	vadd.f32 v29, v37;
	v28 =	vadd.f32 v28, v34  }
0x2c6: {  	v29 =	vld [tilespmem:s17+$0x60];
	v33 =	vshll.u32 v30, $0x10;
	v30 =	vand.u32 $0xFFFF0000, v30  }
0x2c7: {  	v34 =	vld [tilespmem:s4+$0x70];
	v37 =	vshll.u32 v24, $0x10;
	v24 =	vand.u32 $0xFFFF0000, v24;
	v30 =	vadd.f32 v30, v33  }
0x2c8: {  	v33 =	vld [tilespmem:s17+$0x70];
	v37 =	vadd.f32 v24, v37  }
0x2c9: {  	s13 =	sadd.s32 $0x4, s13;
	v24 =	vld [tilespmem:s17+$0xFFFFFF80];
	v27 =	vadd.f32 v30, v27  }
0x2ca: {  	p0 =	slt.u32 s13, $0x9C;
	v30 =	vld [tilespmem:s4+$0xFFFFFF90];
	v25 =	vadd.f32 v25, v37  }
0x2cb: {  	v35 =	vmul.bf16 v35, v38;
	v37 =	vld [tilespmem:s17+$0xFFFFFF90];
	v27 =	vadd.f32 v27, v28  }
0x2cc: {  	v31 =	vmul.bf16 v36, v31;
	v28 =	vld [tilespmem:s4+$0xFFFFFFA0];
	v25 =	vadd.f32 v26, v25  }
0x2cd: {  	v36 =	vshll.u32 v35, $0x10;
	v29 =	vmul.bf16 v29, v32;
	v26 =	vld [tilespmem:s17+$0xFFFFFFA0];
	v32 =	vmul.bf16 v33, v34;
	[tilespmem:s12+$0x0] =	vst v27  }
0x2ce: {  	v33 =	vand.u32 $0xFFFF0000, v35;
	v34 =	vshll.u32 v31, $0x10;
	v31 =	vand.u32 $0xFFFF0000, v31;
	v27 =	vld [tilespmem:s4+$0xFFFFFFB0];
	[tilespmem:s12+$0xFFFFFFDE] =	vst v25  }
0x2cf: {  	v35 =	vshll.u32 v29, $0x10;
	v29 =	vand.u32 $0xFFFF0000, v29;
	v25 =	vld [tilespmem:s17+$0xFFFFFFB0];
	v38 =	vshll.u32 v32, $0x10  }
0x2d0: {  	v33 =	vadd.f32 v33, v36;
	v31 =	vadd.f32 v31, v34;
	v32 =	vand.u32 $0xFFFF0000, v32;
	v39 =	vld [tilespmem:s4+$0xFFFFFFC0]  }
0x2d1: {  	v29 =	vadd.f32 v29, v35;
	v30 =	vmul.bf16 v37, v30;
	v32 =	vadd.f32 v32, v38;
	v34 =	vld [tilespmem:s17+$0xFFFFFFC0]  }
0x2d2: {  	v26 =	vmul.bf16 v26, v28;
	v28 =	vld [tilespmem:s4+$0xFFFFFFD0]  }
0x2d3: {  	v31 =	vadd.f32 v31, v33;
	v35 =	vshll.u32 v30, $0x10;
	v29 =	vadd.f32 v32, v29;
	v36 =	vld [tilespmem:s17+$0xFFFFFFD0]  }
0x2d4: {  	v30 =	vand.u32 $0xFFFF0000, v30;
	v32 =	vshll.u32 v26, $0x10;
	v27 =	vmul.bf16 v25, v27;
	v33 =	vld [tilespmem:s4+$0xFFFFFFE0]  }
0x2d5: {  	v26 =	vand.u32 $0xFFFF0000, v26;
	v25 =	vadd.f32 v30, v35;
	v29 =	vadd.f32 v29, v31;
	v30 =	vld [tilespmem:s17+$0xFFFFFFE0]  }
0x2d6: {  	s12 =	sadd.s32 $0x44, s12;
	v31 =	vshll.u32 v27, $0x10;
	v27 =	vand.u32 $0xFFFF0000, v27;
	v34 =	vmul.bf16 v34, v39;
	v35 =	vld [tilespmem:s4+$0xFFFFFFF0]  }
0x2d7: {  	s5 =	simm.s32 $0x0;
	v26 =	vadd.f32 v26, v32;
	v27 =	vadd.f32 v27, v31;
	v31 =	vld [tilespmem:s17+$0xFFFFFFF0];
	[tilespmem:s12+$0x11] =	vst v29  }
0x2d8: {  	v29 =	vshll.u32 v34, $0x10;
	v32 =	vand.u32 $0xFFFF0000, v34;
	v28 =	vmul.bf16 v36, v28;
	v34 =	vld [tilespmem:s4+$0x0]  }
0x2d9: {  	v26 =	vadd.f32 v27, v26;
	v27 =	vadd.f32 v32, v29;
	v32 =	vld [tilespmem:s17+$0x0]  }
0x2da: {  	v29 =	vshll.u32 v28, $0x10;
	v28 =	vand.u32 $0xFFFF0000, v28;
	v30 =	vmul.bf16 v30, v33;
	v36 =	vld [tilespmem:s4+$0x10]  }
0x2db: {  	v33 =	vadd.f32 v28, v29;
	v38 =	vld [tilespmem:s17+$0x10]  }
.Ltmp7:
0x2dc: {  	v28 =	vshll.u32 v30, $0x10;
	v30 =	vand.u32 $0xFFFF0000, v30;
	v35 =	vmul.bf16 v31, v35;
	v29 =	vld [tilespmem:s4+$0x20];
	(pc) =	sbr.rel @p0 .LBB2_16-.Ltmp7, $4  }
0x2dd: {  	v28 =	vadd.f32 v30, v28;
	v27 =	vadd.f32 v33, v27;
	v31 =	vld [tilespmem:s17+$0x20]  }
0x2de: {  	v33 =	vshll.u32 v35, $0x10;
	v35 =	vand.u32 $0xFFFF0000, v35;
	v37 =	vmul.bf16 v32, v34;
	v30 =	vld [tilespmem:s4+$0x30]  }
0x2df: {  	v34 =	vadd.f32 v35, v33;
	v32 =	vld [tilespmem:s17+$0x30]  }
0x2e0: {  	v33 =	vld [tilespmem:s4+$0xFFFFFF80];
	v35 =	vshll.u32 v37, $0x10;
	v37 =	vand.u32 $0xFFFF0000, v37;
	v36 =	vmul.bf16 v38, v36;
	s4 =	sadd.s32 $0x100, s4  }
0x2e1: {  	v28 =	vadd.f32 v34, v28;
	v56 =	vadd.s32 s5, v16  }
0x2e2: {  	v57 =	vadd.s32 s5, v17;
	v58 =	vadd.s32 s5, v18;
	v59 =	vadd.s32 s5, v19  }
0x2e3: {  	v38 =	vshll.u32 v36, $0x10;
	v52 =	vand.u32 $0xFFFF0000, v36;
	v29 =	vmul.bf16 v31, v29  }
0x2e4: {  	v31 =	vadd.f32 v37, v35;
	v53 =	vadd.f32 v52, v38;
	v30 =	vmul.bf16 v32, v30  }
0x2e5: {  	v54 =	vshll.u32 v29, $0x10;
	v29 =	vand.u32 $0xFFFF0000, v29;
	v24 =	vmul.bf16 v24, v33  }
0x2e6: {  	v29 =	vadd.f32 v29, v54;
	v55 =	vshll.u32 v30, $0x10;
	v30 =	vand.u32 $0xFFFF0000, v30  }
0x2e7: {  	v33 =	vshll.u32 v24, $0x10;
	v24 =	vand.u32 $0xFFFF0000, v24;
	v30 =	vadd.f32 v30, v55  }
0x2e8: {  	v60 =	vadd.s32 s5, v20;
	v32 =	vand.u32 $0x1FF8, v56;
	v24 =	vadd.f32 v24, v33  }
0x2e9: {  	v31 =	vadd.f32 v53, v31;
	v32 =	vor.u32 v1, v32;
	v29 =	vadd.f32 v30, v29  }
0x2ea: {  	v33 =	vand.u32 $0x1FF8, v57;
	v24 =	vadd.f32 v25, v24;
	v25 =	vadd.f32 v28, v27  }
0x2eb: {  	v34 =	vand.u32 $0x1FF8, v58;
	v33 =	vor.u32 v3, v33;
	v27 =	vadd.f32 v29, v31  }
0x2ec: {  	v35 =	vand.u32 $0x1FF8, v59;
	v34 =	vor.u32 v5, v34;
	v24 =	vadd.f32 v26, v24;
	[tilespmem:s12+$0xFFFFFFEF] =	vst v25  }
0x2ed: {  	v62 =	vadd.s32 s5, v22;
	v36 =	vand.u32 $0x1FF8, v60;
	v35 =	vor.u32 v7, v35;
	[tilespmem:s12+$0x0] =	vst v27  }
0x2ee: {  	v39 =	vadd.s32 s5, v23;
	v36 =	vor.u32 v9, v36;
	v38 =	vand.u32 $0x1FF8, v62;
	[tilespmem:s12+$0xFFFFFFDE] =	vst v24  }
0x2ef: {  	v39 =	vand.u32 $0x1FF8, v39;
	v38 =	vor.u32 v13, v38;
	v30 =	vadd.s32 s5, v6;
	v32 =	vld.idx.msk [tilespmem:v32+s28+$0x0], $0xffff  }
0x2f0: {  	v39 =	vor.u32 v15, v39;
	v28 =	vadd.s32 s5, v0;
	v30 =	vand.u32 $0x1FF8, v30;
	v33 =	vld.idx.msk [tilespmem:v33+s28+$0x0], $0xffff  }
0x2f1: {  	v28 =	vand.u32 $0x1FF8, v28;
	v29 =	vadd.s32 s5, v4;
	v30 =	vor.u32 v7, v30;
	v34 =	vld.idx.msk [tilespmem:v34+s28+$0x0], $0xffff  }
0x2f2: {  	v31 =	vadd.s32 s5, v14;
	v28 =	vor.u32 v1, v28;
	v29 =	vand.u32 $0x1FF8, v29;
	v35 =	vld.idx.msk [tilespmem:v35+s28+$0x0], $0xffff  }
0x2f3: {  	v26 =	vadd.s32 s5, v2;
	v31 =	vand.u32 $0x1FF8, v31;
	v29 =	vor.u32 v5, v29;
	v36 =	vld.idx.msk [tilespmem:v36+s28+$0x0], $0xffff  }
0x2f4: {  	v25 =	vadd.s32 s5, v8;
	v26 =	vand.u32 $0x1FF8, v26;
	v31 =	vor.u32 v15, v31;
	v38 =	vld.idx.msk [tilespmem:v38+s28+$0x0], $0xffff  }
0x2f5: {  	v27 =	vadd.s32 s5, v10;
	v25 =	vand.u32 $0x1FF8, v25;
	v26 =	vor.u32 v3, v26;
	v39 =	vld.idx.msk [tilespmem:v39+s28+$0x0], $0xffff  }
0x2f6: {  	v24 =	vadd.s32 s5, v12;
	v27 =	vand.u32 $0x1FF8, v27;
	v25 =	vor.u32 v9, v25;
	v30 =	vld.idx.msk [tilespmem:v30+s28+$0x0], $0xffff  }
0x2f7: {  	v61 =	vadd.s32 s5, v21;
	v24 =	vand.u32 $0x1FF8, v24;
	v27 =	vor.u32 v11, v27;
	v28 =	vld.idx.msk [tilespmem:v28+s28+$0x0], $0xffff  }
0x2f8: {  	s4 =	simm.s32 $0x110;
	v37 =	vand.u32 $0x1FF8, v61;
	v24 =	vor.u32 v13, v24;
	v29 =	vld.idx.msk [tilespmem:v29+s28+$0x0], $0xffff  }
0x2f9: {  	v40 =	vadd.s32 s4, v0;
	v37 =	vor.u32 v11, v37;
	v31 =	vld.idx.msk [tilespmem:v31+s28+$0x0], $0xffff  }
0x2fa: {  	v41 =	vadd.s32 s4, v2;
	v42 =	vadd.s32 s4, v4;
	v43 =	vadd.s32 s4, v6;
	v26 =	vld.idx.msk [tilespmem:v26+s28+$0x0], $0xffff  }
0x2fb: {  	v44 =	vadd.s32 s4, v8;
	v45 =	vadd.s32 s4, v10;
	v46 =	vadd.s32 s4, v12;
	v25 =	vld.idx.msk [tilespmem:v25+s28+$0x0], $0xffff  }
0x2fc: {  	v48 =	vadd.s32 s4, v16;
	v60 =	vadd.s32 s4, v22;
	v52 =	vadd.s32 s4, v20;
	v27 =	vld.idx.msk [tilespmem:v27+s28+$0x0], $0xffff  }
0x2fd: {  	v40 =	vand.u32 $0x1FF8, v40;
	v41 =	vand.u32 $0x1FF8, v41;
	v42 =	vand.u32 $0x1FF8, v42;
	v24 =	vld.idx.msk [tilespmem:v24+s28+$0x0], $0xffff  }
0x2fe: {  	v43 =	vand.u32 $0x1FF8, v43;
	v45 =	vand.u32 $0x1FF8, v45;
	v63 =	vor.u32 v5, v42;
	v37 =	vld.idx.msk [tilespmem:v37+s28+$0x0], $0xffff  }
0x2ff: {  	v43 =	vor.u32 v7, v43;
	v61 =	vand.u32 $0x1FF8, v52;
	v53 =	vand.u32 $0x1FF8, v48  }
0x300: {  	v54 =	vor.u32 v1, v53;
	v42 =	vadd.f32 v39, v38;
	v26 =	vadd.f32 v26, v28  }
0x301: {  	v39 =	vor.u32 v9, v61;
	v28 =	vadd.f32 v30, v29;
	v30 =	vadd.f32 v33, v32  }
0x302: {  	v38 =	vand.u32 $0x1FF8, v60;
	v25 =	vadd.f32 v27, v25;
	v24 =	vadd.f32 v31, v24  }
0x303: {  	v27 =	vor.u32 v3, v41;
	v41 =	vadd.f32 v37, v36;
	v31 =	vadd.f32 v35, v34  }
0x304: {  	v38 =	vor.u32 v13, v38;
	v26 =	vadd.f32 v28, v26;
	v24 =	vadd.f32 v24, v25  }
0x305: {  	v40 =	vor.u32 v1, v40;
	v28 =	vadd.f32 v31, v30;
	v30 =	vadd.f32 v42, v41  }
0x306: {  	v47 =	vadd.s32 s4, v14;
	v29 =	vand.u32 $0x1FF8, v46;
	v46 =	vor.u32 v11, v45;
	v32 =	vld.idx.msk [tilespmem:v54+s28+$0x0], $0xffff  }
0x307: {  	v51 =	vadd.s32 s4, v19;
	v39 =	vld.idx.msk [tilespmem:v39+s28+$0x0], $0xffff;
	v24 =	vadd.f32 v24, v26;
	v26 =	vadd.f32 v30, v28  }
0x308: {  	v49 =	vadd.s32 s4, v17;
	v50 =	vadd.s32 s4, v18;
	v59 =	vand.u32 $0x1FF8, v51;
	v35 =	vld.idx.msk [tilespmem:v43+s28+$0x0], $0xffff  }
0x309: {  	v56 =	vadd.s32 s4, v21;
	v29 =	vor.u32 v13, v29;
	v38 =	vld.idx.msk [tilespmem:v38+s28+$0x0], $0xffff;
	v24 =	vadd.f32 v26, v24  }
0x30a: {  	v44 =	vand.u32 $0x1FF8, v44;
	v37 =	vor.u32 v7, v59;
	v36 =	vand.u32 $0x1FF8, v56;
	v31 =	vld.idx.msk [tilespmem:v40+s28+$0x0], $0xffff  }
0x30b: {  	v62 =	vadd.s32 s4, v23;
	v36 =	vor.u32 v11, v36;
	v33 =	vld.idx.msk [tilespmem:v46+s28+$0x0], $0xffff;
	v24 =	vsub.f32 $0.0e+00, v24  }
0x30c: {  	v47 =	vand.u32 $0x1FF8, v47;
	v25 =	vor.u32 v9, v44;
	v40 =	vand.u32 $0x1FF8, v62;
	v27 =	vld.idx.msk [tilespmem:v27+s28+$0x0], $0xffff  }
0x30d: {  	v57 =	vand.u32 $0x1FF8, v50;
	v40 =	vor.u32 v15, v40;
	v28 =	vld.idx.msk [tilespmem:v63+s28+$0x0], $0xffff;
	v24 =	vmul.f32 $1.442695020e+00, v24  }
0x30e: {  	s31 =	simm.s32 $0x220;
	v55 =	vand.u32 $0x1FF8, v49;
	v58 =	vor.u32 v5, v57;
	v30 =	vor.u32 v15, v47;
	v29 =	vld.idx.msk [tilespmem:v29+s28+$0x0], $0xffff  }
0x30f: {  	v57 =	vadd.s32 s31, v14;
	v60 =	vadd.s32 s31, v18;
	v37 =	vld.idx.msk [tilespmem:v37+s28+$0x0], $0xffff;
	(erf) = vpow2.f32 v24  }
0x310: {  	v61 =	vadd.s32 s31, v19;
	v54 =	vand.u32 $0x1FF8, v57;
	v36 =	vld.idx.msk [tilespmem:v36+s28+$0x0], $0xffff;
	v26 =	vor.u32 v3, v55  }
0x311: {  	v56 =	vadd.s32 s31, v12;
	v34 =	vadd.s32 s31, v2;
	v43 =	vadd.s32 s31, v6;
	v25 =	vld.idx.msk [tilespmem:v25+s28+$0x0], $0xffff  }
0x312: {  	v59 =	vadd.s32 s31, v17;
	v34 =	vand.u32 $0x1FF8, v34;
	v43 =	vand.u32 $0x1FF8, v43;
	v40 =	vld.idx.msk [tilespmem:v40+s28+$0x0], $0xffff  }
0x313: {  	v41 =	vadd.s32 s31, v0;
	v42 =	vadd.s32 s31, v4;
	v44 =	vadd.s32 s31, v8;
	v30 =	vld.idx.msk [tilespmem:v30+s28+$0x0], $0xffff  }
0x314: {  	v42 =	vand.u32 $0x1FF8, v42;
	v44 =	vand.u32 $0x1FF8, v44;
	v63 =	vadd.s32 s31, v10;
	v24 =	vld.idx.msk [tilespmem:v58+s28+$0x0], $0xffff  }
0x315: {  	v46 =	vand.u32 $0x1FF8, v56;
	v45 =	vand.u32 $0x1FF8, v63;
	v63 =	vor.u32 v5, v42;
	v26 =	vld.idx.msk [tilespmem:v26+s28+$0x0], $0xffff  }
0x316: {  	v42 =	vor.u32 v7, v43;
	v27 =	vadd.f32 v27, v31;
	v31 =	vor.u32 v3, v34  }
0x317: {  	v28 =	vadd.f32 v35, v28;
	v58 =	vadd.s32 s31, v16;
	v25 =	vadd.f32 v33, v25  }
0x318: {  	v53 =	vadd.f32 v40, v38;
	v55 =	vand.u32 $0x1FF8, v58;
	v29 =	vadd.f32 v30, v29;
	v30 =	vpop (erf)  }
0x319: {  	v57 =	vor.u32 v1, v55;
	v43 =	vadd.f32 v37, v24;
	v24 =	vadd.f32 $1.000000000e+00, v30  }
0x31a: {  	v26 =	vadd.f32 v26, v32;
	v30 =	vor.u32 v9, v44;
	v44 =	vadd.f32 v36, v39  }
0x31b: {  	v27 =	vadd.f32 v28, v27;
	v28 =	vadd.f32 v29, v25;
	(erf) = vrcp.f32 v24  }
0x31c: {  	v29 =	vor.u32 v11, v45;
	v25 =	vld.idx.msk [tilespmem:v31+s28+$0x0], $0xffff;
	v34 =	vadd.f32 v43, v26;
	v35 =	vadd.f32 v53, v44  }
0x31d: {  	v62 =	vadd.s32 s31, v20;
	v31 =	vor.u32 v13, v46;
	v56 =	vadd.f32 v28, v27;
	v27 =	vld.idx.msk [tilespmem:v42+s28+$0x0], $0xffff  }
0x31e: {  	v41 =	vand.u32 $0x1FF8, v41;
	v26 =	vld.idx.msk [tilespmem:v63+s28+$0x0], $0xffff;
	v36 =	vor.u32 v15, v54;
	v34 =	vadd.f32 v35, v34  }
0x31f: {  	v41 =	vor.u32 v1, v41;
	v58 =	vand.u32 $0x1FF8, v59;
	v59 =	vadd.s32 s31, v21;
	v32 =	vld.idx.msk [tilespmem:v57+s28+$0x0], $0xffff  }
0x320: {  	v33 =	vor.u32 v3, v58;
	v28 =	vld.idx.msk [tilespmem:v30+s28+$0x0], $0xffff;
	v30 =	vand.u32 $0x1FF8, v60;
	v38 =	vadd.f32 v34, v56  }
0x321: {  	v37 =	vand.u32 $0x1FF8, v59;
	v29 =	vld.idx.msk [tilespmem:v29+s28+$0x0], $0xffff;
	v60 =	vand.u32 $0x1FF8, v61;
	v34 =	vor.u32 v5, v30  }
0x322: {  	v62 =	vand.u32 $0x1FF8, v62;
	v30 =	vld.idx.msk [tilespmem:v31+s28+$0x0], $0xffff;
	v35 =	vor.u32 v7, v60;
	v63 =	vsub.f32 $0.0e+00, v38  }
0x323: {  	v40 =	vadd.s32 s31, v23;
	v61 =	vadd.s32 s31, v22;
	v31 =	vld.idx.msk [tilespmem:v36+s28+$0x0], $0xffff;
	v36 =	vor.u32 v9, v62  }
0x324: {  	s4 =	simm.s32 $0x330;
	v24 =	vld.idx.msk [tilespmem:v41+s28+$0x0], $0xffff;
	v41 =	vand.u32 $0x1FF8, v61;
	v38 =	vor.u32 v11, v37;
	v39 =	vmul.f32 $1.442695020e+00, v63;
	v37 =	vpop (erf)  }
.LBB2_18:
0x325: {  	p0 =	sne.s32 s4, $0x990;
	v33 =	vld.idx.msk [tilespmem:v33+s28+$0x0], $0xffff;
	v41 =	vor.u32 v13, v41;
	v40 =	vand.u32 $0x1FF8, v40;
	[tilespmem:s1+$0x0] =	vst v37  }
0x326: {  	v37 =	vadd.s32 s4, v0;
	v34 =	vld.idx.msk [tilespmem:v34+s28+$0x0], $0xffff;
	v40 =	vor.u32 v15, v40;
	(erf) = vpow2.f32 v39  }
0x327: {  	v42 =	vadd.s32 s4, v4;
	v43 =	vadd.s32 s4, v6;
	v39 =	vadd.s32 s4, v2;
	v35 =	vld.idx.msk [tilespmem:v35+s28+$0x0], $0xffff  }
0x328: {  	v44 =	vadd.s32 s4, v8;
	v45 =	vadd.s32 s4, v10;
	v46 =	vadd.s32 s4, v12;
	v36 =	vld.idx.msk [tilespmem:v36+s28+$0x0], $0xffff  }
0x329: {  	v47 =	vadd.s32 s4, v14;
	v48 =	vadd.s32 s4, v16;
	v49 =	vadd.s32 s4, v17;
	v38 =	vld.idx.msk [tilespmem:v38+s28+$0x0], $0xffff  }
0x32a: {  	v50 =	vadd.s32 s4, v18;
	v51 =	vadd.s32 s4, v19;
	v52 =	vadd.s32 s4, v20;
	v41 =	vld.idx.msk [tilespmem:v41+s28+$0x0], $0xffff  }
0x32b: {  	v37 =	vand.u32 $0x1FF8, v37;
	v42 =	vand.u32 $0x1FF8, v42;
	v39 =	vand.u32 $0x1FF8, v39;
	v40 =	vld.idx.msk [tilespmem:v40+s28+$0x0], $0xffff  }
0x32c: {  	v43 =	vand.u32 $0x1FF8, v43;
	v44 =	vand.u32 $0x1FF8, v44;
	v45 =	vand.u32 $0x1FF8, v45  }
0x32d: {  	v24 =	vadd.f32 v25, v24;
	v46 =	vand.u32 $0x1FF8, v46;
	v37 =	vor.u32 v1, v37  }
0x32e: {  	v26 =	vadd.f32 v27, v26;
	v27 =	vadd.f32 v29, v28;
	v25 =	vor.u32 v3, v39  }
0x32f: {  	v28 =	vor.u32 v5, v42;
	v29 =	vadd.f32 v31, v30;
	v30 =	vadd.f32 v33, v32;
	v31 =	vpop (erf)  }
0x330: {  	v32 =	vor.u32 v7, v43;
	v33 =	vadd.f32 v35, v34;
	v31 =	vadd.f32 $1.000000000e+00, v31  }
0x331: {  	v34 =	vor.u32 v9, v44;
	v35 =	vadd.f32 v38, v36;
	v36 =	vadd.f32 v40, v41  }
0x332: {  	v27 =	vadd.f32 v29, v27;
	v38 =	vadd.f32 v26, v24;
	(erf) = vrcp.f32 v31  }
0x333: {  	v29 =	vor.u32 v11, v45;
	v30 =	vadd.f32 v33, v30;
	v31 =	vadd.f32 v36, v35;
	v24 =	vld.idx.msk [tilespmem:v37+s28+$0x0], $0xffff  }
0x334: {  	v33 =	vand.u32 $0x1FF8, v47;
	v35 =	vor.u32 v13, v46;
	v36 =	vand.u32 $0x1FF8, v48;
	v25 =	vld.idx.msk [tilespmem:v25+s28+$0x0], $0xffff  }
0x335: {  	v38 =	vadd.f32 v27, v38;
	v37 =	vor.u32 v15, v33;
	v30 =	vadd.f32 v31, v30;
	v26 =	vld.idx.msk [tilespmem:v28+s28+$0x0], $0xffff  }
0x336: {  	v39 =	vadd.s32 s4, v21;
	v31 =	vand.u32 $0x1FF8, v49;
	v27 =	vld.idx.msk [tilespmem:v32+s28+$0x0], $0xffff;
	v32 =	vor.u32 v1, v36  }
.Ltmp8:
0x337: {  	v33 =	vor.u32 v3, v31;
	v31 =	vand.u32 $0x1FF8, v50;
	v36 =	vadd.f32 v30, v38;
	v28 =	vld.idx.msk [tilespmem:v34+s28+$0x0], $0xffff;
	(pc) =	sbr.rel @p0 .LBB2_18-.Ltmp8, $4  }
0x338: {  	v41 =	vadd.s32 s4, v22;
	v34 =	vor.u32 v5, v31;
	v31 =	vand.u32 $0x1FF8, v51;
	v29 =	vld.idx.msk [tilespmem:v29+s28+$0x0], $0xffff  }
0x339: {  	v38 =	vand.u32 $0x1FF8, v52;
	v42 =	vsub.f32 $0.0e+00, v36;
	v30 =	vld.idx.msk [tilespmem:v35+s28+$0x0], $0xffff;
	v35 =	vor.u32 v7, v31  }
0x33a: {  	v43 =	vand.u32 $0x1FF8, v39;
	v40 =	vadd.s32 s4, v23;
	v36 =	vor.u32 v9, v38;
	v31 =	vld.idx.msk [tilespmem:v37+s28+$0x0], $0xffff  }
0x33b: {  	s1 =	sadd.s32 $0x10, s1;
	s4 =	sadd.s32 $0x110, s4;
	v41 =	vand.u32 $0x1FF8, v41;
	v38 =	vor.u32 v11, v43;
	v39 =	vmul.f32 $1.442695020e+00, v42;
	v32 =	vld.idx.msk [tilespmem:v32+s28+$0x0], $0xffff;
	v37 =	vpop (erf)  }
0x33c: {  	_ =	sdelay $0x3  }
0x33d: {  	v33 =	vld.idx.msk [tilespmem:v33+s28+$0x0], $0xffff;
	v41 =	vor.u32 v13, v41;
	v40 =	vand.u32 $0x1FF8, v40  }
0x33e: {  	v34 =	vld.idx.msk [tilespmem:v34+s28+$0x0], $0xffff;
	v40 =	vor.u32 v15, v40  }
0x33f: {  	v35 =	vld.idx.msk [tilespmem:v35+s28+$0x0], $0xffff  }
0x340: {  	v36 =	vld.idx.msk [tilespmem:v36+s28+$0x0], $0xffff  }
0x341: {  	v38 =	vld.idx.msk [tilespmem:v38+s28+$0x0], $0xffff  }
0x342: {  	v41 =	vld.idx.msk [tilespmem:v41+s28+$0x0], $0xffff  }
0x343: {  	v40 =	vld.idx.msk [tilespmem:v40+s28+$0x0], $0xffff;
	_ =	sdelay $0x1  }
0x344: {  	v24 =	vadd.f32 v25, v24;
	v25 =	vadd.f32 v27, v26  }
0x345: {  	v26 =	vadd.f32 v29, v28;
	v27 =	vadd.f32 v31, v30  }
0x346: {  	(erf) = vpow2.f32 v39;
	v28 =	vadd.f32 v33, v32;
	v29 =	vadd.f32 v35, v34  }
0x347: {  	v30 =	vadd.f32 v38, v36;
	v31 =	vadd.f32 v40, v41  }
0x348: {  	v24 =	vadd.f32 v25, v24;
	v25 =	vadd.f32 v27, v26  }
0x349: {  	v26 =	vadd.f32 v29, v28;
	v27 =	vadd.f32 v31, v30;
	_ =	sdelay $0x1  }
0x34a: {  	v24 =	vadd.f32 v25, v24;
	v25 =	vadd.f32 v27, v26;
	_ =	sdelay $0x1  }
0x34b: {  	v24 =	vadd.f32 v25, v24;
	_ =	sdelay $0x1  }
0x34c: {  	v25 =	vpop (erf);
	v24 =	vsub.f32 $0.0e+00, v24  }
0x34d: {  	v25 =	vadd.f32 $1.000000000e+00, v25  }
0x34e: {  	v24 =	vmul.f32 $1.442695020e+00, v24  }
0x34f: {  	(erf) = vrcp.f32 v25  }
0x350: {  	(erf) = vpow2.f32 v24;
	_ =	sdelay $0x7  }
0x351: {  	v24 =	vpop (erf)  }
0x352: {  	v25 =	vpop (erf)  }
0x353: {  	v25 =	vadd.f32 $1.000000000e+00, v25;
	_ =	sdelay $0x1  }
0x354: {  	(erf) = vrcp.f32 v25;
	_ =	sdelay $0x7  }
0x355: {  	[tilespmem:s1+$0x0] =	vst v37;
	s31 =	sadd.s32 $0x10, s1  }
0x356: {  	s1 =	sadd.s32 $0x10, s31;
	[tilespmem:s31+$0x0] =	vst v24;
	v24 =	vpop (erf)  }
0x357: {  	[tilespmem:s1+$0x0] =	vst v24  }
0x358: {  	_ =	swait.ge [sflag:s25], $0x1400  }
0x359: {  	[sflag:s25] =	ssyncset.done $0x0  }
0x35a: {  	[sflag:s25] =	ssyncadd.s32 $0xFFFFEC00  }
0x35b: {  	_ =	swait.ge [sflag:s26], $0x1400  }
0x35c: {  	[sflag:s26] =	ssyncset.done $0x0  }
0x35d: {  	s4 =	simm.s32 $0xEAE0;
	[sflag:s26] =	ssyncadd.s32 $0xFFFFEC00  }
0x35e: {  	s17 =	simm.s32 $0x112E0;
	v25 =	vld [tilespmem:s4+$0x40]  }
0x35f: {  	v26 =	vld [tilespmem:s17+$0x40]  }
0x360: {  	v27 =	vld [tilespmem:s4+$0x50]  }
0x361: {  	v28 =	vld [tilespmem:s17+$0x50]  }
0x362: {  	v29 =	vld [tilespmem:s4+$0x60]  }
0x363: {  	v30 =	vld [tilespmem:s17+$0x60]  }
0x364: {  	v31 =	vld [tilespmem:s4+$0x70]  }
0x365: {  	v57 =	vld [tilespmem:s17+$0x70]  }
0x366: {  	v58 =	vld [tilespmem:s4+$0xFFFFFF90]  }
0x367: {  	v44 =	vld [tilespmem:s4+$0xFFFFFFC0]  }
0x368: {  	v46 =	vld [tilespmem:s17+$0xFFFFFFC0]  }
0x369: {  	v59 =	vld [tilespmem:s17+$0xFFFFFF90]  }
0x36a: {  	v60 =	vld [tilespmem:s4+$0xFFFFFFA0]  }
0x36b: {  	v61 =	vld [tilespmem:s17+$0xFFFFFFB0];
	v25 =	vmul.bf16 v26, v25  }
0x36c: {  	v51 =	vld [tilespmem:s4+$0xFFFFFFF0];
	v27 =	vmul.bf16 v28, v27;
	v28 =	vmul.bf16 v30, v29  }
0x36d: {  	v26 =	vld [tilespmem:s17+$0xFFFFFFA0];
	v31 =	vmul.bf16 v57, v31;
	v53 =	vmul.bf16 v46, v44  }
0x36e: {  	v29 =	vld [tilespmem:s4+$0xFFFFFFB0];
	v30 =	vshll.u32 v25, $0x10;
	v25 =	vand.u32 $0xFFFF0000, v25;
	v62 =	vshll.u32 v27, $0x10  }
0x36f: {  	v54 =	vld [tilespmem:s17+$0xFFFFFFF0];
	v27 =	vand.u32 $0xFFFF0000, v27;
	v63 =	vshll.u32 v28, $0x10;
	v28 =	vand.u32 $0xFFFF0000, v28  }
0x370: {  	v47 =	vld [tilespmem:s4+$0xFFFFFFD0];
	v45 =	vshll.u32 v31, $0x10;
	v25 =	vadd.f32 v25, v30;
	v30 =	vmul.bf16 v59, v58  }
0x371: {  	v48 =	vld [tilespmem:s17+$0xFFFFFFD0];
	v31 =	vand.u32 $0xFFFF0000, v31;
	v27 =	vadd.f32 v27, v62;
	v28 =	vadd.f32 v28, v63  }
0x372: {  	v50 =	vld [tilespmem:s4+$0xFFFFFFE0];
	v31 =	vadd.f32 v31, v45;
	v26 =	vmul.bf16 v26, v60;
	v49 =	vshll.u32 v30, $0x10  }
0x373: {  	v27 =	vadd.f32 v27, v25;
	v25 =	vand.u32 $0xFFFF0000, v30;
	v29 =	vmul.bf16 v61, v29;
	v30 =	vld [tilespmem:s17+$0xFFFFFFE0]  }
0x374: {  	v32 =	vmul.bf16 v54, v51;
	v28 =	vadd.f32 v31, v28;
	v31 =	vshll.u32 v26, $0x10  }
0x375: {  	v55 =	vld [tilespmem:s4+$0x0];
	v26 =	vand.u32 $0xFFFF0000, v26;
	v52 =	vshll.u32 v29, $0x10;
	v29 =	vand.u32 $0xFFFF0000, v29  }
0x376: {  	v57 =	vld [tilespmem:s17+$0x0];
	v62 =	vshll.u32 v32, $0x10;
	v26 =	vadd.f32 v26, v31;
	v29 =	vadd.f32 v29, v52  }
0x377: {  	v24 =	vld [tilespmem:s17+$0xFFFFFF80];
	v56 =	vadd.f32 v28, v27;
	v27 =	vshll.u32 v53, $0x10;
	v28 =	vmul.bf16 v48, v47  }
0x378: {  	v58 =	vld [tilespmem:s4+$0x10];
	v31 =	vand.u32 $0xFFFF0000, v53;
	v26 =	vadd.f32 v29, v26;
	v29 =	vmul.bf16 v30, v50  }
0x379: {  	v59 =	vld [tilespmem:s17+$0x10];
	v32 =	vand.u32 $0xFFFF0000, v32;
	v27 =	vadd.f32 v31, v27;
	v30 =	vshll.u32 v28, $0x10  }
0x37a: {  	v28 =	vand.u32 $0xFFFF0000, v28;
	v31 =	vshll.u32 v29, $0x10;
	v60 =	vand.u32 $0xFFFF0000, v29;
	v29 =	vld [tilespmem:s4+$0x20]  }
0x37b: {  	v63 =	vmul.bf16 v57, v55;
	v61 =	vadd.f32 v28, v30;
	v28 =	vadd.f32 v60, v31;
	v31 =	vld [tilespmem:s17+$0x20]  }
0x37c: {  	v34 =	vadd.f32 v32, v62;
	v32 =	vld [tilespmem:s17+$0x30]  }
0x37d: {  	s12 =	simm.s32 $0x18A82;
	v25 =	vadd.f32 v25, v49;
	v35 =	vshll.u32 v63, $0x10;
	v30 =	vld [tilespmem:s4+$0x30]  }
0x37e: {  	s13 =	simm.s32 $0x0;
	s1 =	simm.s32 $0x1BBC0;
	v33 =	vld [tilespmem:s4+$0xFFFFFF80];
	v37 =	vand.u32 $0xFFFF0000, v63;
	v36 =	vmul.bf16 v59, v58;
	[tilespmem:s12+$0x11] =	vst v56;
	s4 =	simm.s32 $0xEBE0;
	v27 =	vadd.f32 v61, v27  }
.LBB2_20:
0x37f: {  	v38 =	vld [tilespmem:s4+$0x40];
	v28 =	vadd.f32 v34, v28;
	v34 =	vadd.f32 v37, v35;
	s17 =	sadd.s32 $0x100, s17  }
0x380: {  	v35 =	vld [tilespmem:s17+$0x40];
	v37 =	vshll.u32 v36, $0x10;
	v36 =	vand.u32 $0xFFFF0000, v36;
	v29 =	vmul.bf16 v31, v29  }
0x381: {  	v31 =	vld [tilespmem:s4+$0x50];
	v27 =	vadd.f32 v28, v27;
	v28 =	vadd.f32 v36, v37  }
0x382: {  	v36 =	vld [tilespmem:s17+$0x50];
	v37 =	vshll.u32 v29, $0x10;
	v29 =	vand.u32 $0xFFFF0000, v29;
	v30 =	vmul.bf16 v32, v30  }
0x383: {  	v32 =	vld [tilespmem:s4+$0x60];
	v24 =	vmul.bf16 v24, v33;
	[tilespmem:s12+$0xFFFFFFEF] =	vst v27;
	v27 =	vadd.f32 v29, v37;
	v28 =	vadd.f32 v28, v34  }
0x384: {  	v29 =	vld [tilespmem:s17+$0x60];
	v33 =	vshll.u32 v30, $0x10;
	v30 =	vand.u32 $0xFFFF0000, v30  }
0x385: {  	v34 =	vld [tilespmem:s4+$0x70];
	v37 =	vshll.u32 v24, $0x10;
	v24 =	vand.u32 $0xFFFF0000, v24;
	v30 =	vadd.f32 v30, v33  }
0x386: {  	v33 =	vld [tilespmem:s17+$0x70];
	v37 =	vadd.f32 v24, v37  }
0x387: {  	s13 =	sadd.s32 $0x4, s13;
	v24 =	vld [tilespmem:s17+$0xFFFFFF80];
	v27 =	vadd.f32 v30, v27  }
0x388: {  	p0 =	slt.u32 s13, $0x4C;
	v30 =	vld [tilespmem:s4+$0xFFFFFF90];
	v25 =	vadd.f32 v25, v37  }
0x389: {  	v35 =	vmul.bf16 v35, v38;
	v37 =	vld [tilespmem:s17+$0xFFFFFF90];
	v27 =	vadd.f32 v27, v28  }
0x38a: {  	v31 =	vmul.bf16 v36, v31;
	v28 =	vld [tilespmem:s4+$0xFFFFFFA0];
	v25 =	vadd.f32 v26, v25  }
0x38b: {  	v36 =	vshll.u32 v35, $0x10;
	v29 =	vmul.bf16 v29, v32;
	v26 =	vld [tilespmem:s17+$0xFFFFFFA0];
	v32 =	vmul.bf16 v33, v34;
	[tilespmem:s12+$0x0] =	vst v27  }
0x38c: {  	v33 =	vand.u32 $0xFFFF0000, v35;
	v34 =	vshll.u32 v31, $0x10;
	v31 =	vand.u32 $0xFFFF0000, v31;
	v27 =	vld [tilespmem:s4+$0xFFFFFFB0];
	[tilespmem:s12+$0xFFFFFFDE] =	vst v25  }
0x38d: {  	v35 =	vshll.u32 v29, $0x10;
	v29 =	vand.u32 $0xFFFF0000, v29;
	v25 =	vld [tilespmem:s17+$0xFFFFFFB0];
	v38 =	vshll.u32 v32, $0x10  }
0x38e: {  	v33 =	vadd.f32 v33, v36;
	v31 =	vadd.f32 v31, v34;
	v32 =	vand.u32 $0xFFFF0000, v32;
	v39 =	vld [tilespmem:s4+$0xFFFFFFC0]  }
0x38f: {  	v29 =	vadd.f32 v29, v35;
	v30 =	vmul.bf16 v37, v30;
	v32 =	vadd.f32 v32, v38;
	v34 =	vld [tilespmem:s17+$0xFFFFFFC0]  }
0x390: {  	v26 =	vmul.bf16 v26, v28;
	v28 =	vld [tilespmem:s4+$0xFFFFFFD0]  }
0x391: {  	v31 =	vadd.f32 v31, v33;
	v35 =	vshll.u32 v30, $0x10;
	v29 =	vadd.f32 v32, v29;
	v36 =	vld [tilespmem:s17+$0xFFFFFFD0]  }
0x392: {  	v30 =	vand.u32 $0xFFFF0000, v30;
	v32 =	vshll.u32 v26, $0x10;
	v27 =	vmul.bf16 v25, v27;
	v33 =	vld [tilespmem:s4+$0xFFFFFFE0]  }
0x393: {  	v26 =	vand.u32 $0xFFFF0000, v26;
	v25 =	vadd.f32 v30, v35;
	v29 =	vadd.f32 v29, v31;
	v30 =	vld [tilespmem:s17+$0xFFFFFFE0]  }
0x394: {  	s12 =	sadd.s32 $0x44, s12;
	v31 =	vshll.u32 v27, $0x10;
	v27 =	vand.u32 $0xFFFF0000, v27;
	v34 =	vmul.bf16 v34, v39;
	v35 =	vld [tilespmem:s4+$0xFFFFFFF0]  }
0x395: {  	s5 =	simm.s32 $0x0;
	v26 =	vadd.f32 v26, v32;
	v27 =	vadd.f32 v27, v31;
	v31 =	vld [tilespmem:s17+$0xFFFFFFF0];
	[tilespmem:s12+$0x11] =	vst v29  }
0x396: {  	v29 =	vshll.u32 v34, $0x10;
	v32 =	vand.u32 $0xFFFF0000, v34;
	v28 =	vmul.bf16 v36, v28;
	v34 =	vld [tilespmem:s4+$0x0]  }
0x397: {  	v26 =	vadd.f32 v27, v26;
	v27 =	vadd.f32 v32, v29;
	v32 =	vld [tilespmem:s17+$0x0]  }
0x398: {  	v29 =	vshll.u32 v28, $0x10;
	v28 =	vand.u32 $0xFFFF0000, v28;
	v30 =	vmul.bf16 v30, v33;
	v36 =	vld [tilespmem:s4+$0x10]  }
0x399: {  	v33 =	vadd.f32 v28, v29;
	v38 =	vld [tilespmem:s17+$0x10]  }
.Ltmp9:
0x39a: {  	v28 =	vshll.u32 v30, $0x10;
	v30 =	vand.u32 $0xFFFF0000, v30;
	v35 =	vmul.bf16 v31, v35;
	v29 =	vld [tilespmem:s4+$0x20];
	(pc) =	sbr.rel @p0 .LBB2_20-.Ltmp9, $4  }
0x39b: {  	v28 =	vadd.f32 v30, v28;
	v27 =	vadd.f32 v33, v27;
	v31 =	vld [tilespmem:s17+$0x20]  }
0x39c: {  	v33 =	vshll.u32 v35, $0x10;
	v35 =	vand.u32 $0xFFFF0000, v35;
	v37 =	vmul.bf16 v32, v34;
	v30 =	vld [tilespmem:s4+$0x30]  }
0x39d: {  	v34 =	vadd.f32 v35, v33;
	v32 =	vld [tilespmem:s17+$0x30]  }
0x39e: {  	v33 =	vld [tilespmem:s4+$0xFFFFFF80];
	v35 =	vshll.u32 v37, $0x10;
	v37 =	vand.u32 $0xFFFF0000, v37;
	v36 =	vmul.bf16 v38, v36;
	s4 =	sadd.s32 $0x100, s4  }
0x39f: {  	v28 =	vadd.f32 v34, v28;
	v56 =	vadd.s32 s5, v16  }
0x3a0: {  	v57 =	vadd.s32 s5, v17;
	v58 =	vadd.s32 s5, v18;
	v59 =	vadd.s32 s5, v19  }
0x3a1: {  	v38 =	vshll.u32 v36, $0x10;
	v52 =	vand.u32 $0xFFFF0000, v36;
	v29 =	vmul.bf16 v31, v29  }
0x3a2: {  	v31 =	vadd.f32 v37, v35;
	v53 =	vadd.f32 v52, v38;
	v30 =	vmul.bf16 v32, v30  }
0x3a3: {  	v54 =	vshll.u32 v29, $0x10;
	v29 =	vand.u32 $0xFFFF0000, v29;
	v24 =	vmul.bf16 v24, v33  }
0x3a4: {  	v29 =	vadd.f32 v29, v54;
	v55 =	vshll.u32 v30, $0x10;
	v30 =	vand.u32 $0xFFFF0000, v30  }
0x3a5: {  	v33 =	vshll.u32 v24, $0x10;
	v24 =	vand.u32 $0xFFFF0000, v24;
	v30 =	vadd.f32 v30, v55  }
0x3a6: {  	v60 =	vadd.s32 s5, v20;
	v32 =	vand.u32 $0xFF8, v56;
	v24 =	vadd.f32 v24, v33  }
0x3a7: {  	v31 =	vadd.f32 v53, v31;
	v32 =	vor.u32 v1, v32;
	v29 =	vadd.f32 v30, v29  }
0x3a8: {  	v33 =	vand.u32 $0xFF8, v57;
	v24 =	vadd.f32 v25, v24;
	v25 =	vadd.f32 v28, v27  }
0x3a9: {  	v34 =	vand.u32 $0xFF8, v58;
	v33 =	vor.u32 v3, v33;
	v27 =	vadd.f32 v29, v31  }
0x3aa: {  	v35 =	vand.u32 $0xFF8, v59;
	v34 =	vor.u32 v5, v34;
	v24 =	vadd.f32 v26, v24;
	[tilespmem:s12+$0xFFFFFFEF] =	vst v25  }
0x3ab: {  	v62 =	vadd.s32 s5, v22;
	v36 =	vand.u32 $0xFF8, v60;
	v35 =	vor.u32 v7, v35;
	[tilespmem:s12+$0x0] =	vst v27  }
0x3ac: {  	v39 =	vadd.s32 s5, v23;
	v36 =	vor.u32 v9, v36;
	v38 =	vand.u32 $0xFF8, v62;
	[tilespmem:s12+$0xFFFFFFDE] =	vst v24  }
0x3ad: {  	v39 =	vand.u32 $0xFF8, v39;
	v38 =	vor.u32 v13, v38;
	v30 =	vadd.s32 s5, v6;
	v32 =	vld.idx.msk [tilespmem:v32+s28+$0x0], $0xffff  }
0x3ae: {  	v39 =	vor.u32 v15, v39;
	v28 =	vadd.s32 s5, v0;
	v30 =	vand.u32 $0xFF8, v30;
	v33 =	vld.idx.msk [tilespmem:v33+s28+$0x0], $0xffff  }
0x3af: {  	v28 =	vand.u32 $0xFF8, v28;
	v29 =	vadd.s32 s5, v4;
	v30 =	vor.u32 v7, v30;
	v34 =	vld.idx.msk [tilespmem:v34+s28+$0x0], $0xffff  }
0x3b0: {  	v31 =	vadd.s32 s5, v14;
	v28 =	vor.u32 v1, v28;
	v29 =	vand.u32 $0xFF8, v29;
	v35 =	vld.idx.msk [tilespmem:v35+s28+$0x0], $0xffff  }
0x3b1: {  	v26 =	vadd.s32 s5, v2;
	v31 =	vand.u32 $0xFF8, v31;
	v29 =	vor.u32 v5, v29;
	v36 =	vld.idx.msk [tilespmem:v36+s28+$0x0], $0xffff  }
0x3b2: {  	v25 =	vadd.s32 s5, v8;
	v26 =	vand.u32 $0xFF8, v26;
	v31 =	vor.u32 v15, v31;
	v38 =	vld.idx.msk [tilespmem:v38+s28+$0x0], $0xffff  }
0x3b3: {  	v27 =	vadd.s32 s5, v10;
	v25 =	vand.u32 $0xFF8, v25;
	v26 =	vor.u32 v3, v26;
	v39 =	vld.idx.msk [tilespmem:v39+s28+$0x0], $0xffff  }
0x3b4: {  	v24 =	vadd.s32 s5, v12;
	v27 =	vand.u32 $0xFF8, v27;
	v25 =	vor.u32 v9, v25;
	v30 =	vld.idx.msk [tilespmem:v30+s28+$0x0], $0xffff  }
0x3b5: {  	v61 =	vadd.s32 s5, v21;
	v24 =	vand.u32 $0xFF8, v24;
	v27 =	vor.u32 v11, v27;
	v28 =	vld.idx.msk [tilespmem:v28+s28+$0x0], $0xffff  }
0x3b6: {  	s4 =	simm.s32 $0x110;
	v37 =	vand.u32 $0xFF8, v61;
	v24 =	vor.u32 v13, v24;
	v29 =	vld.idx.msk [tilespmem:v29+s28+$0x0], $0xffff  }
0x3b7: {  	v40 =	vadd.s32 s4, v0;
	v37 =	vor.u32 v11, v37;
	v31 =	vld.idx.msk [tilespmem:v31+s28+$0x0], $0xffff  }
0x3b8: {  	v41 =	vadd.s32 s4, v2;
	v42 =	vadd.s32 s4, v4;
	v43 =	vadd.s32 s4, v6;
	v26 =	vld.idx.msk [tilespmem:v26+s28+$0x0], $0xffff  }
0x3b9: {  	v44 =	vadd.s32 s4, v8;
	v45 =	vadd.s32 s4, v10;
	v46 =	vadd.s32 s4, v12;
	v25 =	vld.idx.msk [tilespmem:v25+s28+$0x0], $0xffff  }
0x3ba: {  	v48 =	vadd.s32 s4, v16;
	v60 =	vadd.s32 s4, v22;
	v52 =	vadd.s32 s4, v20;
	v27 =	vld.idx.msk [tilespmem:v27+s28+$0x0], $0xffff  }
0x3bb: {  	v40 =	vand.u32 $0xFF8, v40;
	v41 =	vand.u32 $0xFF8, v41;
	v42 =	vand.u32 $0xFF8, v42;
	v24 =	vld.idx.msk [tilespmem:v24+s28+$0x0], $0xffff  }
0x3bc: {  	v43 =	vand.u32 $0xFF8, v43;
	v45 =	vand.u32 $0xFF8, v45;
	v63 =	vor.u32 v5, v42;
	v37 =	vld.idx.msk [tilespmem:v37+s28+$0x0], $0xffff  }
0x3bd: {  	v43 =	vor.u32 v7, v43;
	v61 =	vand.u32 $0xFF8, v52;
	v53 =	vand.u32 $0xFF8, v48  }
0x3be: {  	v54 =	vor.u32 v1, v53;
	v42 =	vadd.f32 v39, v38;
	v26 =	vadd.f32 v26, v28  }
0x3bf: {  	v39 =	vor.u32 v9, v61;
	v28 =	vadd.f32 v30, v29;
	v30 =	vadd.f32 v33, v32  }
0x3c0: {  	v38 =	vand.u32 $0xFF8, v60;
	v25 =	vadd.f32 v27, v25;
	v24 =	vadd.f32 v31, v24  }
0x3c1: {  	v27 =	vor.u32 v3, v41;
	v41 =	vadd.f32 v37, v36;
	v31 =	vadd.f32 v35, v34  }
0x3c2: {  	v38 =	vor.u32 v13, v38;
	v26 =	vadd.f32 v28, v26;
	v24 =	vadd.f32 v24, v25  }
0x3c3: {  	v40 =	vor.u32 v1, v40;
	v28 =	vadd.f32 v31, v30;
	v30 =	vadd.f32 v42, v41  }
0x3c4: {  	v47 =	vadd.s32 s4, v14;
	v29 =	vand.u32 $0xFF8, v46;
	v46 =	vor.u32 v11, v45;
	v32 =	vld.idx.msk [tilespmem:v54+s28+$0x0], $0xffff  }
0x3c5: {  	v51 =	vadd.s32 s4, v19;
	v39 =	vld.idx.msk [tilespmem:v39+s28+$0x0], $0xffff;
	v24 =	vadd.f32 v24, v26;
	v26 =	vadd.f32 v30, v28  }
0x3c6: {  	v49 =	vadd.s32 s4, v17;
	v50 =	vadd.s32 s4, v18;
	v59 =	vand.u32 $0xFF8, v51;
	v35 =	vld.idx.msk [tilespmem:v43+s28+$0x0], $0xffff  }
0x3c7: {  	v56 =	vadd.s32 s4, v21;
	v29 =	vor.u32 v13, v29;
	v38 =	vld.idx.msk [tilespmem:v38+s28+$0x0], $0xffff;
	v24 =	vadd.f32 v26, v24  }
0x3c8: {  	v44 =	vand.u32 $0xFF8, v44;
	v37 =	vor.u32 v7, v59;
	v36 =	vand.u32 $0xFF8, v56;
	v31 =	vld.idx.msk [tilespmem:v40+s28+$0x0], $0xffff  }
0x3c9: {  	v62 =	vadd.s32 s4, v23;
	v36 =	vor.u32 v11, v36;
	v33 =	vld.idx.msk [tilespmem:v46+s28+$0x0], $0xffff;
	v24 =	vsub.f32 $0.0e+00, v24  }
0x3ca: {  	v47 =	vand.u32 $0xFF8, v47;
	v25 =	vor.u32 v9, v44;
	v40 =	vand.u32 $0xFF8, v62;
	v27 =	vld.idx.msk [tilespmem:v27+s28+$0x0], $0xffff  }
0x3cb: {  	v57 =	vand.u32 $0xFF8, v50;
	v40 =	vor.u32 v15, v40;
	v28 =	vld.idx.msk [tilespmem:v63+s28+$0x0], $0xffff;
	v24 =	vmul.f32 $1.442695020e+00, v24  }
0x3cc: {  	s31 =	simm.s32 $0x220;
	v55 =	vand.u32 $0xFF8, v49;
	v58 =	vor.u32 v5, v57;
	v30 =	vor.u32 v15, v47;
	v29 =	vld.idx.msk [tilespmem:v29+s28+$0x0], $0xffff  }
0x3cd: {  	v57 =	vadd.s32 s31, v14;
	v60 =	vadd.s32 s31, v18;
	v37 =	vld.idx.msk [tilespmem:v37+s28+$0x0], $0xffff;
	(erf) = vpow2.f32 v24  }
0x3ce: {  	v61 =	vadd.s32 s31, v19;
	v54 =	vand.u32 $0xFF8, v57;
	v36 =	vld.idx.msk [tilespmem:v36+s28+$0x0], $0xffff;
	v26 =	vor.u32 v3, v55  }
0x3cf: {  	v56 =	vadd.s32 s31, v12;
	v34 =	vadd.s32 s31, v2;
	v43 =	vadd.s32 s31, v6;
	v25 =	vld.idx.msk [tilespmem:v25+s28+$0x0], $0xffff  }
0x3d0: {  	v59 =	vadd.s32 s31, v17;
	v34 =	vand.u32 $0xFF8, v34;
	v43 =	vand.u32 $0xFF8, v43;
	v40 =	vld.idx.msk [tilespmem:v40+s28+$0x0], $0xffff  }
0x3d1: {  	v41 =	vadd.s32 s31, v0;
	v42 =	vadd.s32 s31, v4;
	v44 =	vadd.s32 s31, v8;
	v30 =	vld.idx.msk [tilespmem:v30+s28+$0x0], $0xffff  }
0x3d2: {  	v42 =	vand.u32 $0xFF8, v42;
	v44 =	vand.u32 $0xFF8, v44;
	v63 =	vadd.s32 s31, v10;
	v24 =	vld.idx.msk [tilespmem:v58+s28+$0x0], $0xffff  }
0x3d3: {  	v46 =	vand.u32 $0xFF8, v56;
	v45 =	vand.u32 $0xFF8, v63;
	v63 =	vor.u32 v5, v42;
	v26 =	vld.idx.msk [tilespmem:v26+s28+$0x0], $0xffff  }
0x3d4: {  	v42 =	vor.u32 v7, v43;
	v27 =	vadd.f32 v27, v31;
	v31 =	vor.u32 v3, v34  }
0x3d5: {  	v28 =	vadd.f32 v35, v28;
	v58 =	vadd.s32 s31, v16;
	v25 =	vadd.f32 v33, v25  }
0x3d6: {  	v53 =	vadd.f32 v40, v38;
	v55 =	vand.u32 $0xFF8, v58;
	v29 =	vadd.f32 v30, v29;
	v30 =	vpop (erf)  }
0x3d7: {  	v57 =	vor.u32 v1, v55;
	v43 =	vadd.f32 v37, v24;
	v24 =	vadd.f32 $1.000000000e+00, v30  }
0x3d8: {  	v26 =	vadd.f32 v26, v32;
	v30 =	vor.u32 v9, v44;
	v44 =	vadd.f32 v36, v39  }
0x3d9: {  	v27 =	vadd.f32 v28, v27;
	v28 =	vadd.f32 v29, v25;
	(erf) = vrcp.f32 v24  }
0x3da: {  	v29 =	vor.u32 v11, v45;
	v25 =	vld.idx.msk [tilespmem:v31+s28+$0x0], $0xffff;
	v34 =	vadd.f32 v43, v26;
	v35 =	vadd.f32 v53, v44  }
0x3db: {  	v62 =	vadd.s32 s31, v20;
	v31 =	vor.u32 v13, v46;
	v56 =	vadd.f32 v28, v27;
	v27 =	vld.idx.msk [tilespmem:v42+s28+$0x0], $0xffff  }
0x3dc: {  	v41 =	vand.u32 $0xFF8, v41;
	v26 =	vld.idx.msk [tilespmem:v63+s28+$0x0], $0xffff;
	v36 =	vor.u32 v15, v54;
	v34 =	vadd.f32 v35, v34  }
0x3dd: {  	v41 =	vor.u32 v1, v41;
	v58 =	vand.u32 $0xFF8, v59;
	v59 =	vadd.s32 s31, v21;
	v32 =	vld.idx.msk [tilespmem:v57+s28+$0x0], $0xffff  }
0x3de: {  	v33 =	vor.u32 v3, v58;
	v28 =	vld.idx.msk [tilespmem:v30+s28+$0x0], $0xffff;
	v30 =	vand.u32 $0xFF8, v60;
	v38 =	vadd.f32 v34, v56  }
0x3df: {  	v37 =	vand.u32 $0xFF8, v59;
	v29 =	vld.idx.msk [tilespmem:v29+s28+$0x0], $0xffff;
	v60 =	vand.u32 $0xFF8, v61;
	v34 =	vor.u32 v5, v30  }
0x3e0: {  	v62 =	vand.u32 $0xFF8, v62;
	v30 =	vld.idx.msk [tilespmem:v31+s28+$0x0], $0xffff;
	v35 =	vor.u32 v7, v60;
	v63 =	vsub.f32 $0.0e+00, v38  }
0x3e1: {  	v40 =	vadd.s32 s31, v23;
	v61 =	vadd.s32 s31, v22;
	v31 =	vld.idx.msk [tilespmem:v36+s28+$0x0], $0xffff;
	v36 =	vor.u32 v9, v62  }
0x3e2: {  	s4 =	simm.s32 $0x330;
	v24 =	vld.idx.msk [tilespmem:v41+s28+$0x0], $0xffff;
	v41 =	vand.u32 $0xFF8, v61;
	v38 =	vor.u32 v11, v37;
	v39 =	vmul.f32 $1.442695020e+00, v63;
	v37 =	vpop (erf)  }
.LBB2_22:
0x3e3: {  	p0 =	sne.s32 s4, $0x440;
	v33 =	vld.idx.msk [tilespmem:v33+s28+$0x0], $0xffff;
	v41 =	vor.u32 v13, v41;
	v40 =	vand.u32 $0xFF8, v40;
	[tilespmem:s1+$0x0] =	vst v37  }
0x3e4: {  	v37 =	vadd.s32 s4, v0;
	v34 =	vld.idx.msk [tilespmem:v34+s28+$0x0], $0xffff;
	v40 =	vor.u32 v15, v40;
	(erf) = vpow2.f32 v39  }
0x3e5: {  	v42 =	vadd.s32 s4, v4;
	v43 =	vadd.s32 s4, v6;
	v39 =	vadd.s32 s4, v2;
	v35 =	vld.idx.msk [tilespmem:v35+s28+$0x0], $0xffff  }
0x3e6: {  	v44 =	vadd.s32 s4, v8;
	v45 =	vadd.s32 s4, v10;
	v46 =	vadd.s32 s4, v12;
	v36 =	vld.idx.msk [tilespmem:v36+s28+$0x0], $0xffff  }
0x3e7: {  	v47 =	vadd.s32 s4, v14;
	v48 =	vadd.s32 s4, v16;
	v49 =	vadd.s32 s4, v17;
	v38 =	vld.idx.msk [tilespmem:v38+s28+$0x0], $0xffff  }
0x3e8: {  	v50 =	vadd.s32 s4, v18;
	v51 =	vadd.s32 s4, v19;
	v52 =	vadd.s32 s4, v20;
	v41 =	vld.idx.msk [tilespmem:v41+s28+$0x0], $0xffff  }
0x3e9: {  	v37 =	vand.u32 $0xFF8, v37;
	v42 =	vand.u32 $0xFF8, v42;
	v39 =	vand.u32 $0xFF8, v39;
	v40 =	vld.idx.msk [tilespmem:v40+s28+$0x0], $0xffff  }
0x3ea: {  	v43 =	vand.u32 $0xFF8, v43;
	v44 =	vand.u32 $0xFF8, v44;
	v45 =	vand.u32 $0xFF8, v45  }
0x3eb: {  	v24 =	vadd.f32 v25, v24;
	v46 =	vand.u32 $0xFF8, v46;
	v37 =	vor.u32 v1, v37  }
0x3ec: {  	v26 =	vadd.f32 v27, v26;
	v27 =	vadd.f32 v29, v28;
	v25 =	vor.u32 v3, v39  }
0x3ed: {  	v28 =	vor.u32 v5, v42;
	v29 =	vadd.f32 v31, v30;
	v30 =	vadd.f32 v33, v32;
	v31 =	vpop (erf)  }
0x3ee: {  	v32 =	vor.u32 v7, v43;
	v33 =	vadd.f32 v35, v34;
	v31 =	vadd.f32 $1.000000000e+00, v31  }
0x3ef: {  	v34 =	vor.u32 v9, v44;
	v35 =	vadd.f32 v38, v36;
	v36 =	vadd.f32 v40, v41  }
0x3f0: {  	v27 =	vadd.f32 v29, v27;
	v38 =	vadd.f32 v26, v24;
	(erf) = vrcp.f32 v31  }
0x3f1: {  	v29 =	vor.u32 v11, v45;
	v30 =	vadd.f32 v33, v30;
	v31 =	vadd.f32 v36, v35;
	v24 =	vld.idx.msk [tilespmem:v37+s28+$0x0], $0xffff  }
0x3f2: {  	v33 =	vand.u32 $0xFF8, v47;
	v35 =	vor.u32 v13, v46;
	v36 =	vand.u32 $0xFF8, v48;
	v25 =	vld.idx.msk [tilespmem:v25+s28+$0x0], $0xffff  }
0x3f3: {  	v38 =	vadd.f32 v27, v38;
	v37 =	vor.u32 v15, v33;
	v30 =	vadd.f32 v31, v30;
	v26 =	vld.idx.msk [tilespmem:v28+s28+$0x0], $0xffff  }
0x3f4: {  	v39 =	vadd.s32 s4, v21;
	v31 =	vand.u32 $0xFF8, v49;
	v27 =	vld.idx.msk [tilespmem:v32+s28+$0x0], $0xffff;
	v32 =	vor.u32 v1, v36  }
.Ltmp10:
0x3f5: {  	v33 =	vor.u32 v3, v31;
	v31 =	vand.u32 $0xFF8, v50;
	v36 =	vadd.f32 v30, v38;
	v28 =	vld.idx.msk [tilespmem:v34+s28+$0x0], $0xffff;
	(pc) =	sbr.rel @p0 .LBB2_22-.Ltmp10, $4  }
0x3f6: {  	v41 =	vadd.s32 s4, v22;
	v34 =	vor.u32 v5, v31;
	v31 =	vand.u32 $0xFF8, v51;
	v29 =	vld.idx.msk [tilespmem:v29+s28+$0x0], $0xffff  }
0x3f7: {  	v38 =	vand.u32 $0xFF8, v52;
	v42 =	vsub.f32 $0.0e+00, v36;
	v30 =	vld.idx.msk [tilespmem:v35+s28+$0x0], $0xffff;
	v35 =	vor.u32 v7, v31  }
0x3f8: {  	v43 =	vand.u32 $0xFF8, v39;
	v40 =	vadd.s32 s4, v23;
	v36 =	vor.u32 v9, v38;
	v31 =	vld.idx.msk [tilespmem:v37+s28+$0x0], $0xffff  }
0x3f9: {  	s1 =	sadd.s32 $0x10, s1;
	s4 =	sadd.s32 $0x110, s4;
	v41 =	vand.u32 $0xFF8, v41;
	v38 =	vor.u32 v11, v43;
	v39 =	vmul.f32 $1.442695020e+00, v42;
	v32 =	vld.idx.msk [tilespmem:v32+s28+$0x0], $0xffff;
	v37 =	vpop (erf)  }
0x3fa: {  	_ =	sdelay $0x3  }
0x3fb: {  	v33 =	vld.idx.msk [tilespmem:v33+s28+$0x0], $0xffff;
	v41 =	vor.u32 v13, v41;
	v40 =	vand.u32 $0xFF8, v40  }
0x3fc: {  	v34 =	vld.idx.msk [tilespmem:v34+s28+$0x0], $0xffff;
	v40 =	vor.u32 v15, v40  }
0x3fd: {  	v35 =	vld.idx.msk [tilespmem:v35+s28+$0x0], $0xffff  }
0x3fe: {  	v36 =	vld.idx.msk [tilespmem:v36+s28+$0x0], $0xffff  }
0x3ff: {  	v38 =	vld.idx.msk [tilespmem:v38+s28+$0x0], $0xffff  }
0x400: {  	v41 =	vld.idx.msk [tilespmem:v41+s28+$0x0], $0xffff  }
0x401: {  	v40 =	vld.idx.msk [tilespmem:v40+s28+$0x0], $0xffff;
	_ =	sdelay $0x1  }
0x402: {  	v24 =	vadd.f32 v25, v24;
	v49 =	vadd.f32 v27, v26  }
0x403: {  	v50 =	vadd.f32 v29, v28;
	v51 =	vadd.f32 v31, v30  }
0x404: {  	(erf) = vpow2.f32 v39;
	v52 =	vadd.f32 v33, v32;
	v53 =	vadd.f32 v35, v34  }
0x405: {  	v54 =	vadd.f32 v38, v36;
	v55 =	vadd.f32 v40, v41  }
0x406: {  	v24 =	vadd.f32 v49, v24;
	v56 =	vadd.f32 v51, v50  }
0x407: {  	v57 =	vadd.f32 v53, v52;
	v58 =	vadd.f32 v55, v54;
	_ =	sdelay $0x1  }
0x408: {  	v24 =	vadd.f32 v56, v24;
	v59 =	vadd.f32 v58, v57;
	_ =	sdelay $0x1  }
0x409: {  	v24 =	vadd.f32 v59, v24;
	_ =	sdelay $0x1  }
0x40a: {  	v60 =	vpop (erf);
	v24 =	vsub.f32 $0.0e+00, v24  }
0x40b: {  	v25 =	vadd.f32 $1.000000000e+00, v60  }
0x40c: {  	v24 =	vmul.f32 $1.442695020e+00, v24  }
0x40d: {  	(erf) = vrcp.f32 v25  }
0x40e: {  	(erf) = vpow2.f32 v24;
	_ =	sdelay $0x7  }
0x40f: {  	v61 =	vpop (erf)  }
0x410: {  	v62 =	vpop (erf)  }
0x411: {  	v25 =	vadd.f32 $1.000000000e+00, v62;
	_ =	sdelay $0x1  }
0x412: {  	(erf) = vrcp.f32 v25;
	_ =	sdelay $0x7  }
0x413: {  	[tilespmem:s1+$0x0] =	vst v37;
	s19 =	sadd.s32 $0x10, s1;
	s0 =	sadd.s32 $0x1, s0  }
0x414: {  	s1 =	sadd.s32 $0x10, s19;
	p0 =	sne.s32 s0, s9;
	[tilespmem:s19+$0x0] =	vst v61;
	v63 =	vpop (erf)  }
.Ltmp11:
0x415: {  	s31 =	simm.s32 $0x19500;
	[tilespmem:s1+$0x0] =	vst v63;
	(pc) =	sbr.rel @p0 .LBB2_1-.Ltmp11, $4  }
0x416: {  	[hbm4b:s8+s3] =	stream.linear.scatter [tilespmem:s31], [sflag:$0x5], $0x2710, $0x38;
	[tilespmem:$0x1BC10] =	vst v63  }
0x417: {  	_ =	swait.ge [sflag:s11], $0x2710  }
0x418: {  	[sflag:s11] =	ssyncset.done $0x0  }
0x419: {  	[sflag:s11] =	ssyncadd.s32 $0xFFFFD8F0  }
0x41a: {  	_ =	sfence.sel $0x180000  }
0x41b: {  	[bflag:$0x0] =	sbarrier.arrive $0xFFFF  }
0x41c: {  	_ =	strace $0x90000047  }
0x41d: {  	s0 =	stileid.u32;
	[bflag:$0x2] =	sbarrier.arrive $0xFFFF  }
0x41e: {  	p0 =	sne.s32 s0, $0x0;
	s0 =	rddreg [dreg:$0x3]  }
0x41f: {  	s0 =	sadd.s32 @!p0 $0x100000, s0  }
0x420: {  	[sflag:s0] =	ssyncadd.tile.s32 @!p0 $0x1;
	_ =	shalt  }
.Lfunc_end2:
_tile_overlayer_lowered:
.L_overlay_start_2:
0x421: {  	(tag) =	ssettag $0x2  }
0x422: {  	s0 =	rddreg [dreg:$0x0];
	s2 =	stileid.u32  }
0x423: {  	s1 =	rddreg [dreg:$0x1];
	p0 =	sne.s32 s2, $0x0  }
0x424: {  	s3 =	rddreg [dreg:$0x2];
	[bflag:$0x3] =	sbarrier.arrive $0xFFFF;
	s2 =	simm.s32 @!p0 $0x1C05  }
0x425: {  	[timem:s3], [sflag:s2] =	dma.local @!p0 [hbm:s0], s1  }
0x426: {  	s0 =	simm.s32 @!p0 $0x5  }
0x427: {  	_ =	swait.ge @!p0 [sflag:s0], s1  }
0x428: {  	s1 =	ssub.s32 @!p0 $0x0, s1;
	[sflag:s0] =	ssyncset.done @!p0 $0x0  }
0x429: {  	[sflag:s0] =	ssyncadd.s32 @!p0 s1  }
0x42a: {  	[bflag:$0x3] =	sbarrier.arrive $0xFFFF  }
0x42b: {  	_ =	shalt  }

</sc_bundles>
